<compile_context>
chip_gen: v7x
topology: tpu7x:2x2x1
jax: 0.10.2.dev20260603
libtpu: 0.0.44.dev20260713+nightly
codegen_flags: <defaults>
</compile_context>

<pallas_src>
import functools

import jax
import jax.numpy as jnp
from jax import lax
from jax.experimental import pallas as pl
from jax.experimental.pallas import tpu as pltpu
from jax.experimental.pallas import tpu_sc as plsc

N_ROWS = 50000
N_COLS = 80
CHUNK_ROWS = 80
N_CHUNKS = N_ROWS // CHUNK_ROWS
N_WORKERS = 32
MAX_CHUNKS_PER_WORKER = 20

_L1P = (6.944574124645442e-05, 0.9962619482337944, -0.46644243862756857,
        0.21866548366222538, -0.055459313742082655)
_LOG2E = 1.4426950408889634

_SIGN = -2147483648


def _poly_l1p(u):
    p = jnp.full((16,), _L1P[-1], jnp.float32)
    for c in _L1P[-2::-1]:
        p = p * u + jnp.float32(c)
    return p


def _base_sig(x):
    neg_abs = plsc.bitcast(plsc.bitcast(x, jnp.int32) | jnp.int32(_SIGN),
                           jnp.float32)
    u = jnp.exp(neg_abs)
    base = jnp.maximum(x, jnp.float32(0)) + _poly_l1p(u)
    r = jnp.float32(1) / (jnp.float32(1) + u)
    sig = r * jnp.exp(jnp.minimum(x, jnp.float32(0)))
    return base, sig


def _qfl_body(x_hbm, lbl_hbm, sco_hbm, wgt_hbm, out_hbm,
              xb0, xb1, lb0, lb1, sb0, sb1, wb0, wb1, acc_ref,
              sem0, sem1):
    core = lax.axis_index("c")
    sub = lax.axis_index("s")
    wid = sub * 2 + core
    nch = jnp.where(wid < 17, 20, 19)

    iota = lax.iota(jnp.int32, 16)
    acc_ref[...] = jnp.zeros((16,), jnp.float32)

    bufs = ((xb0, lb0, sb0, wb0, sem0), (xb1, lb1, sb1, wb1, sem1))

    def issue(n, slot):
        xb, lb, sb, wb, sem = bufs[slot]
        cid = wid + n * N_WORKERS
        r0 = cid * CHUNK_ROWS
        pltpu.async_copy(x_hbm.at[pl.ds(r0, CHUNK_ROWS)], xb, sem)
        pltpu.async_copy(lbl_hbm.at[pl.ds(r0, CHUNK_ROWS)], lb, sem)
        pltpu.async_copy(sco_hbm.at[pl.ds(r0, CHUNK_ROWS)], sb, sem)
        pltpu.async_copy(wgt_hbm.at[pl.ds(r0, CHUNK_ROWS)], wb, sem)

    def wait(slot):
        xb, lb, sb, wb, sem = bufs[slot]
        pltpu.make_async_copy(x_hbm.at[pl.ds(0, CHUNK_ROWS)], xb, sem).wait()
        pltpu.make_async_copy(lbl_hbm.at[pl.ds(0, CHUNK_ROWS)], lb, sem).wait()
        pltpu.make_async_copy(sco_hbm.at[pl.ds(0, CHUNK_ROWS)], sb, sem).wait()
        pltpu.make_async_copy(wgt_hbm.at[pl.ds(0, CHUNK_ROWS)], wb, sem).wait()

    def row_neg_sum(xb, j):
        terms = []
        for k in range(N_COLS // 16):
            x = xb[j, pl.ds(k * 16, 16)]
            base, sig = _base_sig(x)
            terms.append(base * sig * sig)
        return ((terms[0] + terms[1]) + (terms[2] + terms[3])) + terms[4]

    def process(slot):
        xb, lb, sb, wb, _ = bufs[slot]

        def row_body(i, acc):
            j = 2 * i
            t0 = row_neg_sum(xb, j)
            w0 = plsc.load_gather(wb, [jnp.full((16,), 0, jnp.int32) + j])
            t1 = row_neg_sum(xb, j + 1)
            w1 = plsc.load_gather(wb, [jnp.full((16,), 1, jnp.int32) + j])
            return acc + (t0 * w0 + t1 * w1)

        acc = lax.fori_loop(0, CHUNK_ROWS // 2, row_body,
                            jnp.zeros((16,), jnp.float32))

        for g in range(CHUNK_ROWS // 16):
            rowv = g * 16 + iota
            lbl = lb[pl.ds(g * 16, 16)]
            sco = sb[pl.ds(g * 16, 16)]
            wgt = wb[pl.ds(g * 16, 16)]
            mask = (lbl >= 0) & (lbl < N_COLS)
            safe = jnp.where(mask, lbl, 0)
            xp = plsc.load_gather(xb, [rowv, safe])
            bp, sp = _base_sig(xp)
            d = sco - sp
            corr = (bp - xp * sco) * d * d - bp * sp * sp
            acc = acc + jnp.where(mask, corr, jnp.float32(0)) * wgt
        acc_ref[...] += acc

    issue(0, 0)

    def pair_body(i, carry):
        @pl.when(2 * i + 1 < nch)
        def _():
            issue(2 * i + 1, 1)
        wait(0)
        process(0)

        @pl.when(2 * i + 2 < nch)
        def _():
            issue(2 * i + 2, 0)

        @pl.when(2 * i + 1 < nch)
        def _():
            wait(1)
            process(1)
        return carry

    lax.fori_loop(0, MAX_CHUNKS_PER_WORKER // 2, pair_body, 0)

    pltpu.sync_copy(acc_ref, out_hbm.at[wid])


@functools.partial(jax.jit, static_argnames=())
def _qfl_partials(x, lbl, sco, wgt):
    kfn = pl.kernel(
        _qfl_body,
        out_type=jax.ShapeDtypeStruct((N_WORKERS, 16), jnp.float32),
        mesh=plsc.VectorSubcoreMesh(core_axis_name="c", subcore_axis_name="s"),
        compiler_params=pltpu.CompilerParams(needs_layout_passes=False,
                                             use_tc_tiling_on_sc=True),
        scratch_types=[
            pltpu.VMEM((CHUNK_ROWS, N_COLS), jnp.float32),
            pltpu.VMEM((CHUNK_ROWS, N_COLS), jnp.float32),
            pltpu.VMEM((CHUNK_ROWS,), jnp.int32),
            pltpu.VMEM((CHUNK_ROWS,), jnp.int32),
            pltpu.VMEM((CHUNK_ROWS,), jnp.float32),
            pltpu.VMEM((CHUNK_ROWS,), jnp.float32),
            pltpu.VMEM((CHUNK_ROWS,), jnp.float32),
            pltpu.VMEM((CHUNK_ROWS,), jnp.float32),
            pltpu.VMEM((16,), jnp.float32),
            pltpu.SemaphoreType.DMA,
            pltpu.SemaphoreType.DMA,
        ],
    )
    return kfn(x, lbl, sco, wgt)


def kernel(output, label, score, weight, avg_factor):
    partials = _qfl_partials(output, label.astype(jnp.int32), score, weight)
    return partials.sum() / avg_factor

# --- scband reference (transcript-rebuilt; emitter-appended) ---
"""Pipeline reference for scband-quality-focal-loss-43379169690365 (READ-ONLY COPY).

The authoritative reference and input builder live on the scoring server;
editing this copy changes nothing except your own understanding.
"""

import jax, jax.numpy as jnp
import numpy as np


def _bce_with_logits(x, t):
    # numerically stable binary_cross_entropy_with_logits, reduction='none'
    return jnp.maximum(x, 0.0) - x * t + jnp.log1p(jnp.exp(-jnp.abs(x)))


def setup_inputs(seed: int = 0) -> dict:
    key = jax.random.key(seed)
    k1, k2, k3, k4 = jax.random.split(key, 4)
    N, C = 50000, 80
    output = jax.random.normal(k1, (N, C), dtype=jnp.float32)
    # label in [0, C] ; values == C act as background (not positive)
    label = jax.random.randint(k2, (N,), 0, 81)
    score = jax.random.uniform(k3, (N,), dtype=jnp.float32)
    weight = jax.random.uniform(k4, (N,), dtype=jnp.float32)
    avg_factor = 1000
    return {"output": output, "label": label, "score": score, "weight": weight, "avg_factor": avg_factor}


def reference(output, label, score, weight, avg_factor):
    beta = 2.0
    N, C = output.shape
    output_sig = jax.nn.sigmoid(output)
    # negative branch: BCE against all-zero labels, modulated by sigmoid^beta
    zero_label = jnp.zeros_like(output)
    loss = _bce_with_logits(output, zero_label) * jnp.power(output_sig, beta)
    # positive branch: override loss[pos, pos_label]
    pos_mask = (label >= 0) & (label < C)
    safe_label = jnp.where(pos_mask, label, 0).astype(jnp.int32)
    rows = jnp.arange(N)
    pos_logit = output[rows, safe_label]
    pos_sig = jax.nn.sigmoid(pos_logit)
    scale_factor = score - pos_sig
    pos_loss = _bce_with_logits(pos_logit, score) * jnp.power(jnp.abs(scale_factor), beta)
    cur = loss[rows, safe_label]
    new_vals = jnp.where(pos_mask, pos_loss, cur)
    loss = loss.at[rows, safe_label].set(new_vals)
    loss = loss.sum(axis=1)
    loss = loss * weight
    return loss.sum() / avg_factor

if __name__ == "__main__":
    import jax
    _d = setup_inputs()
    print(jax.jit(kernel)(*tuple(_d.values())))

</pallas_src>

<mosaic_0001>
#map = affine_map<(d0, d1) -> (0, 0)>
#map1 = affine_map<(d0, d1) -> (0)>
module attributes {stable_mosaic.version = 14 : i64} {
  func.func @_qfl_body(%arg0: i32, %arg1: i32, %arg2: memref<50000x80xf32, #tpu.memory_space<hbm>>, %arg3: memref<50000xi32, #tpu.memory_space<hbm>>, %arg4: memref<50000xf32, #tpu.memory_space<hbm>>, %arg5: memref<50000xf32, #tpu.memory_space<hbm>>, %arg6: memref<32x16xf32, #tpu.memory_space<hbm>>, %arg7: memref<80x80xf32, #tpu.memory_space<vmem>>, %arg8: memref<80x80xf32, #tpu.memory_space<vmem>>, %arg9: memref<80xi32, #tpu.memory_space<vmem>>, %arg10: memref<80xi32, #tpu.memory_space<vmem>>, %arg11: memref<80xf32, #tpu.memory_space<vmem>>, %arg12: memref<80xf32, #tpu.memory_space<vmem>>, %arg13: memref<80xf32, #tpu.memory_space<vmem>>, %arg14: memref<80xf32, #tpu.memory_space<vmem>>, %arg15: memref<16xf32, #tpu.memory_space<vmem>>, %arg16: memref<!tpu.dma_semaphore, #tpu.memory_space<semaphore_mem>>, %arg17: memref<!tpu.dma_semaphore, #tpu.memory_space<semaphore_mem>>) attributes {dimension_semantics = [#tpu.dimension_semantics<core_parallel>, #tpu.dimension_semantics<subcore_parallel>], iteration_bounds = array<i64: 2, 16>, scalar_prefetch = 0 : i64, scratch_operands = 11 : i64, tpu.core_type = #tpu.core_type<sc_vector_subcore>, window_params = [{transform_indices = #map}, {transform_indices = #map1}, {transform_indices = #map1}, {transform_indices = #map1}, {transform_indices = #map}]} {
    %mul3A = arith.constant 2 : i32
    %mul3A_0 = arith.muli %arg1, %mul3A : i32
    %add3A = arith.addi %mul3A_0, %arg0 : i32
    %lt3A = arith.constant 17 : i32
    %lt3A_1 = arith.cmpi slt, %add3A, %lt3A : i32
    %jit3A = arith.constant 20 : i32
    %jit3A_2 = arith.constant 19 : i32
    %select_n3A = arith.select %lt3A_1, %jit3A, %jit3A_2 : i32
    %iota3A = tpu.iota {dimensions = array<i32: 0>} : vector<16xi32>
    %broadcast_in_dim3A = arith.constant 0.000000e+00 : f32
    %broadcast_in_dim3A_3 = vector.broadcast %broadcast_in_dim3A : f32 to vector<16xf32>
    %swap3A = arith.constant 0 : index
    %swap3A_4 = tpu.vector_load %arg15[%swap3A] {strides = array<i32>} : memref<16xf32, #tpu.memory_space<vmem>>, vector<16xf32>,
    tpu.vector_store %arg15[%swap3A], %broadcast_in_dim3A_3 {strides = array<i32>} : memref<16xf32, #tpu.memory_space<vmem>>, vector<16xf32>,
    %add3A_5 = arith.constant 0 : i32
    %add3A_6 = arith.addi %add3A, %add3A_5 : i32
    %mul3A_7 = arith.constant 80 : i32
    %mul3A_8 = arith.muli %add3A_6, %mul3A_7 : i32
    %dma_start3A = arith.constant 0 : i32
    %dma_start3A_9 = tpu.memref_slice %arg2[%mul3A_8, %dma_start3A] : memref<50000x80xf32, #tpu.memory_space<hbm>> -> memref<80x80xf32, #tpu.memory_space<hbm>>
    %dma_start3A_10 = arith.constant 0 : i32
    %dma_start3A_11 = tpu.memref_slice %arg2[%mul3A_8, %dma_start3A_10] : memref<50000x80xf32, #tpu.memory_space<hbm>> -> memref<80x80xf32, #tpu.memory_space<hbm>>
    tpu.enqueue_dma source(%dma_start3A_11 : memref<80x80xf32, #tpu.memory_space<hbm>>) target(%arg7 : memref<80x80xf32, #tpu.memory_space<vmem>>) target_semaphore(%arg16 : memref<!tpu.dma_semaphore, #tpu.memory_space<semaphore_mem>>)
    %dma_start3A_12 = tpu.memref_slice %arg3[%mul3A_8] : memref<50000xi32, #tpu.memory_space<hbm>> -> memref<80xi32, #tpu.memory_space<hbm>>
    %dma_start3A_13 = tpu.memref_slice %arg3[%mul3A_8] : memref<50000xi32, #tpu.memory_space<hbm>> -> memref<80xi32, #tpu.memory_space<hbm>>
    tpu.enqueue_dma source(%dma_start3A_13 : memref<80xi32, #tpu.memory_space<hbm>>) target(%arg9 : memref<80xi32, #tpu.memory_space<vmem>>) target_semaphore(%arg16 : memref<!tpu.dma_semaphore, #tpu.memory_space<semaphore_mem>>)
    %dma_start3A_14 = tpu.memref_slice %arg4[%mul3A_8] : memref<50000xf32, #tpu.memory_space<hbm>> -> memref<80xf32, #tpu.memory_space<hbm>>
    %dma_start3A_15 = tpu.memref_slice %arg4[%mul3A_8] : memref<50000xf32, #tpu.memory_space<hbm>> -> memref<80xf32, #tpu.memory_space<hbm>>
    tpu.enqueue_dma source(%dma_start3A_15 : memref<80xf32, #tpu.memory_space<hbm>>) target(%arg11 : memref<80xf32, #tpu.memory_space<vmem>>) target_semaphore(%arg16 : memref<!tpu.dma_semaphore, #tpu.memory_space<semaphore_mem>>)
    %dma_start3A_16 = tpu.memref_slice %arg5[%mul3A_8] : memref<50000xf32, #tpu.memory_space<hbm>> -> memref<80xf32, #tpu.memory_space<hbm>>
    %dma_start3A_17 = tpu.memref_slice %arg5[%mul3A_8] : memref<50000xf32, #tpu.memory_space<hbm>> -> memref<80xf32, #tpu.memory_space<hbm>>
    tpu.enqueue_dma source(%dma_start3A_17 : memref<80xf32, #tpu.memory_space<hbm>>) target(%arg13 : memref<80xf32, #tpu.memory_space<vmem>>) target_semaphore(%arg16 : memref<!tpu.dma_semaphore, #tpu.memory_space<semaphore_mem>>)
    %scan3A = arith.constant 0 : i32
    %scan3A_18 = arith.constant 0 : i32
    %scan3A_19 = arith.constant 10 : i32
    %scan3A_20 = arith.addi %scan3A_18, %scan3A_19 : i32
    %scan3A_21 = arith.constant 1 : i32
    scf.for %scan3A_23 = %scan3A_18 to %scan3A_20 step %scan3A_21  : i32 {
      %mul3A_24 = arith.constant 2 : i32
      %mul3A_25 = arith.muli %mul3A_24, %scan3A_23 : i32
      %add3A_26 = arith.constant 1 : i32
      %add3A_27 = arith.addi %mul3A_25, %add3A_26 : i32
      %lt3A_28 = arith.cmpi slt, %add3A_27, %select_n3A : i32
      %convert_element_type3A = arith.extui %lt3A_28 : i1 to i32
      %cond3A = arith.constant 0 : i32
      %cond3A_29 = arith.cmpi ne, %convert_element_type3A, %cond3A : i32
      scf.if %cond3A_29 {
        %mul3A_425 = arith.constant 2 : i32
        %mul3A_426 = arith.muli %mul3A_425, %scan3A_23 : i32
        %add3A_427 = arith.constant 1 : i32
        %add3A_428 = arith.addi %mul3A_426, %add3A_427 : i32
        %mul3A_429 = arith.constant 32 : i32
        %mul3A_430 = arith.muli %add3A_428, %mul3A_429 : i32
        %add3A_431 = arith.addi %add3A, %mul3A_430 : i32
        %mul3A_432 = arith.constant 80 : i32
        %mul3A_433 = arith.muli %add3A_431, %mul3A_432 : i32
        %dma_start3A_434 = arith.constant 0 : i32
        %dma_start3A_435 = tpu.memref_slice %arg2[%mul3A_433, %dma_start3A_434] : memref<50000x80xf32, #tpu.memory_space<hbm>> -> memref<80x80xf32, #tpu.memory_space<hbm>>
        %dma_start3A_436 = arith.constant 0 : i32
        %dma_start3A_437 = tpu.memref_slice %arg2[%mul3A_433, %dma_start3A_436] : memref<50000x80xf32, #tpu.memory_space<hbm>> -> memref<80x80xf32, #tpu.memory_space<hbm>>
        tpu.enqueue_dma source(%dma_start3A_437 : memref<80x80xf32, #tpu.memory_space<hbm>>) target(%arg8 : memref<80x80xf32, #tpu.memory_space<vmem>>) target_semaphore(%arg17 : memref<!tpu.dma_semaphore, #tpu.memory_space<semaphore_mem>>)
        %dma_start3A_438 = tpu.memref_slice %arg3[%mul3A_433] : memref<50000xi32, #tpu.memory_space<hbm>> -> memref<80xi32, #tpu.memory_space<hbm>>
        %dma_start3A_439 = tpu.memref_slice %arg3[%mul3A_433] : memref<50000xi32, #tpu.memory_space<hbm>> -> memref<80xi32, #tpu.memory_space<hbm>>
        tpu.enqueue_dma source(%dma_start3A_439 : memref<80xi32, #tpu.memory_space<hbm>>) target(%arg10 : memref<80xi32, #tpu.memory_space<vmem>>) target_semaphore(%arg17 : memref<!tpu.dma_semaphore, #tpu.memory_space<semaphore_mem>>)
        %dma_start3A_440 = tpu.memref_slice %arg4[%mul3A_433] : memref<50000xf32, #tpu.memory_space<hbm>> -> memref<80xf32, #tpu.memory_space<hbm>>
        %dma_start3A_441 = tpu.memref_slice %arg4[%mul3A_433] : memref<50000xf32, #tpu.memory_space<hbm>> -> memref<80xf32, #tpu.memory_space<hbm>>
        tpu.enqueue_dma source(%dma_start3A_441 : memref<80xf32, #tpu.memory_space<hbm>>) target(%arg12 : memref<80xf32, #tpu.memory_space<vmem>>) target_semaphore(%arg17 : memref<!tpu.dma_semaphore, #tpu.memory_space<semaphore_mem>>)
        %dma_start3A_442 = tpu.memref_slice %arg5[%mul3A_433] : memref<50000xf32, #tpu.memory_space<hbm>> -> memref<80xf32, #tpu.memory_space<hbm>>
        %dma_start3A_443 = tpu.memref_slice %arg5[%mul3A_433] : memref<50000xf32, #tpu.memory_space<hbm>> -> memref<80xf32, #tpu.memory_space<hbm>>
        tpu.enqueue_dma source(%dma_start3A_443 : memref<80xf32, #tpu.memory_space<hbm>>) target(%arg14 : memref<80xf32, #tpu.memory_space<vmem>>) target_semaphore(%arg17 : memref<!tpu.dma_semaphore, #tpu.memory_space<semaphore_mem>>)
      } else {
      }
      %dma_wait3A = arith.constant 0 : i32
      %dma_wait3A_30 = arith.constant 0 : i32
      %dma_wait3A_31 = tpu.memref_slice %arg2[%dma_wait3A, %dma_wait3A_30] : memref<50000x80xf32, #tpu.memory_space<hbm>> -> memref<80x80xf32, #tpu.memory_space<hbm>>
      %dma_wait3A_32 = arith.constant 0 : i32
      %dma_wait3A_33 = arith.constant 0 : i32
      %dma_wait3A_34 = tpu.memref_slice %arg2[%dma_wait3A_32, %dma_wait3A_33] : memref<50000x80xf32, #tpu.memory_space<hbm>> -> memref<80x80xf32, #tpu.memory_space<hbm>>
      tpu.wait_dma2 semaphore(%arg16 : memref<!tpu.dma_semaphore, #tpu.memory_space<semaphore_mem>>) src(%dma_wait3A_34 : memref<80x80xf32, #tpu.memory_space<hbm>>) dst(%arg7 : memref<80x80xf32, #tpu.memory_space<vmem>>)
      %dma_wait3A_35 = arith.constant 0 : i32
      %dma_wait3A_36 = tpu.memref_slice %arg3[%dma_wait3A_35] : memref<50000xi32, #tpu.memory_space<hbm>> -> memref<80xi32, #tpu.memory_space<hbm>>
      %dma_wait3A_37 = arith.constant 0 : i32
      %dma_wait3A_38 = tpu.memref_slice %arg3[%dma_wait3A_37] : memref<50000xi32, #tpu.memory_space<hbm>> -> memref<80xi32, #tpu.memory_space<hbm>>
      tpu.wait_dma2 semaphore(%arg16 : memref<!tpu.dma_semaphore, #tpu.memory_space<semaphore_mem>>) src(%dma_wait3A_38 : memref<80xi32, #tpu.memory_space<hbm>>) dst(%arg9 : memref<80xi32, #tpu.memory_space<vmem>>)
      %dma_wait3A_39 = arith.constant 0 : i32
      %dma_wait3A_40 = tpu.memref_slice %arg4[%dma_wait3A_39] : memref<50000xf32, #tpu.memory_space<hbm>> -> memref<80xf32, #tpu.memory_space<hbm>>
      %dma_wait3A_41 = arith.constant 0 : i32
      %dma_wait3A_42 = tpu.memref_slice %arg4[%dma_wait3A_41] : memref<50000xf32, #tpu.memory_space<hbm>> -> memref<80xf32, #tpu.memory_space<hbm>>
      tpu.wait_dma2 semaphore(%arg16 : memref<!tpu.dma_semaphore, #tpu.memory_space<semaphore_mem>>) src(%dma_wait3A_42 : memref<80xf32, #tpu.memory_space<hbm>>) dst(%arg11 : memref<80xf32, #tpu.memory_space<vmem>>)
      %dma_wait3A_43 = arith.constant 0 : i32
      %dma_wait3A_44 = tpu.memref_slice %arg5[%dma_wait3A_43] : memref<50000xf32, #tpu.memory_space<hbm>> -> memref<80xf32, #tpu.memory_space<hbm>>
      %dma_wait3A_45 = arith.constant 0 : i32
      %dma_wait3A_46 = tpu.memref_slice %arg5[%dma_wait3A_45] : memref<50000xf32, #tpu.memory_space<hbm>> -> memref<80xf32, #tpu.memory_space<hbm>>
      tpu.wait_dma2 semaphore(%arg16 : memref<!tpu.dma_semaphore, #tpu.memory_space<semaphore_mem>>) src(%dma_wait3A_46 : memref<80xf32, #tpu.memory_space<hbm>>) dst(%arg13 : memref<80xf32, #tpu.memory_space<vmem>>)
      %broadcast_in_dim3A_47 = arith.constant 0.000000e+00 : f32
      %broadcast_in_dim3A_48 = vector.broadcast %broadcast_in_dim3A_47 : f32 to vector<16xf32>
      %scan3A_49 = arith.constant 0 : i32
      %scan3A_50 = arith.constant 40 : i32
      %scan3A_51 = arith.addi %scan3A_49, %scan3A_50 : i32
      %scan3A_52 = arith.constant 1 : i32
      %scan3A_53 = scf.for %scan3A_425 = %scan3A_49 to %scan3A_51 step %scan3A_52 iter_args(%scan3A_426 = %broadcast_in_dim3A_48) -> (vector<16xf32>)  : i32 {
        %mul3A_427 = arith.constant 2 : i32
        %mul3A_428 = arith.muli %mul3A_427, %scan3A_425 : i32
        %get3A_429 = arith.index_cast %mul3A_428 : i32 to index
        %get3A_430 = arith.constant 0 : index
        %get3A_431 = tpu.vector_load %arg7[%get3A_429, %get3A_430] {strides = array<i32>} : memref<80x80xf32, #tpu.memory_space<vmem>>, vector<16xf32>,
        %bitcast3A_432 = vector.bitcast %get3A_431 : vector<16xf32> to vector<16xi32>
        %or3A_433 = arith.constant -2147483648 : i32
        %or3A_434 = vector.broadcast %or3A_433 : i32 to vector<16xi32>
        %or3A_435 = arith.ori %bitcast3A_432, %or3A_434 : vector<16xi32>
        %bitcast3A_436 = vector.bitcast %or3A_435 : vector<16xi32> to vector<16xf32>
        %exp3A_437 = math.exp %bitcast3A_436 : vector<16xf32>
        %max3A_438 = arith.constant 0.000000e+00 : f32
        %max3A_439 = vector.broadcast %max3A_438 : f32 to vector<16xf32>
        %max3A_440 = arith.maximumf %get3A_431, %max3A_439 : vector<16xf32>
        %broadcast_in_dim3A_441 = arith.constant -0.0554593131 : f32
        %broadcast_in_dim3A_442 = vector.broadcast %broadcast_in_dim3A_441 : f32 to vector<16xf32>
        %mul3A_443 = arith.mulf %broadcast_in_dim3A_442, %exp3A_437 : vector<16xf32>
        %add3A_444 = arith.constant 0.218665481 : f32
        %add3A_445 = vector.broadcast %add3A_444 : f32 to vector<16xf32>
        %add3A_446 = arith.addf %mul3A_443, %add3A_445 : vector<16xf32>
        %mul3A_447 = arith.mulf %add3A_446, %exp3A_437 : vector<16xf32>
        %add3A_448 = arith.constant -0.466442436 : f32
        %add3A_449 = vector.broadcast %add3A_448 : f32 to vector<16xf32>
        %add3A_450 = arith.addf %mul3A_447, %add3A_449 : vector<16xf32>
        %mul3A_451 = arith.mulf %add3A_450, %exp3A_437 : vector<16xf32>
        %add3A_452 = arith.constant 0.996261954 : f32
        %add3A_453 = vector.broadcast %add3A_452 : f32 to vector<16xf32>
        %add3A_454 = arith.addf %mul3A_451, %add3A_453 : vector<16xf32>
        %mul3A_455 = arith.mulf %add3A_454, %exp3A_437 : vector<16xf32>
        %add3A_456 = arith.constant 6.94457412E-5 : f32
        %add3A_457 = vector.broadcast %add3A_456 : f32 to vector<16xf32>
        %add3A_458 = arith.addf %mul3A_455, %add3A_457 : vector<16xf32>
        %add3A_459 = arith.addf %max3A_440, %add3A_458 : vector<16xf32>
        %add3A_460 = arith.constant 1.000000e+00 : f32
        %add3A_461 = vector.broadcast %add3A_460 : f32 to vector<16xf32>
        %add3A_462 = arith.addf %add3A_461, %exp3A_437 : vector<16xf32>
        %div3A_463 = arith.constant 1.000000e+00 : f32
        %div3A_464 = vector.broadcast %div3A_463 : f32 to vector<16xf32>
        %div3A_465 = arith.divf %div3A_464, %add3A_462 : vector<16xf32>
        %min3A_466 = arith.constant 0.000000e+00 : f32
        %min3A_467 = vector.broadcast %min3A_466 : f32 to vector<16xf32>
        %min3A_468 = arith.minimumf %get3A_431, %min3A_467 : vector<16xf32>
        %exp3A_469 = math.exp %min3A_468 : vector<16xf32>
        %mul3A_470 = arith.mulf %div3A_465, %exp3A_469 : vector<16xf32>
        %mul3A_471 = arith.mulf %add3A_459, %mul3A_470 : vector<16xf32>
        %mul3A_472 = arith.mulf %mul3A_471, %mul3A_470 : vector<16xf32>
        %get3A_473 = arith.index_cast %mul3A_428 : i32 to index
        %get3A_474 = arith.constant 16 : index
        %get3A_475 = tpu.vector_load %arg7[%get3A_473, %get3A_474] {strides = array<i32>} : memref<80x80xf32, #tpu.memory_space<vmem>>, vector<16xf32>,
        %bitcast3A_476 = vector.bitcast %get3A_475 : vector<16xf32> to vector<16xi32>
        %or3A_477 = arith.constant -2147483648 : i32
        %or3A_478 = vector.broadcast %or3A_477 : i32 to vector<16xi32>
        %or3A_479 = arith.ori %bitcast3A_476, %or3A_478 : vector<16xi32>
        %bitcast3A_480 = vector.bitcast %or3A_479 : vector<16xi32> to vector<16xf32>
        %exp3A_481 = math.exp %bitcast3A_480 : vector<16xf32>
        %max3A_482 = arith.constant 0.000000e+00 : f32
        %max3A_483 = vector.broadcast %max3A_482 : f32 to vector<16xf32>
        %max3A_484 = arith.maximumf %get3A_475, %max3A_483 : vector<16xf32>
        %broadcast_in_dim3A_485 = arith.constant -0.0554593131 : f32
        %broadcast_in_dim3A_486 = vector.broadcast %broadcast_in_dim3A_485 : f32 to vector<16xf32>
        %mul3A_487 = arith.mulf %broadcast_in_dim3A_486, %exp3A_481 : vector<16xf32>
        %add3A_488 = arith.constant 0.218665481 : f32
        %add3A_489 = vector.broadcast %add3A_488 : f32 to vector<16xf32>
        %add3A_490 = arith.addf %mul3A_487, %add3A_489 : vector<16xf32>
        %mul3A_491 = arith.mulf %add3A_490, %exp3A_481 : vector<16xf32>
        %add3A_492 = arith.constant -0.466442436 : f32
        %add3A_493 = vector.broadcast %add3A_492 : f32 to vector<16xf32>
        %add3A_494 = arith.addf %mul3A_491, %add3A_493 : vector<16xf32>
        %mul3A_495 = arith.mulf %add3A_494, %exp3A_481 : vector<16xf32>
        %add3A_496 = arith.constant 0.996261954 : f32
        %add3A_497 = vector.broadcast %add3A_496 : f32 to vector<16xf32>
        %add3A_498 = arith.addf %mul3A_495, %add3A_497 : vector<16xf32>
        %mul3A_499 = arith.mulf %add3A_498, %exp3A_481 : vector<16xf32>
        %add3A_500 = arith.constant 6.94457412E-5 : f32
        %add3A_501 = vector.broadcast %add3A_500 : f32 to vector<16xf32>
        %add3A_502 = arith.addf %mul3A_499, %add3A_501 : vector<16xf32>
        %add3A_503 = arith.addf %max3A_484, %add3A_502 : vector<16xf32>
        %add3A_504 = arith.constant 1.000000e+00 : f32
        %add3A_505 = vector.broadcast %add3A_504 : f32 to vector<16xf32>
        %add3A_506 = arith.addf %add3A_505, %exp3A_481 : vector<16xf32>
        %div3A_507 = arith.constant 1.000000e+00 : f32
        %div3A_508 = vector.broadcast %div3A_507 : f32 to vector<16xf32>
        %div3A_509 = arith.divf %div3A_508, %add3A_506 : vector<16xf32>
        %min3A_510 = arith.constant 0.000000e+00 : f32
        %min3A_511 = vector.broadcast %min3A_510 : f32 to vector<16xf32>
        %min3A_512 = arith.minimumf %get3A_475, %min3A_511 : vector<16xf32>
        %exp3A_513 = math.exp %min3A_512 : vector<16xf32>
        %mul3A_514 = arith.mulf %div3A_509, %exp3A_513 : vector<16xf32>
        %mul3A_515 = arith.mulf %add3A_503, %mul3A_514 : vector<16xf32>
        %mul3A_516 = arith.mulf %mul3A_515, %mul3A_514 : vector<16xf32>
        %get3A_517 = arith.index_cast %mul3A_428 : i32 to index
        %get3A_518 = arith.constant 32 : index
        %get3A_519 = tpu.vector_load %arg7[%get3A_517, %get3A_518] {strides = array<i32>} : memref<80x80xf32, #tpu.memory_space<vmem>>, vector<16xf32>,
        %bitcast3A_520 = vector.bitcast %get3A_519 : vector<16xf32> to vector<16xi32>
        %or3A_521 = arith.constant -2147483648 : i32
        %or3A_522 = vector.broadcast %or3A_521 : i32 to vector<16xi32>
        %or3A_523 = arith.ori %bitcast3A_520, %or3A_522 : vector<16xi32>
        %bitcast3A_524 = vector.bitcast %or3A_523 : vector<16xi32> to vector<16xf32>
        %exp3A_525 = math.exp %bitcast3A_524 : vector<16xf32>
        %max3A_526 = arith.constant 0.000000e+00 : f32
        %max3A_527 = vector.broadcast %max3A_526 : f32 to vector<16xf32>
        %max3A_528 = arith.maximumf %get3A_519, %max3A_527 : vector<16xf32>
        %broadcast_in_dim3A_529 = arith.constant -0.0554593131 : f32
        %broadcast_in_dim3A_530 = vector.broadcast %broadcast_in_dim3A_529 : f32 to vector<16xf32>
        %mul3A_531 = arith.mulf %broadcast_in_dim3A_530, %exp3A_525 : vector<16xf32>
        %add3A_532 = arith.constant 0.218665481 : f32
        %add3A_533 = vector.broadcast %add3A_532 : f32 to vector<16xf32>
        %add3A_534 = arith.addf %mul3A_531, %add3A_533 : vector<16xf32>
        %mul3A_535 = arith.mulf %add3A_534, %exp3A_525 : vector<16xf32>
        %add3A_536 = arith.constant -0.466442436 : f32
        %add3A_537 = vector.broadcast %add3A_536 : f32 to vector<16xf32>
        %add3A_538 = arith.addf %mul3A_535, %add3A_537 : vector<16xf32>
        %mul3A_539 = arith.mulf %add3A_538, %exp3A_525 : vector<16xf32>
        %add3A_540 = arith.constant 0.996261954 : f32
        %add3A_541 = vector.broadcast %add3A_540 : f32 to vector<16xf32>
        %add3A_542 = arith.addf %mul3A_539, %add3A_541 : vector<16xf32>
        %mul3A_543 = arith.mulf %add3A_542, %exp3A_525 : vector<16xf32>
        %add3A_544 = arith.constant 6.94457412E-5 : f32
        %add3A_545 = vector.broadcast %add3A_544 : f32 to vector<16xf32>
        %add3A_546 = arith.addf %mul3A_543, %add3A_545 : vector<16xf32>
        %add3A_547 = arith.addf %max3A_528, %add3A_546 : vector<16xf32>
        %add3A_548 = arith.constant 1.000000e+00 : f32
        %add3A_549 = vector.broadcast %add3A_548 : f32 to vector<16xf32>
        %add3A_550 = arith.addf %add3A_549, %exp3A_525 : vector<16xf32>
        %div3A_551 = arith.constant 1.000000e+00 : f32
        %div3A_552 = vector.broadcast %div3A_551 : f32 to vector<16xf32>
        %div3A_553 = arith.divf %div3A_552, %add3A_550 : vector<16xf32>
        %min3A_554 = arith.constant 0.000000e+00 : f32
        %min3A_555 = vector.broadcast %min3A_554 : f32 to vector<16xf32>
        %min3A_556 = arith.minimumf %get3A_519, %min3A_555 : vector<16xf32>
        %exp3A_557 = math.exp %min3A_556 : vector<16xf32>
        %mul3A_558 = arith.mulf %div3A_553, %exp3A_557 : vector<16xf32>
        %mul3A_559 = arith.mulf %add3A_547, %mul3A_558 : vector<16xf32>
        %mul3A_560 = arith.mulf %mul3A_559, %mul3A_558 : vector<16xf32>
        %get3A_561 = arith.index_cast %mul3A_428 : i32 to index
        %get3A_562 = arith.constant 48 : index
        %get3A_563 = tpu.vector_load %arg7[%get3A_561, %get3A_562] {strides = array<i32>} : memref<80x80xf32, #tpu.memory_space<vmem>>, vector<16xf32>,
        %bitcast3A_564 = vector.bitcast %get3A_563 : vector<16xf32> to vector<16xi32>
        %or3A_565 = arith.constant -2147483648 : i32
        %or3A_566 = vector.broadcast %or3A_565 : i32 to vector<16xi32>
        %or3A_567 = arith.ori %bitcast3A_564, %or3A_566 : vector<16xi32>
        %bitcast3A_568 = vector.bitcast %or3A_567 : vector<16xi32> to vector<16xf32>
        %exp3A_569 = math.exp %bitcast3A_568 : vector<16xf32>
        %max3A_570 = arith.constant 0.000000e+00 : f32
        %max3A_571 = vector.broadcast %max3A_570 : f32 to vector<16xf32>
        %max3A_572 = arith.maximumf %get3A_563, %max3A_571 : vector<16xf32>
        %broadcast_in_dim3A_573 = arith.constant -0.0554593131 : f32
        %broadcast_in_dim3A_574 = vector.broadcast %broadcast_in_dim3A_573 : f32 to vector<16xf32>
        %mul3A_575 = arith.mulf %broadcast_in_dim3A_574, %exp3A_569 : vector<16xf32>
        %add3A_576 = arith.constant 0.218665481 : f32
        %add3A_577 = vector.broadcast %add3A_576 : f32 to vector<16xf32>
        %add3A_578 = arith.addf %mul3A_575, %add3A_577 : vector<16xf32>
        %mul3A_579 = arith.mulf %add3A_578, %exp3A_569 : vector<16xf32>
        %add3A_580 = arith.constant -0.466442436 : f32
        %add3A_581 = vector.broadcast %add3A_580 : f32 to vector<16xf32>
        %add3A_582 = arith.addf %mul3A_579, %add3A_581 : vector<16xf32>
        %mul3A_583 = arith.mulf %add3A_582, %exp3A_569 : vector<16xf32>
        %add3A_584 = arith.constant 0.996261954 : f32
        %add3A_585 = vector.broadcast %add3A_584 : f32 to vector<16xf32>
        %add3A_586 = arith.addf %mul3A_583, %add3A_585 : vector<16xf32>
        %mul3A_587 = arith.mulf %add3A_586, %exp3A_569 : vector<16xf32>
        %add3A_588 = arith.constant 6.94457412E-5 : f32
        %add3A_589 = vector.broadcast %add3A_588 : f32 to vector<16xf32>
        %add3A_590 = arith.addf %mul3A_587, %add3A_589 : vector<16xf32>
        %add3A_591 = arith.addf %max3A_572, %add3A_590 : vector<16xf32>
        %add3A_592 = arith.constant 1.000000e+00 : f32
        %add3A_593 = vector.broadcast %add3A_592 : f32 to vector<16xf32>
        %add3A_594 = arith.addf %add3A_593, %exp3A_569 : vector<16xf32>
        %div3A_595 = arith.constant 1.000000e+00 : f32
        %div3A_596 = vector.broadcast %div3A_595 : f32 to vector<16xf32>
        %div3A_597 = arith.divf %div3A_596, %add3A_594 : vector<16xf32>
        %min3A_598 = arith.constant 0.000000e+00 : f32
        %min3A_599 = vector.broadcast %min3A_598 : f32 to vector<16xf32>
        %min3A_600 = arith.minimumf %get3A_563, %min3A_599 : vector<16xf32>
        %exp3A_601 = math.exp %min3A_600 : vector<16xf32>
        %mul3A_602 = arith.mulf %div3A_597, %exp3A_601 : vector<16xf32>
        %mul3A_603 = arith.mulf %add3A_591, %mul3A_602 : vector<16xf32>
        %mul3A_604 = arith.mulf %mul3A_603, %mul3A_602 : vector<16xf32>
        %get3A_605 = arith.index_cast %mul3A_428 : i32 to index
        %get3A_606 = arith.constant 64 : index
        %get3A_607 = tpu.vector_load %arg7[%get3A_605, %get3A_606] {strides = array<i32>} : memref<80x80xf32, #tpu.memory_space<vmem>>, vector<16xf32>,
        %bitcast3A_608 = vector.bitcast %get3A_607 : vector<16xf32> to vector<16xi32>
        %or3A_609 = arith.constant -2147483648 : i32
        %or3A_610 = vector.broadcast %or3A_609 : i32 to vector<16xi32>
        %or3A_611 = arith.ori %bitcast3A_608, %or3A_610 : vector<16xi32>
        %bitcast3A_612 = vector.bitcast %or3A_611 : vector<16xi32> to vector<16xf32>
        %exp3A_613 = math.exp %bitcast3A_612 : vector<16xf32>
        %max3A_614 = arith.constant 0.000000e+00 : f32
        %max3A_615 = vector.broadcast %max3A_614 : f32 to vector<16xf32>
        %max3A_616 = arith.maximumf %get3A_607, %max3A_615 : vector<16xf32>
        %broadcast_in_dim3A_617 = arith.constant -0.0554593131 : f32
        %broadcast_in_dim3A_618 = vector.broadcast %broadcast_in_dim3A_617 : f32 to vector<16xf32>
        %mul3A_619 = arith.mulf %broadcast_in_dim3A_618, %exp3A_613 : vector<16xf32>
        %add3A_620 = arith.constant 0.218665481 : f32
        %add3A_621 = vector.broadcast %add3A_620 : f32 to vector<16xf32>
        %add3A_622 = arith.addf %mul3A_619, %add3A_621 : vector<16xf32>
        %mul3A_623 = arith.mulf %add3A_622, %exp3A_613 : vector<16xf32>
        %add3A_624 = arith.constant -0.466442436 : f32
        %add3A_625 = vector.broadcast %add3A_624 : f32 to vector<16xf32>
        %add3A_626 = arith.addf %mul3A_623, %add3A_625 : vector<16xf32>
        %mul3A_627 = arith.mulf %add3A_626, %exp3A_613 : vector<16xf32>
        %add3A_628 = arith.constant 0.996261954 : f32
        %add3A_629 = vector.broadcast %add3A_628 : f32 to vector<16xf32>
        %add3A_630 = arith.addf %mul3A_627, %add3A_629 : vector<16xf32>
        %mul3A_631 = arith.mulf %add3A_630, %exp3A_613 : vector<16xf32>
        %add3A_632 = arith.constant 6.94457412E-5 : f32
        %add3A_633 = vector.broadcast %add3A_632 : f32 to vector<16xf32>
        %add3A_634 = arith.addf %mul3A_631, %add3A_633 : vector<16xf32>
        %add3A_635 = arith.addf %max3A_616, %add3A_634 : vector<16xf32>
        %add3A_636 = arith.constant 1.000000e+00 : f32
        %add3A_637 = vector.broadcast %add3A_636 : f32 to vector<16xf32>
        %add3A_638 = arith.addf %add3A_637, %exp3A_613 : vector<16xf32>
        %div3A_639 = arith.constant 1.000000e+00 : f32
        %div3A_640 = vector.broadcast %div3A_639 : f32 to vector<16xf32>
        %div3A_641 = arith.divf %div3A_640, %add3A_638 : vector<16xf32>
        %min3A_642 = arith.constant 0.000000e+00 : f32
        %min3A_643 = vector.broadcast %min3A_642 : f32 to vector<16xf32>
        %min3A_644 = arith.minimumf %get3A_607, %min3A_643 : vector<16xf32>
        %exp3A_645 = math.exp %min3A_644 : vector<16xf32>
        %mul3A_646 = arith.mulf %div3A_641, %exp3A_645 : vector<16xf32>
        %mul3A_647 = arith.mulf %add3A_635, %mul3A_646 : vector<16xf32>
        %mul3A_648 = arith.mulf %mul3A_647, %mul3A_646 : vector<16xf32>
        %add3A_649 = arith.addf %mul3A_472, %mul3A_516 : vector<16xf32>
        %add3A_650 = arith.addf %mul3A_560, %mul3A_604 : vector<16xf32>
        %add3A_651 = arith.addf %add3A_649, %add3A_650 : vector<16xf32>
        %add3A_652 = arith.addf %add3A_651, %mul3A_648 : vector<16xf32>
        %broadcast_in_dim3A_653 = arith.constant 0 : i32
        %broadcast_in_dim3A_654 = vector.broadcast %broadcast_in_dim3A_653 : i32 to vector<16xi32>
        %add3A_655 = vector.broadcast %mul3A_428 : i32 to vector<16xi32>
        %add3A_656 = arith.addi %broadcast_in_dim3A_654, %add3A_655 : vector<16xi32>
        %gather3A_657 = tpu.vector_load_idx %arg13[%add3A_656] : memref<80xf32, #tpu.memory_space<vmem>>[vector<16xi32>], vector<16xf32>,
        %add3A_658 = arith.constant 1 : i32
        %add3A_659 = arith.addi %mul3A_428, %add3A_658 : i32
        %get3A_660 = arith.index_cast %add3A_659 : i32 to index
        %get3A_661 = arith.constant 0 : index
        %get3A_662 = tpu.vector_load %arg7[%get3A_660, %get3A_661] {strides = array<i32>} : memref<80x80xf32, #tpu.memory_space<vmem>>, vector<16xf32>,
        %bitcast3A_663 = vector.bitcast %get3A_662 : vector<16xf32> to vector<16xi32>
        %or3A_664 = arith.constant -2147483648 : i32
        %or3A_665 = vector.broadcast %or3A_664 : i32 to vector<16xi32>
        %or3A_666 = arith.ori %bitcast3A_663, %or3A_665 : vector<16xi32>
        %bitcast3A_667 = vector.bitcast %or3A_666 : vector<16xi32> to vector<16xf32>
        %exp3A_668 = math.exp %bitcast3A_667 : vector<16xf32>
        %max3A_669 = arith.constant 0.000000e+00 : f32
        %max3A_670 = vector.broadcast %max3A_669 : f32 to vector<16xf32>
        %max3A_671 = arith.maximumf %get3A_662, %max3A_670 : vector<16xf32>
        %broadcast_in_dim3A_672 = arith.constant -0.0554593131 : f32
        %broadcast_in_dim3A_673 = vector.broadcast %broadcast_in_dim3A_672 : f32 to vector<16xf32>
        %mul3A_674 = arith.mulf %broadcast_in_dim3A_673, %exp3A_668 : vector<16xf32>
        %add3A_675 = arith.constant 0.218665481 : f32
        %add3A_676 = vector.broadcast %add3A_675 : f32 to vector<16xf32>
        %add3A_677 = arith.addf %mul3A_674, %add3A_676 : vector<16xf32>
        %mul3A_678 = arith.mulf %add3A_677, %exp3A_668 : vector<16xf32>
        %add3A_679 = arith.constant -0.466442436 : f32
        %add3A_680 = vector.broadcast %add3A_679 : f32 to vector<16xf32>
        %add3A_681 = arith.addf %mul3A_678, %add3A_680 : vector<16xf32>
        %mul3A_682 = arith.mulf %add3A_681, %exp3A_668 : vector<16xf32>
        %add3A_683 = arith.constant 0.996261954 : f32
        %add3A_684 = vector.broadcast %add3A_683 : f32 to vector<16xf32>
        %add3A_685 = arith.addf %mul3A_682, %add3A_684 : vector<16xf32>
        %mul3A_686 = arith.mulf %add3A_685, %exp3A_668 : vector<16xf32>
        %add3A_687 = arith.constant 6.94457412E-5 : f32
        %add3A_688 = vector.broadcast %add3A_687 : f32 to vector<16xf32>
        %add3A_689 = arith.addf %mul3A_686, %add3A_688 : vector<16xf32>
        %add3A_690 = arith.addf %max3A_671, %add3A_689 : vector<16xf32>
        %add3A_691 = arith.constant 1.000000e+00 : f32
        %add3A_692 = vector.broadcast %add3A_691 : f32 to vector<16xf32>
        %add3A_693 = arith.addf %add3A_692, %exp3A_668 : vector<16xf32>
        %div3A_694 = arith.constant 1.000000e+00 : f32
        %div3A_695 = vector.broadcast %div3A_694 : f32 to vector<16xf32>
        %div3A_696 = arith.divf %div3A_695, %add3A_693 : vector<16xf32>
        %min3A_697 = arith.constant 0.000000e+00 : f32
        %min3A_698 = vector.broadcast %min3A_697 : f32 to vector<16xf32>
        %min3A_699 = arith.minimumf %get3A_662, %min3A_698 : vector<16xf32>
        %exp3A_700 = math.exp %min3A_699 : vector<16xf32>
        %mul3A_701 = arith.mulf %div3A_696, %exp3A_700 : vector<16xf32>
        %mul3A_702 = arith.mulf %add3A_690, %mul3A_701 : vector<16xf32>
        %mul3A_703 = arith.mulf %mul3A_702, %mul3A_701 : vector<16xf32>
        %get3A_704 = arith.index_cast %add3A_659 : i32 to index
        %get3A_705 = arith.constant 16 : index
        %get3A_706 = tpu.vector_load %arg7[%get3A_704, %get3A_705] {strides = array<i32>} : memref<80x80xf32, #tpu.memory_space<vmem>>, vector<16xf32>,
        %bitcast3A_707 = vector.bitcast %get3A_706 : vector<16xf32> to vector<16xi32>
        %or3A_708 = arith.constant -2147483648 : i32
        %or3A_709 = vector.broadcast %or3A_708 : i32 to vector<16xi32>
        %or3A_710 = arith.ori %bitcast3A_707, %or3A_709 : vector<16xi32>
        %bitcast3A_711 = vector.bitcast %or3A_710 : vector<16xi32> to vector<16xf32>
        %exp3A_712 = math.exp %bitcast3A_711 : vector<16xf32>
        %max3A_713 = arith.constant 0.000000e+00 : f32
        %max3A_714 = vector.broadcast %max3A_713 : f32 to vector<16xf32>
        %max3A_715 = arith.maximumf %get3A_706, %max3A_714 : vector<16xf32>
        %broadcast_in_dim3A_716 = arith.constant -0.0554593131 : f32
        %broadcast_in_dim3A_717 = vector.broadcast %broadcast_in_dim3A_716 : f32 to vector<16xf32>
        %mul3A_718 = arith.mulf %broadcast_in_dim3A_717, %exp3A_712 : vector<16xf32>
        %add3A_719 = arith.constant 0.218665481 : f32
        %add3A_720 = vector.broadcast %add3A_719 : f32 to vector<16xf32>
        %add3A_721 = arith.addf %mul3A_718, %add3A_720 : vector<16xf32>
        %mul3A_722 = arith.mulf %add3A_721, %exp3A_712 : vector<16xf32>
        %add3A_723 = arith.constant -0.466442436 : f32
        %add3A_724 = vector.broadcast %add3A_723 : f32 to vector<16xf32>
        %add3A_725 = arith.addf %mul3A_722, %add3A_724 : vector<16xf32>
        %mul3A_726 = arith.mulf %add3A_725, %exp3A_712 : vector<16xf32>
        %add3A_727 = arith.constant 0.996261954 : f32
        %add3A_728 = vector.broadcast %add3A_727 : f32 to vector<16xf32>
        %add3A_729 = arith.addf %mul3A_726, %add3A_728 : vector<16xf32>
        %mul3A_730 = arith.mulf %add3A_729, %exp3A_712 : vector<16xf32>
        %add3A_731 = arith.constant 6.94457412E-5 : f32
        %add3A_732 = vector.broadcast %add3A_731 : f32 to vector<16xf32>
        %add3A_733 = arith.addf %mul3A_730, %add3A_732 : vector<16xf32>
        %add3A_734 = arith.addf %max3A_715, %add3A_733 : vector<16xf32>
        %add3A_735 = arith.constant 1.000000e+00 : f32
        %add3A_736 = vector.broadcast %add3A_735 : f32 to vector<16xf32>
        %add3A_737 = arith.addf %add3A_736, %exp3A_712 : vector<16xf32>
        %div3A_738 = arith.constant 1.000000e+00 : f32
        %div3A_739 = vector.broadcast %div3A_738 : f32 to vector<16xf32>
        %div3A_740 = arith.divf %div3A_739, %add3A_737 : vector<16xf32>
        %min3A_741 = arith.constant 0.000000e+00 : f32
        %min3A_742 = vector.broadcast %min3A_741 : f32 to vector<16xf32>
        %min3A_743 = arith.minimumf %get3A_706, %min3A_742 : vector<16xf32>
        %exp3A_744 = math.exp %min3A_743 : vector<16xf32>
        %mul3A_745 = arith.mulf %div3A_740, %exp3A_744 : vector<16xf32>
        %mul3A_746 = arith.mulf %add3A_734, %mul3A_745 : vector<16xf32>
        %mul3A_747 = arith.mulf %mul3A_746, %mul3A_745 : vector<16xf32>
        %get3A_748 = arith.index_cast %add3A_659 : i32 to index
        %get3A_749 = arith.constant 32 : index
        %get3A_750 = tpu.vector_load %arg7[%get3A_748, %get3A_749] {strides = array<i32>} : memref<80x80xf32, #tpu.memory_space<vmem>>, vector<16xf32>,
        %bitcast3A_751 = vector.bitcast %get3A_750 : vector<16xf32> to vector<16xi32>
        %or3A_752 = arith.constant -2147483648 : i32
        %or3A_753 = vector.broadcast %or3A_752 : i32 to vector<16xi32>
        %or3A_754 = arith.ori %bitcast3A_751, %or3A_753 : vector<16xi32>
        %bitcast3A_755 = vector.bitcast %or3A_754 : vector<16xi32> to vector<16xf32>
        %exp3A_756 = math.exp %bitcast3A_755 : vector<16xf32>
        %max3A_757 = arith.constant 0.000000e+00 : f32
        %max3A_758 = vector.broadcast %max3A_757 : f32 to vector<16xf32>
        %max3A_759 = arith.maximumf %get3A_750, %max3A_758 : vector<16xf32>
        %broadcast_in_dim3A_760 = arith.constant -0.0554593131 : f32
        %broadcast_in_dim3A_761 = vector.broadcast %broadcast_in_dim3A_760 : f32 to vector<16xf32>
        %mul3A_762 = arith.mulf %broadcast_in_dim3A_761, %exp3A_756 : vector<16xf32>
        %add3A_763 = arith.constant 0.218665481 : f32
        %add3A_764 = vector.broadcast %add3A_763 : f32 to vector<16xf32>
        %add3A_765 = arith.addf %mul3A_762, %add3A_764 : vector<16xf32>
        %mul3A_766 = arith.mulf %add3A_765, %exp3A_756 : vector<16xf32>
        %add3A_767 = arith.constant -0.466442436 : f32
        %add3A_768 = vector.broadcast %add3A_767 : f32 to vector<16xf32>
        %add3A_769 = arith.addf %mul3A_766, %add3A_768 : vector<16xf32>
        %mul3A_770 = arith.mulf %add3A_769, %exp3A_756 : vector<16xf32>
        %add3A_771 = arith.constant 0.996261954 : f32
        %add3A_772 = vector.broadcast %add3A_771 : f32 to vector<16xf32>
        %add3A_773 = arith.addf %mul3A_770, %add3A_772 : vector<16xf32>
        %mul3A_774 = arith.mulf %add3A_773, %exp3A_756 : vector<16xf32>
        %add3A_775 = arith.constant 6.94457412E-5 : f32
        %add3A_776 = vector.broadcast %add3A_775 : f32 to vector<16xf32>
        %add3A_777 = arith.addf %mul3A_774, %add3A_776 : vector<16xf32>
        %add3A_778 = arith.addf %max3A_759, %add3A_777 : vector<16xf32>
        %add3A_779 = arith.constant 1.000000e+00 : f32
        %add3A_780 = vector.broadcast %add3A_779 : f32 to vector<16xf32>
        %add3A_781 = arith.addf %add3A_780, %exp3A_756 : vector<16xf32>
        %div3A_782 = arith.constant 1.000000e+00 : f32
        %div3A_783 = vector.broadcast %div3A_782 : f32 to vector<16xf32>
        %div3A_784 = arith.divf %div3A_783, %add3A_781 : vector<16xf32>
        %min3A_785 = arith.constant 0.000000e+00 : f32
        %min3A_786 = vector.broadcast %min3A_785 : f32 to vector<16xf32>
        %min3A_787 = arith.minimumf %get3A_750, %min3A_786 : vector<16xf32>
        %exp3A_788 = math.exp %min3A_787 : vector<16xf32>
        %mul3A_789 = arith.mulf %div3A_784, %exp3A_788 : vector<16xf32>
        %mul3A_790 = arith.mulf %add3A_778, %mul3A_789 : vector<16xf32>
        %mul3A_791 = arith.mulf %mul3A_790, %mul3A_789 : vector<16xf32>
        %get3A_792 = arith.index_cast %add3A_659 : i32 to index
        %get3A_793 = arith.constant 48 : index
        %get3A_794 = tpu.vector_load %arg7[%get3A_792, %get3A_793] {strides = array<i32>} : memref<80x80xf32, #tpu.memory_space<vmem>>, vector<16xf32>,
        %bitcast3A_795 = vector.bitcast %get3A_794 : vector<16xf32> to vector<16xi32>
        %or3A_796 = arith.constant -2147483648 : i32
        %or3A_797 = vector.broadcast %or3A_796 : i32 to vector<16xi32>
        %or3A_798 = arith.ori %bitcast3A_795, %or3A_797 : vector<16xi32>
        %bitcast3A_799 = vector.bitcast %or3A_798 : vector<16xi32> to vector<16xf32>
        %exp3A_800 = math.exp %bitcast3A_799 : vector<16xf32>
        %max3A_801 = arith.constant 0.000000e+00 : f32
        %max3A_802 = vector.broadcast %max3A_801 : f32 to vector<16xf32>
        %max3A_803 = arith.maximumf %get3A_794, %max3A_802 : vector<16xf32>
        %broadcast_in_dim3A_804 = arith.constant -0.0554593131 : f32
        %broadcast_in_dim3A_805 = vector.broadcast %broadcast_in_dim3A_804 : f32 to vector<16xf32>
        %mul3A_806 = arith.mulf %broadcast_in_dim3A_805, %exp3A_800 : vector<16xf32>
        %add3A_807 = arith.constant 0.218665481 : f32
        %add3A_808 = vector.broadcast %add3A_807 : f32 to vector<16xf32>
        %add3A_809 = arith.addf %mul3A_806, %add3A_808 : vector<16xf32>
        %mul3A_810 = arith.mulf %add3A_809, %exp3A_800 : vector<16xf32>
        %add3A_811 = arith.constant -0.466442436 : f32
        %add3A_812 = vector.broadcast %add3A_811 : f32 to vector<16xf32>
        %add3A_813 = arith.addf %mul3A_810, %add3A_812 : vector<16xf32>
        %mul3A_814 = arith.mulf %add3A_813, %exp3A_800 : vector<16xf32>
        %add3A_815 = arith.constant 0.996261954 : f32
        %add3A_816 = vector.broadcast %add3A_815 : f32 to vector<16xf32>
        %add3A_817 = arith.addf %mul3A_814, %add3A_816 : vector<16xf32>
        %mul3A_818 = arith.mulf %add3A_817, %exp3A_800 : vector<16xf32>
        %add3A_819 = arith.constant 6.94457412E-5 : f32
        %add3A_820 = vector.broadcast %add3A_819 : f32 to vector<16xf32>
        %add3A_821 = arith.addf %mul3A_818, %add3A_820 : vector<16xf32>
        %add3A_822 = arith.addf %max3A_803, %add3A_821 : vector<16xf32>
        %add3A_823 = arith.constant 1.000000e+00 : f32
        %add3A_824 = vector.broadcast %add3A_823 : f32 to vector<16xf32>
        %add3A_825 = arith.addf %add3A_824, %exp3A_800 : vector<16xf32>
        %div3A_826 = arith.constant 1.000000e+00 : f32
        %div3A_827 = vector.broadcast %div3A_826 : f32 to vector<16xf32>
        %div3A_828 = arith.divf %div3A_827, %add3A_825 : vector<16xf32>
        %min3A_829 = arith.constant 0.000000e+00 : f32
        %min3A_830 = vector.broadcast %min3A_829 : f32 to vector<16xf32>
        %min3A_831 = arith.minimumf %get3A_794, %min3A_830 : vector<16xf32>
        %exp3A_832 = math.exp %min3A_831 : vector<16xf32>
        %mul3A_833 = arith.mulf %div3A_828, %exp3A_832 : vector<16xf32>
        %mul3A_834 = arith.mulf %add3A_822, %mul3A_833 : vector<16xf32>
        %mul3A_835 = arith.mulf %mul3A_834, %mul3A_833 : vector<16xf32>
        %get3A_836 = arith.index_cast %add3A_659 : i32 to index
        %get3A_837 = arith.constant 64 : index
        %get3A_838 = tpu.vector_load %arg7[%get3A_836, %get3A_837] {strides = array<i32>} : memref<80x80xf32, #tpu.memory_space<vmem>>, vector<16xf32>,
        %bitcast3A_839 = vector.bitcast %get3A_838 : vector<16xf32> to vector<16xi32>
        %or3A_840 = arith.constant -2147483648 : i32
        %or3A_841 = vector.broadcast %or3A_840 : i32 to vector<16xi32>
        %or3A_842 = arith.ori %bitcast3A_839, %or3A_841 : vector<16xi32>
        %bitcast3A_843 = vector.bitcast %or3A_842 : vector<16xi32> to vector<16xf32>
        %exp3A_844 = math.exp %bitcast3A_843 : vector<16xf32>
        %max3A_845 = arith.constant 0.000000e+00 : f32
        %max3A_846 = vector.broadcast %max3A_845 : f32 to vector<16xf32>
        %max3A_847 = arith.maximumf %get3A_838, %max3A_846 : vector<16xf32>
        %broadcast_in_dim3A_848 = arith.constant -0.0554593131 : f32
        %broadcast_in_dim3A_849 = vector.broadcast %broadcast_in_dim3A_848 : f32 to vector<16xf32>
        %mul3A_850 = arith.mulf %broadcast_in_dim3A_849, %exp3A_844 : vector<16xf32>
        %add3A_851 = arith.constant 0.218665481 : f32
        %add3A_852 = vector.broadcast %add3A_851 : f32 to vector<16xf32>
        %add3A_853 = arith.addf %mul3A_850, %add3A_852 : vector<16xf32>
        %mul3A_854 = arith.mulf %add3A_853, %exp3A_844 : vector<16xf32>
        %add3A_855 = arith.constant -0.466442436 : f32
        %add3A_856 = vector.broadcast %add3A_855 : f32 to vector<16xf32>
        %add3A_857 = arith.addf %mul3A_854, %add3A_856 : vector<16xf32>
        %mul3A_858 = arith.mulf %add3A_857, %exp3A_844 : vector<16xf32>
        %add3A_859 = arith.constant 0.996261954 : f32
        %add3A_860 = vector.broadcast %add3A_859 : f32 to vector<16xf32>
        %add3A_861 = arith.addf %mul3A_858, %add3A_860 : vector<16xf32>
        %mul3A_862 = arith.mulf %add3A_861, %exp3A_844 : vector<16xf32>
        %add3A_863 = arith.constant 6.94457412E-5 : f32
        %add3A_864 = vector.broadcast %add3A_863 : f32 to vector<16xf32>
        %add3A_865 = arith.addf %mul3A_862, %add3A_864 : vector<16xf32>
        %add3A_866 = arith.addf %max3A_847, %add3A_865 : vector<16xf32>
        %add3A_867 = arith.constant 1.000000e+00 : f32
        %add3A_868 = vector.broadcast %add3A_867 : f32 to vector<16xf32>
        %add3A_869 = arith.addf %add3A_868, %exp3A_844 : vector<16xf32>
        %div3A_870 = arith.constant 1.000000e+00 : f32
        %div3A_871 = vector.broadcast %div3A_870 : f32 to vector<16xf32>
        %div3A_872 = arith.divf %div3A_871, %add3A_869 : vector<16xf32>
        %min3A_873 = arith.constant 0.000000e+00 : f32
        %min3A_874 = vector.broadcast %min3A_873 : f32 to vector<16xf32>
        %min3A_875 = arith.minimumf %get3A_838, %min3A_874 : vector<16xf32>
        %exp3A_876 = math.exp %min3A_875 : vector<16xf32>
        %mul3A_877 = arith.mulf %div3A_872, %exp3A_876 : vector<16xf32>
        %mul3A_878 = arith.mulf %add3A_866, %mul3A_877 : vector<16xf32>
        %mul3A_879 = arith.mulf %mul3A_878, %mul3A_877 : vector<16xf32>
        %add3A_880 = arith.addf %mul3A_703, %mul3A_747 : vector<16xf32>
        %add3A_881 = arith.addf %mul3A_791, %mul3A_835 : vector<16xf32>
        %add3A_882 = arith.addf %add3A_880, %add3A_881 : vector<16xf32>
        %add3A_883 = arith.addf %add3A_882, %mul3A_879 : vector<16xf32>
        %broadcast_in_dim3A_884 = arith.constant 1 : i32
        %broadcast_in_dim3A_885 = vector.broadcast %broadcast_in_dim3A_884 : i32 to vector<16xi32>
        %add3A_886 = vector.broadcast %mul3A_428 : i32 to vector<16xi32>
        %add3A_887 = arith.addi %broadcast_in_dim3A_885, %add3A_886 : vector<16xi32>
        %gather3A_888 = tpu.vector_load_idx %arg13[%add3A_887] : memref<80xf32, #tpu.memory_space<vmem>>[vector<16xi32>], vector<16xf32>,
        %mul3A_889 = arith.mulf %add3A_652, %gather3A_657 : vector<16xf32>
        %mul3A_890 = arith.mulf %add3A_883, %gather3A_888 : vector<16xf32>
        %add3A_891 = arith.addf %mul3A_889, %mul3A_890 : vector<16xf32>
        %add3A_892 = arith.addf %scan3A_426, %add3A_891 : vector<16xf32>
        scf.yield %add3A_892 : vector<16xf32>
      }
      %scan3A_54 = arith.constant 40 : i32
      %add3A_55 = arith.constant 0 : i32
      %add3A_56 = vector.broadcast %add3A_55 : i32 to vector<16xi32>
      %add3A_57 = arith.addi %add3A_56, %iota3A : vector<16xi32>
      %get3A = arith.constant 0 : index
      %get3A_58 = tpu.vector_load %arg9[%get3A] {strides = array<i32>} : memref<80xi32, #tpu.memory_space<vmem>>, vector<16xi32>,
      %get3A_59 = arith.constant 0 : index
      %get3A_60 = tpu.vector_load %arg11[%get3A_59] {strides = array<i32>} : memref<80xf32, #tpu.memory_space<vmem>>, vector<16xf32>,
      %get3A_61 = arith.constant 0 : index
      %get3A_62 = tpu.vector_load %arg13[%get3A_61] {strides = array<i32>} : memref<80xf32, #tpu.memory_space<vmem>>, vector<16xf32>,
      %ge3A = arith.constant 0 : i32
      %ge3A_63 = vector.broadcast %ge3A : i32 to vector<16xi32>
      %ge3A_64 = arith.cmpi sge, %get3A_58, %ge3A_63 : vector<16xi32>
      %lt3A_65 = arith.constant 80 : i32
      %lt3A_66 = vector.broadcast %lt3A_65 : i32 to vector<16xi32>
      %lt3A_67 = arith.cmpi slt, %get3A_58, %lt3A_66 : vector<16xi32>
      %and3A = arith.andi %ge3A_64, %lt3A_67 : vector<16xi1>
      %jit3A_68 = arith.constant 0 : i32
      %broadcast_in_dim3A_69 = vector.broadcast %jit3A_68 : i32 to vector<16xi32>
      %select_n3A_70 = arith.select %and3A, %get3A_58, %broadcast_in_dim3A_69 : vector<16xi1>, vector<16xi32>
      %gather3A = tpu.vector_load_idx %arg7[%add3A_57, %select_n3A_70] : memref<80x80xf32, #tpu.memory_space<vmem>>[vector<16xi32>, vector<16xi32>], vector<16xf32>,
      %bitcast3A = vector.bitcast %gather3A : vector<16xf32> to vector<16xi32>
      %or3A = arith.constant -2147483648 : i32
      %or3A_71 = vector.broadcast %or3A : i32 to vector<16xi32>
      %or3A_72 = arith.ori %bitcast3A, %or3A_71 : vector<16xi32>
      %bitcast3A_73 = vector.bitcast %or3A_72 : vector<16xi32> to vector<16xf32>
      %exp3A = math.exp %bitcast3A_73 : vector<16xf32>
      %max3A = arith.constant 0.000000e+00 : f32
      %max3A_74 = vector.broadcast %max3A : f32 to vector<16xf32>
      %max3A_75 = arith.maximumf %gather3A, %max3A_74 : vector<16xf32>
      %broadcast_in_dim3A_76 = arith.constant -0.0554593131 : f32
      %broadcast_in_dim3A_77 = vector.broadcast %broadcast_in_dim3A_76 : f32 to vector<16xf32>
      %mul3A_78 = arith.mulf %broadcast_in_dim3A_77, %exp3A : vector<16xf32>
      %add3A_79 = arith.constant 0.218665481 : f32
      %add3A_80 = vector.broadcast %add3A_79 : f32 to vector<16xf32>
      %add3A_81 = arith.addf %mul3A_78, %add3A_80 : vector<16xf32>
      %mul3A_82 = arith.mulf %add3A_81, %exp3A : vector<16xf32>
      %add3A_83 = arith.constant -0.466442436 : f32
      %add3A_84 = vector.broadcast %add3A_83 : f32 to vector<16xf32>
      %add3A_85 = arith.addf %mul3A_82, %add3A_84 : vector<16xf32>
      %mul3A_86 = arith.mulf %add3A_85, %exp3A : vector<16xf32>
      %add3A_87 = arith.constant 0.996261954 : f32
      %add3A_88 = vector.broadcast %add3A_87 : f32 to vector<16xf32>
      %add3A_89 = arith.addf %mul3A_86, %add3A_88 : vector<16xf32>
      %mul3A_90 = arith.mulf %add3A_89, %exp3A : vector<16xf32>
      %add3A_91 = arith.constant 6.94457412E-5 : f32
      %add3A_92 = vector.broadcast %add3A_91 : f32 to vector<16xf32>
      %add3A_93 = arith.addf %mul3A_90, %add3A_92 : vector<16xf32>
      %add3A_94 = arith.addf %max3A_75, %add3A_93 : vector<16xf32>
      %add3A_95 = arith.constant 1.000000e+00 : f32
      %add3A_96 = vector.broadcast %add3A_95 : f32 to vector<16xf32>
      %add3A_97 = arith.addf %add3A_96, %exp3A : vector<16xf32>
      %div3A = arith.constant 1.000000e+00 : f32
      %div3A_98 = vector.broadcast %div3A : f32 to vector<16xf32>
      %div3A_99 = arith.divf %div3A_98, %add3A_97 : vector<16xf32>
      %min3A = arith.constant 0.000000e+00 : f32
      %min3A_100 = vector.broadcast %min3A : f32 to vector<16xf32>
      %min3A_101 = arith.minimumf %gather3A, %min3A_100 : vector<16xf32>
      %exp3A_102 = math.exp %min3A_101 : vector<16xf32>
      %mul3A_103 = arith.mulf %div3A_99, %exp3A_102 : vector<16xf32>
      %sub3A = arith.subf %get3A_60, %mul3A_103 : vector<16xf32>
      %mul3A_104 = arith.mulf %gather3A, %get3A_60 : vector<16xf32>
      %sub3A_105 = arith.subf %add3A_94, %mul3A_104 : vector<16xf32>
      %mul3A_106 = arith.mulf %sub3A_105, %sub3A : vector<16xf32>
      %mul3A_107 = arith.mulf %mul3A_106, %sub3A : vector<16xf32>
      %mul3A_108 = arith.mulf %add3A_94, %mul3A_103 : vector<16xf32>
      %mul3A_109 = arith.mulf %mul3A_108, %mul3A_103 : vector<16xf32>
      %sub3A_110 = arith.subf %mul3A_107, %mul3A_109 : vector<16xf32>
      %jit3A_111 = arith.constant 0.000000e+00 : f32
      %broadcast_in_dim3A_112 = vector.broadcast %jit3A_111 : f32 to vector<16xf32>
      %select_n3A_113 = arith.select %and3A, %sub3A_110, %broadcast_in_dim3A_112 : vector<16xi1>, vector<16xf32>
      %mul3A_114 = arith.mulf %select_n3A_113, %get3A_62 : vector<16xf32>
      %add3A_115 = arith.addf %scan3A_53, %mul3A_114 : vector<16xf32>
      %add3A_116 = arith.constant 16 : i32
      %add3A_117 = vector.broadcast %add3A_116 : i32 to vector<16xi32>
      %add3A_118 = arith.addi %add3A_117, %iota3A : vector<16xi32>
      %get3A_119 = arith.constant 16 : index
      %get3A_120 = tpu.vector_load %arg9[%get3A_119] {strides = array<i32>} : memref<80xi32, #tpu.memory_space<vmem>>, vector<16xi32>,
      %get3A_121 = arith.constant 16 : index
      %get3A_122 = tpu.vector_load %arg11[%get3A_121] {strides = array<i32>} : memref<80xf32, #tpu.memory_space<vmem>>, vector<16xf32>,
      %get3A_123 = arith.constant 16 : index
      %get3A_124 = tpu.vector_load %arg13[%get3A_123] {strides = array<i32>} : memref<80xf32, #tpu.memory_space<vmem>>, vector<16xf32>,
      %ge3A_125 = arith.constant 0 : i32
      %ge3A_126 = vector.broadcast %ge3A_125 : i32 to vector<16xi32>
      %ge3A_127 = arith.cmpi sge, %get3A_120, %ge3A_126 : vector<16xi32>
      %lt3A_128 = arith.constant 80 : i32
      %lt3A_129 = vector.broadcast %lt3A_128 : i32 to vector<16xi32>
      %lt3A_130 = arith.cmpi slt, %get3A_120, %lt3A_129 : vector<16xi32>
      %and3A_131 = arith.andi %ge3A_127, %lt3A_130 : vector<16xi1>
      %jit3A_132 = arith.constant 0 : i32
      %broadcast_in_dim3A_133 = vector.broadcast %jit3A_132 : i32 to vector<16xi32>
      %select_n3A_134 = arith.select %and3A_131, %get3A_120, %broadcast_in_dim3A_133 : vector<16xi1>, vector<16xi32>
      %gather3A_135 = tpu.vector_load_idx %arg7[%add3A_118, %select_n3A_134] : memref<80x80xf32, #tpu.memory_space<vmem>>[vector<16xi32>, vector<16xi32>], vector<16xf32>,
      %bitcast3A_136 = vector.bitcast %gather3A_135 : vector<16xf32> to vector<16xi32>
      %or3A_137 = arith.constant -2147483648 : i32
      %or3A_138 = vector.broadcast %or3A_137 : i32 to vector<16xi32>
      %or3A_139 = arith.ori %bitcast3A_136, %or3A_138 : vector<16xi32>
      %bitcast3A_140 = vector.bitcast %or3A_139 : vector<16xi32> to vector<16xf32>
      %exp3A_141 = math.exp %bitcast3A_140 : vector<16xf32>
      %max3A_142 = arith.constant 0.000000e+00 : f32
      %max3A_143 = vector.broadcast %max3A_142 : f32 to vector<16xf32>
      %max3A_144 = arith.maximumf %gather3A_135, %max3A_143 : vector<16xf32>
      %broadcast_in_dim3A_145 = arith.constant -0.0554593131 : f32
      %broadcast_in_dim3A_146 = vector.broadcast %broadcast_in_dim3A_145 : f32 to vector<16xf32>
      %mul3A_147 = arith.mulf %broadcast_in_dim3A_146, %exp3A_141 : vector<16xf32>
      %add3A_148 = arith.constant 0.218665481 : f32
      %add3A_149 = vector.broadcast %add3A_148 : f32 to vector<16xf32>
      %add3A_150 = arith.addf %mul3A_147, %add3A_149 : vector<16xf32>
      %mul3A_151 = arith.mulf %add3A_150, %exp3A_141 : vector<16xf32>
      %add3A_152 = arith.constant -0.466442436 : f32
      %add3A_153 = vector.broadcast %add3A_152 : f32 to vector<16xf32>
      %add3A_154 = arith.addf %mul3A_151, %add3A_153 : vector<16xf32>
      %mul3A_155 = arith.mulf %add3A_154, %exp3A_141 : vector<16xf32>
      %add3A_156 = arith.constant 0.996261954 : f32
      %add3A_157 = vector.broadcast %add3A_156 : f32 to vector<16xf32>
      %add3A_158 = arith.addf %mul3A_155, %add3A_157 : vector<16xf32>
      %mul3A_159 = arith.mulf %add3A_158, %exp3A_141 : vector<16xf32>
      %add3A_160 = arith.constant 6.94457412E-5 : f32
      %add3A_161 = vector.broadcast %add3A_160 : f32 to vector<16xf32>
      %add3A_162 = arith.addf %mul3A_159, %add3A_161 : vector<16xf32>
      %add3A_163 = arith.addf %max3A_144, %add3A_162 : vector<16xf32>
      %add3A_164 = arith.constant 1.000000e+00 : f32
      %add3A_165 = vector.broadcast %add3A_164 : f32 to vector<16xf32>
      %add3A_166 = arith.addf %add3A_165, %exp3A_141 : vector<16xf32>
      %div3A_167 = arith.constant 1.000000e+00 : f32
      %div3A_168 = vector.broadcast %div3A_167 : f32 to vector<16xf32>
      %div3A_169 = arith.divf %div3A_168, %add3A_166 : vector<16xf32>
      %min3A_170 = arith.constant 0.000000e+00 : f32
      %min3A_171 = vector.broadcast %min3A_170 : f32 to vector<16xf32>
      %min3A_172 = arith.minimumf %gather3A_135, %min3A_171 : vector<16xf32>
      %exp3A_173 = math.exp %min3A_172 : vector<16xf32>
      %mul3A_174 = arith.mulf %div3A_169, %exp3A_173 : vector<16xf32>
      %sub3A_175 = arith.subf %get3A_122, %mul3A_174 : vector<16xf32>
      %mul3A_176 = arith.mulf %gather3A_135, %get3A_122 : vector<16xf32>
      %sub3A_177 = arith.subf %add3A_163, %mul3A_176 : vector<16xf32>
      %mul3A_178 = arith.mulf %sub3A_177, %sub3A_175 : vector<16xf32>
      %mul3A_179 = arith.mulf %mul3A_178, %sub3A_175 : vector<16xf32>
      %mul3A_180 = arith.mulf %add3A_163, %mul3A_174 : vector<16xf32>
      %mul3A_181 = arith.mulf %mul3A_180, %mul3A_174 : vector<16xf32>
      %sub3A_182 = arith.subf %mul3A_179, %mul3A_181 : vector<16xf32>
      %jit3A_183 = arith.constant 0.000000e+00 : f32
      %broadcast_in_dim3A_184 = vector.broadcast %jit3A_183 : f32 to vector<16xf32>
      %select_n3A_185 = arith.select %and3A_131, %sub3A_182, %broadcast_in_dim3A_184 : vector<16xi1>, vector<16xf32>
      %mul3A_186 = arith.mulf %select_n3A_185, %get3A_124 : vector<16xf32>
      %add3A_187 = arith.addf %add3A_115, %mul3A_186 : vector<16xf32>
      %add3A_188 = arith.constant 32 : i32
      %add3A_189 = vector.broadcast %add3A_188 : i32 to vector<16xi32>
      %add3A_190 = arith.addi %add3A_189, %iota3A : vector<16xi32>
      %get3A_191 = arith.constant 32 : index
      %get3A_192 = tpu.vector_load %arg9[%get3A_191] {strides = array<i32>} : memref<80xi32, #tpu.memory_space<vmem>>, vector<16xi32>,
      %get3A_193 = arith.constant 32 : index
      %get3A_194 = tpu.vector_load %arg11[%get3A_193] {strides = array<i32>} : memref<80xf32, #tpu.memory_space<vmem>>, vector<16xf32>,
      %get3A_195 = arith.constant 32 : index
      %get3A_196 = tpu.vector_load %arg13[%get3A_195] {strides = array<i32>} : memref<80xf32, #tpu.memory_space<vmem>>, vector<16xf32>,
      %ge3A_197 = arith.constant 0 : i32
      %ge3A_198 = vector.broadcast %ge3A_197 : i32 to vector<16xi32>
      %ge3A_199 = arith.cmpi sge, %get3A_192, %ge3A_198 : vector<16xi32>
      %lt3A_200 = arith.constant 80 : i32
      %lt3A_201 = vector.broadcast %lt3A_200 : i32 to vector<16xi32>
      %lt3A_202 = arith.cmpi slt, %get3A_192, %lt3A_201 : vector<16xi32>
      %and3A_203 = arith.andi %ge3A_199, %lt3A_202 : vector<16xi1>
      %jit3A_204 = arith.constant 0 : i32
      %broadcast_in_dim3A_205 = vector.broadcast %jit3A_204 : i32 to vector<16xi32>
      %select_n3A_206 = arith.select %and3A_203, %get3A_192, %broadcast_in_dim3A_205 : vector<16xi1>, vector<16xi32>
      %gather3A_207 = tpu.vector_load_idx %arg7[%add3A_190, %select_n3A_206] : memref<80x80xf32, #tpu.memory_space<vmem>>[vector<16xi32>, vector<16xi32>], vector<16xf32>,
      %bitcast3A_208 = vector.bitcast %gather3A_207 : vector<16xf32> to vector<16xi32>
      %or3A_209 = arith.constant -2147483648 : i32
      %or3A_210 = vector.broadcast %or3A_209 : i32 to vector<16xi32>
      %or3A_211 = arith.ori %bitcast3A_208, %or3A_210 : vector<16xi32>
      %bitcast3A_212 = vector.bitcast %or3A_211 : vector<16xi32> to vector<16xf32>
      %exp3A_213 = math.exp %bitcast3A_212 : vector<16xf32>
      %max3A_214 = arith.constant 0.000000e+00 : f32
      %max3A_215 = vector.broadcast %max3A_214 : f32 to vector<16xf32>
      %max3A_216 = arith.maximumf %gather3A_207, %max3A_215 : vector<16xf32>
      %broadcast_in_dim3A_217 = arith.constant -0.0554593131 : f32
      %broadcast_in_dim3A_218 = vector.broadcast %broadcast_in_dim3A_217 : f32 to vector<16xf32>
      %mul3A_219 = arith.mulf %broadcast_in_dim3A_218, %exp3A_213 : vector<16xf32>
      %add3A_220 = arith.constant 0.218665481 : f32
      %add3A_221 = vector.broadcast %add3A_220 : f32 to vector<16xf32>
      %add3A_222 = arith.addf %mul3A_219, %add3A_221 : vector<16xf32>
      %mul3A_223 = arith.mulf %add3A_222, %exp3A_213 : vector<16xf32>
      %add3A_224 = arith.constant -0.466442436 : f32
      %add3A_225 = vector.broadcast %add3A_224 : f32 to vector<16xf32>
      %add3A_226 = arith.addf %mul3A_223, %add3A_225 : vector<16xf32>
      %mul3A_227 = arith.mulf %add3A_226, %exp3A_213 : vector<16xf32>
      %add3A_228 = arith.constant 0.996261954 : f32
      %add3A_229 = vector.broadcast %add3A_228 : f32 to vector<16xf32>
      %add3A_230 = arith.addf %mul3A_227, %add3A_229 : vector<16xf32>
      %mul3A_231 = arith.mulf %add3A_230, %exp3A_213 : vector<16xf32>
      %add3A_232 = arith.constant 6.94457412E-5 : f32
      %add3A_233 = vector.broadcast %add3A_232 : f32 to vector<16xf32>
      %add3A_234 = arith.addf %mul3A_231, %add3A_233 : vector<16xf32>
      %add3A_235 = arith.addf %max3A_216, %add3A_234 : vector<16xf32>
      %add3A_236 = arith.constant 1.000000e+00 : f32
      %add3A_237 = vector.broadcast %add3A_236 : f32 to vector<16xf32>
      %add3A_238 = arith.addf %add3A_237, %exp3A_213 : vector<16xf32>
      %div3A_239 = arith.constant 1.000000e+00 : f32
      %div3A_240 = vector.broadcast %div3A_239 : f32 to vector<16xf32>
      %div3A_241 = arith.divf %div3A_240, %add3A_238 : vector<16xf32>
      %min3A_242 = arith.constant 0.000000e+00 : f32
      %min3A_243 = vector.broadcast %min3A_242 : f32 to vector<16xf32>
      %min3A_244 = arith.minimumf %gather3A_207, %min3A_243 : vector<16xf32>
      %exp3A_245 = math.exp %min3A_244 : vector<16xf32>
      %mul3A_246 = arith.mulf %div3A_241, %exp3A_245 : vector<16xf32>
      %sub3A_247 = arith.subf %get3A_194, %mul3A_246 : vector<16xf32>
      %mul3A_248 = arith.mulf %gather3A_207, %get3A_194 : vector<16xf32>
      %sub3A_249 = arith.subf %add3A_235, %mul3A_248 : vector<16xf32>
      %mul3A_250 = arith.mulf %sub3A_249, %sub3A_247 : vector<16xf32>
      %mul3A_251 = arith.mulf %mul3A_250, %sub3A_247 : vector<16xf32>
      %mul3A_252 = arith.mulf %add3A_235, %mul3A_246 : vector<16xf32>
      %mul3A_253 = arith.mulf %mul3A_252, %mul3A_246 : vector<16xf32>
      %sub3A_254 = arith.subf %mul3A_251, %mul3A_253 : vector<16xf32>
      %jit3A_255 = arith.constant 0.000000e+00 : f32
      %broadcast_in_dim3A_256 = vector.broadcast %jit3A_255 : f32 to vector<16xf32>
      %select_n3A_257 = arith.select %and3A_203, %sub3A_254, %broadcast_in_dim3A_256 : vector<16xi1>, vector<16xf32>
      %mul3A_258 = arith.mulf %select_n3A_257, %get3A_196 : vector<16xf32>
      %add3A_259 = arith.addf %add3A_187, %mul3A_258 : vector<16xf32>
      %add3A_260 = arith.constant 48 : i32
      %add3A_261 = vector.broadcast %add3A_260 : i32 to vector<16xi32>
      %add3A_262 = arith.addi %add3A_261, %iota3A : vector<16xi32>
      %get3A_263 = arith.constant 48 : index
      %get3A_264 = tpu.vector_load %arg9[%get3A_263] {strides = array<i32>} : memref<80xi32, #tpu.memory_space<vmem>>, vector<16xi32>,
      %get3A_265 = arith.constant 48 : index
      %get3A_266 = tpu.vector_load %arg11[%get3A_265] {strides = array<i32>} : memref<80xf32, #tpu.memory_space<vmem>>, vector<16xf32>,
      %get3A_267 = arith.constant 48 : index
      %get3A_268 = tpu.vector_load %arg13[%get3A_267] {strides = array<i32>} : memref<80xf32, #tpu.memory_space<vmem>>, vector<16xf32>,
      %ge3A_269 = arith.constant 0 : i32
      %ge3A_270 = vector.broadcast %ge3A_269 : i32 to vector<16xi32>
      %ge3A_271 = arith.cmpi sge, %get3A_264, %ge3A_270 : vector<16xi32>
      %lt3A_272 = arith.constant 80 : i32
      %lt3A_273 = vector.broadcast %lt3A_272 : i32 to vector<16xi32>
      %lt3A_274 = arith.cmpi slt, %get3A_264, %lt3A_273 : vector<16xi32>
      %and3A_275 = arith.andi %ge3A_271, %lt3A_274 : vector<16xi1>
      %jit3A_276 = arith.constant 0 : i32
      %broadcast_in_dim3A_277 = vector.broadcast %jit3A_276 : i32 to vector<16xi32>
      %select_n3A_278 = arith.select %and3A_275, %get3A_264, %broadcast_in_dim3A_277 : vector<16xi1>, vector<16xi32>
      %gather3A_279 = tpu.vector_load_idx %arg7[%add3A_262, %select_n3A_278] : memref<80x80xf32, #tpu.memory_space<vmem>>[vector<16xi32>, vector<16xi32>], vector<16xf32>,
      %bitcast3A_280 = vector.bitcast %gather3A_279 : vector<16xf32> to vector<16xi32>
      %or3A_281 = arith.constant -2147483648 : i32
      %or3A_282 = vector.broadcast %or3A_281 : i32 to vector<16xi32>
      %or3A_283 = arith.ori %bitcast3A_280, %or3A_282 : vector<16xi32>
      %bitcast3A_284 = vector.bitcast %or3A_283 : vector<16xi32> to vector<16xf32>
      %exp3A_285 = math.exp %bitcast3A_284 : vector<16xf32>
      %max3A_286 = arith.constant 0.000000e+00 : f32
      %max3A_287 = vector.broadcast %max3A_286 : f32 to vector<16xf32>
      %max3A_288 = arith.maximumf %gather3A_279, %max3A_287 : vector<16xf32>
      %broadcast_in_dim3A_289 = arith.constant -0.0554593131 : f32
      %broadcast_in_dim3A_290 = vector.broadcast %broadcast_in_dim3A_289 : f32 to vector<16xf32>
      %mul3A_291 = arith.mulf %broadcast_in_dim3A_290, %exp3A_285 : vector<16xf32>
      %add3A_292 = arith.constant 0.218665481 : f32
      %add3A_293 = vector.broadcast %add3A_292 : f32 to vector<16xf32>
      %add3A_294 = arith.addf %mul3A_291, %add3A_293 : vector<16xf32>
      %mul3A_295 = arith.mulf %add3A_294, %exp3A_285 : vector<16xf32>
      %add3A_296 = arith.constant -0.466442436 : f32
      %add3A_297 = vector.broadcast %add3A_296 : f32 to vector<16xf32>
      %add3A_298 = arith.addf %mul3A_295, %add3A_297 : vector<16xf32>
      %mul3A_299 = arith.mulf %add3A_298, %exp3A_285 : vector<16xf32>
      %add3A_300 = arith.constant 0.996261954 : f32
      %add3A_301 = vector.broadcast %add3A_300 : f32 to vector<16xf32>
      %add3A_302 = arith.addf %mul3A_299, %add3A_301 : vector<16xf32>
      %mul3A_303 = arith.mulf %add3A_302, %exp3A_285 : vector<16xf32>
      %add3A_304 = arith.constant 6.94457412E-5 : f32
      %add3A_305 = vector.broadcast %add3A_304 : f32 to vector<16xf32>
      %add3A_306 = arith.addf %mul3A_303, %add3A_305 : vector<16xf32>
      %add3A_307 = arith.addf %max3A_288, %add3A_306 : vector<16xf32>
      %add3A_308 = arith.constant 1.000000e+00 : f32
      %add3A_309 = vector.broadcast %add3A_308 : f32 to vector<16xf32>
      %add3A_310 = arith.addf %add3A_309, %exp3A_285 : vector<16xf32>
      %div3A_311 = arith.constant 1.000000e+00 : f32
      %div3A_312 = vector.broadcast %div3A_311 : f32 to vector<16xf32>
      %div3A_313 = arith.divf %div3A_312, %add3A_310 : vector<16xf32>
      %min3A_314 = arith.constant 0.000000e+00 : f32
      %min3A_315 = vector.broadcast %min3A_314 : f32 to vector<16xf32>
      %min3A_316 = arith.minimumf %gather3A_279, %min3A_315 : vector<16xf32>
      %exp3A_317 = math.exp %min3A_316 : vector<16xf32>
      %mul3A_318 = arith.mulf %div3A_313, %exp3A_317 : vector<16xf32>
      %sub3A_319 = arith.subf %get3A_266, %mul3A_318 : vector<16xf32>
      %mul3A_320 = arith.mulf %gather3A_279, %get3A_266 : vector<16xf32>
      %sub3A_321 = arith.subf %add3A_307, %mul3A_320 : vector<16xf32>
      %mul3A_322 = arith.mulf %sub3A_321, %sub3A_319 : vector<16xf32>
      %mul3A_323 = arith.mulf %mul3A_322, %sub3A_319 : vector<16xf32>
      %mul3A_324 = arith.mulf %add3A_307, %mul3A_318 : vector<16xf32>
      %mul3A_325 = arith.mulf %mul3A_324, %mul3A_318 : vector<16xf32>
      %sub3A_326 = arith.subf %mul3A_323, %mul3A_325 : vector<16xf32>
      %jit3A_327 = arith.constant 0.000000e+00 : f32
      %broadcast_in_dim3A_328 = vector.broadcast %jit3A_327 : f32 to vector<16xf32>
      %select_n3A_329 = arith.select %and3A_275, %sub3A_326, %broadcast_in_dim3A_328 : vector<16xi1>, vector<16xf32>
      %mul3A_330 = arith.mulf %select_n3A_329, %get3A_268 : vector<16xf32>
      %add3A_331 = arith.addf %add3A_259, %mul3A_330 : vector<16xf32>
      %add3A_332 = arith.constant 64 : i32
      %add3A_333 = vector.broadcast %add3A_332 : i32 to vector<16xi32>
      %add3A_334 = arith.addi %add3A_333, %iota3A : vector<16xi32>
      %get3A_335 = arith.constant 64 : index
      %get3A_336 = tpu.vector_load %arg9[%get3A_335] {strides = array<i32>} : memref<80xi32, #tpu.memory_space<vmem>>, vector<16xi32>,
      %get3A_337 = arith.constant 64 : index
      %get3A_338 = tpu.vector_load %arg11[%get3A_337] {strides = array<i32>} : memref<80xf32, #tpu.memory_space<vmem>>, vector<16xf32>,
      %get3A_339 = arith.constant 64 : index
      %get3A_340 = tpu.vector_load %arg13[%get3A_339] {strides = array<i32>} : memref<80xf32, #tpu.memory_space<vmem>>, vector<16xf32>,
      %ge3A_341 = arith.constant 0 : i32
      %ge3A_342 = vector.broadcast %ge3A_341 : i32 to vector<16xi32>
      %ge3A_343 = arith.cmpi sge, %get3A_336, %ge3A_342 : vector<16xi32>
      %lt3A_344 = arith.constant 80 : i32
      %lt3A_345 = vector.broadcast %lt3A_344 : i32 to vector<16xi32>
      %lt3A_346 = arith.cmpi slt, %get3A_336, %lt3A_345 : vector<16xi32>
      %and3A_347 = arith.andi %ge3A_343, %lt3A_346 : vector<16xi1>
      %jit3A_348 = arith.constant 0 : i32
      %broadcast_in_dim3A_349 = vector.broadcast %jit3A_348 : i32 to vector<16xi32>
      %select_n3A_350 = arith.select %and3A_347, %get3A_336, %broadcast_in_dim3A_349 : vector<16xi1>, vector<16xi32>
      %gather3A_351 = tpu.vector_load_idx %arg7[%add3A_334, %select_n3A_350] : memref<80x80xf32, #tpu.memory_space<vmem>>[vector<16xi32>, vector<16xi32>], vector<16xf32>,
      %bitcast3A_352 = vector.bitcast %gather3A_351 : vector<16xf32> to vector<16xi32>
      %or3A_353 = arith.constant -2147483648 : i32
      %or3A_354 = vector.broadcast %or3A_353 : i32 to vector<16xi32>
      %or3A_355 = arith.ori %bitcast3A_352, %or3A_354 : vector<16xi32>
      %bitcast3A_356 = vector.bitcast %or3A_355 : vector<16xi32> to vector<16xf32>
      %exp3A_357 = math.exp %bitcast3A_356 : vector<16xf32>
      %max3A_358 = arith.constant 0.000000e+00 : f32
      %max3A_359 = vector.broadcast %max3A_358 : f32 to vector<16xf32>
      %max3A_360 = arith.maximumf %gather3A_351, %max3A_359 : vector<16xf32>
      %broadcast_in_dim3A_361 = arith.constant -0.0554593131 : f32
      %broadcast_in_dim3A_362 = vector.broadcast %broadcast_in_dim3A_361 : f32 to vector<16xf32>
      %mul3A_363 = arith.mulf %broadcast_in_dim3A_362, %exp3A_357 : vector<16xf32>
      %add3A_364 = arith.constant 0.218665481 : f32
      %add3A_365 = vector.broadcast %add3A_364 : f32 to vector<16xf32>
      %add3A_366 = arith.addf %mul3A_363, %add3A_365 : vector<16xf32>
      %mul3A_367 = arith.mulf %add3A_366, %exp3A_357 : vector<16xf32>
      %add3A_368 = arith.constant -0.466442436 : f32
      %add3A_369 = vector.broadcast %add3A_368 : f32 to vector<16xf32>
      %add3A_370 = arith.addf %mul3A_367, %add3A_369 : vector<16xf32>
      %mul3A_371 = arith.mulf %add3A_370, %exp3A_357 : vector<16xf32>
      %add3A_372 = arith.constant 0.996261954 : f32
      %add3A_373 = vector.broadcast %add3A_372 : f32 to vector<16xf32>
      %add3A_374 = arith.addf %mul3A_371, %add3A_373 : vector<16xf32>
      %mul3A_375 = arith.mulf %add3A_374, %exp3A_357 : vector<16xf32>
      %add3A_376 = arith.constant 6.94457412E-5 : f32
      %add3A_377 = vector.broadcast %add3A_376 : f32 to vector<16xf32>
      %add3A_378 = arith.addf %mul3A_375, %add3A_377 : vector<16xf32>
      %add3A_379 = arith.addf %max3A_360, %add3A_378 : vector<16xf32>
      %add3A_380 = arith.constant 1.000000e+00 : f32
      %add3A_381 = vector.broadcast %add3A_380 : f32 to vector<16xf32>
      %add3A_382 = arith.addf %add3A_381, %exp3A_357 : vector<16xf32>
      %div3A_383 = arith.constant 1.000000e+00 : f32
      %div3A_384 = vector.broadcast %div3A_383 : f32 to vector<16xf32>
      %div3A_385 = arith.divf %div3A_384, %add3A_382 : vector<16xf32>
      %min3A_386 = arith.constant 0.000000e+00 : f32
      %min3A_387 = vector.broadcast %min3A_386 : f32 to vector<16xf32>
      %min3A_388 = arith.minimumf %gather3A_351, %min3A_387 : vector<16xf32>
      %exp3A_389 = math.exp %min3A_388 : vector<16xf32>
      %mul3A_390 = arith.mulf %div3A_385, %exp3A_389 : vector<16xf32>
      %sub3A_391 = arith.subf %get3A_338, %mul3A_390 : vector<16xf32>
      %mul3A_392 = arith.mulf %gather3A_351, %get3A_338 : vector<16xf32>
      %sub3A_393 = arith.subf %add3A_379, %mul3A_392 : vector<16xf32>
      %mul3A_394 = arith.mulf %sub3A_393, %sub3A_391 : vector<16xf32>
      %mul3A_395 = arith.mulf %mul3A_394, %sub3A_391 : vector<16xf32>
      %mul3A_396 = arith.mulf %add3A_379, %mul3A_390 : vector<16xf32>
      %mul3A_397 = arith.mulf %mul3A_396, %mul3A_390 : vector<16xf32>
      %sub3A_398 = arith.subf %mul3A_395, %mul3A_397 : vector<16xf32>
      %jit3A_399 = arith.constant 0.000000e+00 : f32
      %broadcast_in_dim3A_400 = vector.broadcast %jit3A_399 : f32 to vector<16xf32>
      %select_n3A_401 = arith.select %and3A_347, %sub3A_398, %broadcast_in_dim3A_400 : vector<16xi1>, vector<16xf32>
      %mul3A_402 = arith.mulf %select_n3A_401, %get3A_340 : vector<16xf32>
      %add3A_403 = arith.addf %add3A_331, %mul3A_402 : vector<16xf32>
      %get3A_404 = arith.constant 0 : index
      %get3A_405 = tpu.vector_load %arg15[%get3A_404] {strides = array<i32>} : memref<16xf32, #tpu.memory_space<vmem>>, vector<16xf32>,
      %add3A_406 = arith.addf %get3A_405, %add3A_403 : vector<16xf32>
      %swap3A_407 = arith.constant 0 : index
      %swap3A_408 = tpu.vector_load %arg15[%swap3A_407] {strides = array<i32>} : memref<16xf32, #tpu.memory_space<vmem>>, vector<16xf32>,
      tpu.vector_store %arg15[%swap3A_407], %add3A_406 {strides = array<i32>} : memref<16xf32, #tpu.memory_space<vmem>>, vector<16xf32>,
      %mul3A_409 = arith.constant 2 : i32
      %mul3A_410 = arith.muli %mul3A_409, %scan3A_23 : i32
      %add3A_411 = arith.constant 2 : i32
      %add3A_412 = arith.addi %mul3A_410, %add3A_411 : i32
      %lt3A_413 = arith.cmpi slt, %add3A_412, %select_n3A : i32
      %convert_element_type3A_414 = arith.extui %lt3A_413 : i1 to i32
      %cond3A_415 = arith.constant 0 : i32
      %cond3A_416 = arith.cmpi ne, %convert_element_type3A_414, %cond3A_415 : i32
      scf.if %cond3A_416 {
        %mul3A_425 = arith.constant 2 : i32
        %mul3A_426 = arith.muli %mul3A_425, %scan3A_23 : i32
        %add3A_427 = arith.constant 2 : i32
        %add3A_428 = arith.addi %mul3A_426, %add3A_427 : i32
        %mul3A_429 = arith.constant 32 : i32
        %mul3A_430 = arith.muli %add3A_428, %mul3A_429 : i32
        %add3A_431 = arith.addi %add3A, %mul3A_430 : i32
        %mul3A_432 = arith.constant 80 : i32
        %mul3A_433 = arith.muli %add3A_431, %mul3A_432 : i32
        %dma_start3A_434 = arith.constant 0 : i32
        %dma_start3A_435 = tpu.memref_slice %arg2[%mul3A_433, %dma_start3A_434] : memref<50000x80xf32, #tpu.memory_space<hbm>> -> memref<80x80xf32, #tpu.memory_space<hbm>>
        %dma_start3A_436 = arith.constant 0 : i32
        %dma_start3A_437 = tpu.memref_slice %arg2[%mul3A_433, %dma_start3A_436] : memref<50000x80xf32, #tpu.memory_space<hbm>> -> memref<80x80xf32, #tpu.memory_space<hbm>>
        tpu.enqueue_dma source(%dma_start3A_437 : memref<80x80xf32, #tpu.memory_space<hbm>>) target(%arg7 : memref<80x80xf32, #tpu.memory_space<vmem>>) target_semaphore(%arg16 : memref<!tpu.dma_semaphore, #tpu.memory_space<semaphore_mem>>)
        %dma_start3A_438 = tpu.memref_slice %arg3[%mul3A_433] : memref<50000xi32, #tpu.memory_space<hbm>> -> memref<80xi32, #tpu.memory_space<hbm>>
        %dma_start3A_439 = tpu.memref_slice %arg3[%mul3A_433] : memref<50000xi32, #tpu.memory_space<hbm>> -> memref<80xi32, #tpu.memory_space<hbm>>
        tpu.enqueue_dma source(%dma_start3A_439 : memref<80xi32, #tpu.memory_space<hbm>>) target(%arg9 : memref<80xi32, #tpu.memory_space<vmem>>) target_semaphore(%arg16 : memref<!tpu.dma_semaphore, #tpu.memory_space<semaphore_mem>>)
        %dma_start3A_440 = tpu.memref_slice %arg4[%mul3A_433] : memref<50000xf32, #tpu.memory_space<hbm>> -> memref<80xf32, #tpu.memory_space<hbm>>
        %dma_start3A_441 = tpu.memref_slice %arg4[%mul3A_433] : memref<50000xf32, #tpu.memory_space<hbm>> -> memref<80xf32, #tpu.memory_space<hbm>>
        tpu.enqueue_dma source(%dma_start3A_441 : memref<80xf32, #tpu.memory_space<hbm>>) target(%arg11 : memref<80xf32, #tpu.memory_space<vmem>>) target_semaphore(%arg16 : memref<!tpu.dma_semaphore, #tpu.memory_space<semaphore_mem>>)
        %dma_start3A_442 = tpu.memref_slice %arg5[%mul3A_433] : memref<50000xf32, #tpu.memory_space<hbm>> -> memref<80xf32, #tpu.memory_space<hbm>>
        %dma_start3A_443 = tpu.memref_slice %arg5[%mul3A_433] : memref<50000xf32, #tpu.memory_space<hbm>> -> memref<80xf32, #tpu.memory_space<hbm>>
        tpu.enqueue_dma source(%dma_start3A_443 : memref<80xf32, #tpu.memory_space<hbm>>) target(%arg13 : memref<80xf32, #tpu.memory_space<vmem>>) target_semaphore(%arg16 : memref<!tpu.dma_semaphore, #tpu.memory_space<semaphore_mem>>)
      } else {
      }
      %mul3A_417 = arith.constant 2 : i32
      %mul3A_418 = arith.muli %mul3A_417, %scan3A_23 : i32
      %add3A_419 = arith.constant 1 : i32
      %add3A_420 = arith.addi %mul3A_418, %add3A_419 : i32
      %lt3A_421 = arith.cmpi slt, %add3A_420, %select_n3A : i32
      %convert_element_type3A_422 = arith.extui %lt3A_421 : i1 to i32
      %cond3A_423 = arith.constant 0 : i32
      %cond3A_424 = arith.cmpi ne, %convert_element_type3A_422, %cond3A_423 : i32
      scf.if %cond3A_424 {
        %dma_wait3A_425 = arith.constant 0 : i32
        %dma_wait3A_426 = arith.constant 0 : i32
        %dma_wait3A_427 = tpu.memref_slice %arg2[%dma_wait3A_425, %dma_wait3A_426] : memref<50000x80xf32, #tpu.memory_space<hbm>> -> memref<80x80xf32, #tpu.memory_space<hbm>>
        %dma_wait3A_428 = arith.constant 0 : i32
        %dma_wait3A_429 = arith.constant 0 : i32
        %dma_wait3A_430 = tpu.memref_slice %arg2[%dma_wait3A_428, %dma_wait3A_429] : memref<50000x80xf32, #tpu.memory_space<hbm>> -> memref<80x80xf32, #tpu.memory_space<hbm>>
        tpu.wait_dma2 semaphore(%arg17 : memref<!tpu.dma_semaphore, #tpu.memory_space<semaphore_mem>>) src(%dma_wait3A_430 : memref<80x80xf32, #tpu.memory_space<hbm>>) dst(%arg8 : memref<80x80xf32, #tpu.memory_space<vmem>>)
        %dma_wait3A_431 = arith.constant 0 : i32
        %dma_wait3A_432 = tpu.memref_slice %arg3[%dma_wait3A_431] : memref<50000xi32, #tpu.memory_space<hbm>> -> memref<80xi32, #tpu.memory_space<hbm>>
        %dma_wait3A_433 = arith.constant 0 : i32
        %dma_wait3A_434 = tpu.memref_slice %arg3[%dma_wait3A_433] : memref<50000xi32, #tpu.memory_space<hbm>> -> memref<80xi32, #tpu.memory_space<hbm>>
        tpu.wait_dma2 semaphore(%arg17 : memref<!tpu.dma_semaphore, #tpu.memory_space<semaphore_mem>>) src(%dma_wait3A_434 : memref<80xi32, #tpu.memory_space<hbm>>) dst(%arg10 : memref<80xi32, #tpu.memory_space<vmem>>)
        %dma_wait3A_435 = arith.constant 0 : i32
        %dma_wait3A_436 = tpu.memref_slice %arg4[%dma_wait3A_435] : memref<50000xf32, #tpu.memory_space<hbm>> -> memref<80xf32, #tpu.memory_space<hbm>>
        %dma_wait3A_437 = arith.constant 0 : i32
        %dma_wait3A_438 = tpu.memref_slice %arg4[%dma_wait3A_437] : memref<50000xf32, #tpu.memory_space<hbm>> -> memref<80xf32, #tpu.memory_space<hbm>>
        tpu.wait_dma2 semaphore(%arg17 : memref<!tpu.dma_semaphore, #tpu.memory_space<semaphore_mem>>) src(%dma_wait3A_438 : memref<80xf32, #tpu.memory_space<hbm>>) dst(%arg12 : memref<80xf32, #tpu.memory_space<vmem>>)
        %dma_wait3A_439 = arith.constant 0 : i32
        %dma_wait3A_440 = tpu.memref_slice %arg5[%dma_wait3A_439] : memref<50000xf32, #tpu.memory_space<hbm>> -> memref<80xf32, #tpu.memory_space<hbm>>
        %dma_wait3A_441 = arith.constant 0 : i32
        %dma_wait3A_442 = tpu.memref_slice %arg5[%dma_wait3A_441] : memref<50000xf32, #tpu.memory_space<hbm>> -> memref<80xf32, #tpu.memory_space<hbm>>
        tpu.wait_dma2 semaphore(%arg17 : memref<!tpu.dma_semaphore, #tpu.memory_space<semaphore_mem>>) src(%dma_wait3A_442 : memref<80xf32, #tpu.memory_space<hbm>>) dst(%arg14 : memref<80xf32, #tpu.memory_space<vmem>>)
        %broadcast_in_dim3A_443 = arith.constant 0.000000e+00 : f32
        %broadcast_in_dim3A_444 = vector.broadcast %broadcast_in_dim3A_443 : f32 to vector<16xf32>
        %scan3A_445 = arith.constant 0 : i32
        %scan3A_446 = arith.constant 40 : i32
        %scan3A_447 = arith.addi %scan3A_445, %scan3A_446 : i32
        %scan3A_448 = arith.constant 1 : i32
        %scan3A_449 = scf.for %scan3A_816 = %scan3A_445 to %scan3A_447 step %scan3A_448 iter_args(%scan3A_817 = %broadcast_in_dim3A_444) -> (vector<16xf32>)  : i32 {
          %mul3A_818 = arith.constant 2 : i32
          %mul3A_819 = arith.muli %mul3A_818, %scan3A_816 : i32
          %get3A_820 = arith.index_cast %mul3A_819 : i32 to index
          %get3A_821 = arith.constant 0 : index
          %get3A_822 = tpu.vector_load %arg8[%get3A_820, %get3A_821] {strides = array<i32>} : memref<80x80xf32, #tpu.memory_space<vmem>>, vector<16xf32>,
          %bitcast3A_823 = vector.bitcast %get3A_822 : vector<16xf32> to vector<16xi32>
          %or3A_824 = arith.constant -2147483648 : i32
          %or3A_825 = vector.broadcast %or3A_824 : i32 to vector<16xi32>
          %or3A_826 = arith.ori %bitcast3A_823, %or3A_825 : vector<16xi32>
          %bitcast3A_827 = vector.bitcast %or3A_826 : vector<16xi32> to vector<16xf32>
          %exp3A_828 = math.exp %bitcast3A_827 : vector<16xf32>
          %max3A_829 = arith.constant 0.000000e+00 : f32
          %max3A_830 = vector.broadcast %max3A_829 : f32 to vector<16xf32>
          %max3A_831 = arith.maximumf %get3A_822, %max3A_830 : vector<16xf32>
          %broadcast_in_dim3A_832 = arith.constant -0.0554593131 : f32
          %broadcast_in_dim3A_833 = vector.broadcast %broadcast_in_dim3A_832 : f32 to vector<16xf32>
          %mul3A_834 = arith.mulf %broadcast_in_dim3A_833, %exp3A_828 : vector<16xf32>
          %add3A_835 = arith.constant 0.218665481 : f32
          %add3A_836 = vector.broadcast %add3A_835 : f32 to vector<16xf32>
          %add3A_837 = arith.addf %mul3A_834, %add3A_836 : vector<16xf32>
          %mul3A_838 = arith.mulf %add3A_837, %exp3A_828 : vector<16xf32>
          %add3A_839 = arith.constant -0.466442436 : f32
          %add3A_840 = vector.broadcast %add3A_839 : f32 to vector<16xf32>
          %add3A_841 = arith.addf %mul3A_838, %add3A_840 : vector<16xf32>
          %mul3A_842 = arith.mulf %add3A_841, %exp3A_828 : vector<16xf32>
          %add3A_843 = arith.constant 0.996261954 : f32
          %add3A_844 = vector.broadcast %add3A_843 : f32 to vector<16xf32>
          %add3A_845 = arith.addf %mul3A_842, %add3A_844 : vector<16xf32>
          %mul3A_846 = arith.mulf %add3A_845, %exp3A_828 : vector<16xf32>
          %add3A_847 = arith.constant 6.94457412E-5 : f32
          %add3A_848 = vector.broadcast %add3A_847 : f32 to vector<16xf32>
          %add3A_849 = arith.addf %mul3A_846, %add3A_848 : vector<16xf32>
          %add3A_850 = arith.addf %max3A_831, %add3A_849 : vector<16xf32>
          %add3A_851 = arith.constant 1.000000e+00 : f32
          %add3A_852 = vector.broadcast %add3A_851 : f32 to vector<16xf32>
          %add3A_853 = arith.addf %add3A_852, %exp3A_828 : vector<16xf32>
          %div3A_854 = arith.constant 1.000000e+00 : f32
          %div3A_855 = vector.broadcast %div3A_854 : f32 to vector<16xf32>
          %div3A_856 = arith.divf %div3A_855, %add3A_853 : vector<16xf32>
          %min3A_857 = arith.constant 0.000000e+00 : f32
          %min3A_858 = vector.broadcast %min3A_857 : f32 to vector<16xf32>
          %min3A_859 = arith.minimumf %get3A_822, %min3A_858 : vector<16xf32>
          %exp3A_860 = math.exp %min3A_859 : vector<16xf32>
          %mul3A_861 = arith.mulf %div3A_856, %exp3A_860 : vector<16xf32>
          %mul3A_862 = arith.mulf %add3A_850, %mul3A_861 : vector<16xf32>
          %mul3A_863 = arith.mulf %mul3A_862, %mul3A_861 : vector<16xf32>
          %get3A_864 = arith.index_cast %mul3A_819 : i32 to index
          %get3A_865 = arith.constant 16 : index
          %get3A_866 = tpu.vector_load %arg8[%get3A_864, %get3A_865] {strides = array<i32>} : memref<80x80xf32, #tpu.memory_space<vmem>>, vector<16xf32>,
          %bitcast3A_867 = vector.bitcast %get3A_866 : vector<16xf32> to vector<16xi32>
          %or3A_868 = arith.constant -2147483648 : i32
          %or3A_869 = vector.broadcast %or3A_868 : i32 to vector<16xi32>
          %or3A_870 = arith.ori %bitcast3A_867, %or3A_869 : vector<16xi32>
          %bitcast3A_871 = vector.bitcast %or3A_870 : vector<16xi32> to vector<16xf32>
          %exp3A_872 = math.exp %bitcast3A_871 : vector<16xf32>
          %max3A_873 = arith.constant 0.000000e+00 : f32
          %max3A_874 = vector.broadcast %max3A_873 : f32 to vector<16xf32>
          %max3A_875 = arith.maximumf %get3A_866, %max3A_874 : vector<16xf32>
          %broadcast_in_dim3A_876 = arith.constant -0.0554593131 : f32
          %broadcast_in_dim3A_877 = vector.broadcast %broadcast_in_dim3A_876 : f32 to vector<16xf32>
          %mul3A_878 = arith.mulf %broadcast_in_dim3A_877, %exp3A_872 : vector<16xf32>
          %add3A_879 = arith.constant 0.218665481 : f32
          %add3A_880 = vector.broadcast %add3A_879 : f32 to vector<16xf32>
          %add3A_881 = arith.addf %mul3A_878, %add3A_880 : vector<16xf32>
          %mul3A_882 = arith.mulf %add3A_881, %exp3A_872 : vector<16xf32>
          %add3A_883 = arith.constant -0.466442436 : f32
          %add3A_884 = vector.broadcast %add3A_883 : f32 to vector<16xf32>
          %add3A_885 = arith.addf %mul3A_882, %add3A_884 : vector<16xf32>
          %mul3A_886 = arith.mulf %add3A_885, %exp3A_872 : vector<16xf32>
          %add3A_887 = arith.constant 0.996261954 : f32
          %add3A_888 = vector.broadcast %add3A_887 : f32 to vector<16xf32>
          %add3A_889 = arith.addf %mul3A_886, %add3A_888 : vector<16xf32>
          %mul3A_890 = arith.mulf %add3A_889, %exp3A_872 : vector<16xf32>
          %add3A_891 = arith.constant 6.94457412E-5 : f32
          %add3A_892 = vector.broadcast %add3A_891 : f32 to vector<16xf32>
          %add3A_893 = arith.addf %mul3A_890, %add3A_892 : vector<16xf32>
          %add3A_894 = arith.addf %max3A_875, %add3A_893 : vector<16xf32>
          %add3A_895 = arith.constant 1.000000e+00 : f32
          %add3A_896 = vector.broadcast %add3A_895 : f32 to vector<16xf32>
          %add3A_897 = arith.addf %add3A_896, %exp3A_872 : vector<16xf32>
          %div3A_898 = arith.constant 1.000000e+00 : f32
          %div3A_899 = vector.broadcast %div3A_898 : f32 to vector<16xf32>
          %div3A_900 = arith.divf %div3A_899, %add3A_897 : vector<16xf32>
          %min3A_901 = arith.constant 0.000000e+00 : f32
          %min3A_902 = vector.broadcast %min3A_901 : f32 to vector<16xf32>
          %min3A_903 = arith.minimumf %get3A_866, %min3A_902 : vector<16xf32>
          %exp3A_904 = math.exp %min3A_903 : vector<16xf32>
          %mul3A_905 = arith.mulf %div3A_900, %exp3A_904 : vector<16xf32>
          %mul3A_906 = arith.mulf %add3A_894, %mul3A_905 : vector<16xf32>
          %mul3A_907 = arith.mulf %mul3A_906, %mul3A_905 : vector<16xf32>
          %get3A_908 = arith.index_cast %mul3A_819 : i32 to index
          %get3A_909 = arith.constant 32 : index
          %get3A_910 = tpu.vector_load %arg8[%get3A_908, %get3A_909] {strides = array<i32>} : memref<80x80xf32, #tpu.memory_space<vmem>>, vector<16xf32>,
          %bitcast3A_911 = vector.bitcast %get3A_910 : vector<16xf32> to vector<16xi32>
          %or3A_912 = arith.constant -2147483648 : i32
          %or3A_913 = vector.broadcast %or3A_912 : i32 to vector<16xi32>
          %or3A_914 = arith.ori %bitcast3A_911, %or3A_913 : vector<16xi32>
          %bitcast3A_915 = vector.bitcast %or3A_914 : vector<16xi32> to vector<16xf32>
          %exp3A_916 = math.exp %bitcast3A_915 : vector<16xf32>
          %max3A_917 = arith.constant 0.000000e+00 : f32
          %max3A_918 = vector.broadcast %max3A_917 : f32 to vector<16xf32>
          %max3A_919 = arith.maximumf %get3A_910, %max3A_918 : vector<16xf32>
          %broadcast_in_dim3A_920 = arith.constant -0.0554593131 : f32
          %broadcast_in_dim3A_921 = vector.broadcast %broadcast_in_dim3A_920 : f32 to vector<16xf32>
          %mul3A_922 = arith.mulf %broadcast_in_dim3A_921, %exp3A_916 : vector<16xf32>
          %add3A_923 = arith.constant 0.218665481 : f32
          %add3A_924 = vector.broadcast %add3A_923 : f32 to vector<16xf32>
          %add3A_925 = arith.addf %mul3A_922, %add3A_924 : vector<16xf32>
          %mul3A_926 = arith.mulf %add3A_925, %exp3A_916 : vector<16xf32>
          %add3A_927 = arith.constant -0.466442436 : f32
          %add3A_928 = vector.broadcast %add3A_927 : f32 to vector<16xf32>
          %add3A_929 = arith.addf %mul3A_926, %add3A_928 : vector<16xf32>
          %mul3A_930 = arith.mulf %add3A_929, %exp3A_916 : vector<16xf32>
          %add3A_931 = arith.constant 0.996261954 : f32
          %add3A_932 = vector.broadcast %add3A_931 : f32 to vector<16xf32>
          %add3A_933 = arith.addf %mul3A_930, %add3A_932 : vector<16xf32>
          %mul3A_934 = arith.mulf %add3A_933, %exp3A_916 : vector<16xf32>
          %add3A_935 = arith.constant 6.94457412E-5 : f32
          %add3A_936 = vector.broadcast %add3A_935 : f32 to vector<16xf32>
          %add3A_937 = arith.addf %mul3A_934, %add3A_936 : vector<16xf32>
          %add3A_938 = arith.addf %max3A_919, %add3A_937 : vector<16xf32>
          %add3A_939 = arith.constant 1.000000e+00 : f32
          %add3A_940 = vector.broadcast %add3A_939 : f32 to vector<16xf32>
          %add3A_941 = arith.addf %add3A_940, %exp3A_916 : vector<16xf32>
          %div3A_942 = arith.constant 1.000000e+00 : f32
          %div3A_943 = vector.broadcast %div3A_942 : f32 to vector<16xf32>
          %div3A_944 = arith.divf %div3A_943, %add3A_941 : vector<16xf32>
          %min3A_945 = arith.constant 0.000000e+00 : f32
          %min3A_946 = vector.broadcast %min3A_945 : f32 to vector<16xf32>
          %min3A_947 = arith.minimumf %get3A_910, %min3A_946 : vector<16xf32>
          %exp3A_948 = math.exp %min3A_947 : vector<16xf32>
          %mul3A_949 = arith.mulf %div3A_944, %exp3A_948 : vector<16xf32>
          %mul3A_950 = arith.mulf %add3A_938, %mul3A_949 : vector<16xf32>
          %mul3A_951 = arith.mulf %mul3A_950, %mul3A_949 : vector<16xf32>
          %get3A_952 = arith.index_cast %mul3A_819 : i32 to index
          %get3A_953 = arith.constant 48 : index
          %get3A_954 = tpu.vector_load %arg8[%get3A_952, %get3A_953] {strides = array<i32>} : memref<80x80xf32, #tpu.memory_space<vmem>>, vector<16xf32>,
          %bitcast3A_955 = vector.bitcast %get3A_954 : vector<16xf32> to vector<16xi32>
          %or3A_956 = arith.constant -2147483648 : i32
          %or3A_957 = vector.broadcast %or3A_956 : i32 to vector<16xi32>
          %or3A_958 = arith.ori %bitcast3A_955, %or3A_957 : vector<16xi32>
          %bitcast3A_959 = vector.bitcast %or3A_958 : vector<16xi32> to vector<16xf32>
          %exp3A_960 = math.exp %bitcast3A_959 : vector<16xf32>
          %max3A_961 = arith.constant 0.000000e+00 : f32
          %max3A_962 = vector.broadcast %max3A_961 : f32 to vector<16xf32>
          %max3A_963 = arith.maximumf %get3A_954, %max3A_962 : vector<16xf32>
          %broadcast_in_dim3A_964 = arith.constant -0.0554593131 : f32
          %broadcast_in_dim3A_965 = vector.broadcast %broadcast_in_dim3A_964 : f32 to vector<16xf32>
          %mul3A_966 = arith.mulf %broadcast_in_dim3A_965, %exp3A_960 : vector<16xf32>
          %add3A_967 = arith.constant 0.218665481 : f32
          %add3A_968 = vector.broadcast %add3A_967 : f32 to vector<16xf32>
          %add3A_969 = arith.addf %mul3A_966, %add3A_968 : vector<16xf32>
          %mul3A_970 = arith.mulf %add3A_969, %exp3A_960 : vector<16xf32>
          %add3A_971 = arith.constant -0.466442436 : f32
          %add3A_972 = vector.broadcast %add3A_971 : f32 to vector<16xf32>
          %add3A_973 = arith.addf %mul3A_970, %add3A_972 : vector<16xf32>
          %mul3A_974 = arith.mulf %add3A_973, %exp3A_960 : vector<16xf32>
          %add3A_975 = arith.constant 0.996261954 : f32
          %add3A_976 = vector.broadcast %add3A_975 : f32 to vector<16xf32>
          %add3A_977 = arith.addf %mul3A_974, %add3A_976 : vector<16xf32>
          %mul3A_978 = arith.mulf %add3A_977, %exp3A_960 : vector<16xf32>
          %add3A_979 = arith.constant 6.94457412E-5 : f32
          %add3A_980 = vector.broadcast %add3A_979 : f32 to vector<16xf32>
          %add3A_981 = arith.addf %mul3A_978, %add3A_980 : vector<16xf32>
          %add3A_982 = arith.addf %max3A_963, %add3A_981 : vector<16xf32>
          %add3A_983 = arith.constant 1.000000e+00 : f32
          %add3A_984 = vector.broadcast %add3A_983 : f32 to vector<16xf32>
          %add3A_985 = arith.addf %add3A_984, %exp3A_960 : vector<16xf32>
          %div3A_986 = arith.constant 1.000000e+00 : f32
          %div3A_987 = vector.broadcast %div3A_986 : f32 to vector<16xf32>
          %div3A_988 = arith.divf %div3A_987, %add3A_985 : vector<16xf32>
          %min3A_989 = arith.constant 0.000000e+00 : f32
          %min3A_990 = vector.broadcast %min3A_989 : f32 to vector<16xf32>
          %min3A_991 = arith.minimumf %get3A_954, %min3A_990 : vector<16xf32>
          %exp3A_992 = math.exp %min3A_991 : vector<16xf32>
          %mul3A_993 = arith.mulf %div3A_988, %exp3A_992 : vector<16xf32>
          %mul3A_994 = arith.mulf %add3A_982, %mul3A_993 : vector<16xf32>
          %mul3A_995 = arith.mulf %mul3A_994, %mul3A_993 : vector<16xf32>
          %get3A_996 = arith.index_cast %mul3A_819 : i32 to index
          %get3A_997 = arith.constant 64 : index
          %get3A_998 = tpu.vector_load %arg8[%get3A_996, %get3A_997] {strides = array<i32>} : memref<80x80xf32, #tpu.memory_space<vmem>>, vector<16xf32>,
          %bitcast3A_999 = vector.bitcast %get3A_998 : vector<16xf32> to vector<16xi32>
          %or3A_1000 = arith.constant -2147483648 : i32
          %or3A_1001 = vector.broadcast %or3A_1000 : i32 to vector<16xi32>
          %or3A_1002 = arith.ori %bitcast3A_999, %or3A_1001 : vector<16xi32>
          %bitcast3A_1003 = vector.bitcast %or3A_1002 : vector<16xi32> to vector<16xf32>
          %exp3A_1004 = math.exp %bitcast3A_1003 : vector<16xf32>
          %max3A_1005 = arith.constant 0.000000e+00 : f32
          %max3A_1006 = vector.broadcast %max3A_1005 : f32 to vector<16xf32>
          %max3A_1007 = arith.maximumf %get3A_998, %max3A_1006 : vector<16xf32>
          %broadcast_in_dim3A_1008 = arith.constant -0.0554593131 : f32
          %broadcast_in_dim3A_1009 = vector.broadcast %broadcast_in_dim3A_1008 : f32 to vector<16xf32>
          %mul3A_1010 = arith.mulf %broadcast_in_dim3A_1009, %exp3A_1004 : vector<16xf32>
          %add3A_1011 = arith.constant 0.218665481 : f32
          %add3A_1012 = vector.broadcast %add3A_1011 : f32 to vector<16xf32>
          %add3A_1013 = arith.addf %mul3A_1010, %add3A_1012 : vector<16xf32>
          %mul3A_1014 = arith.mulf %add3A_1013, %exp3A_1004 : vector<16xf32>
          %add3A_1015 = arith.constant -0.466442436 : f32
          %add3A_1016 = vector.broadcast %add3A_1015 : f32 to vector<16xf32>
          %add3A_1017 = arith.addf %mul3A_1014, %add3A_1016 : vector<16xf32>
          %mul3A_1018 = arith.mulf %add3A_1017, %exp3A_1004 : vector<16xf32>
          %add3A_1019 = arith.constant 0.996261954 : f32
          %add3A_1020 = vector.broadcast %add3A_1019 : f32 to vector<16xf32>
          %add3A_1021 = arith.addf %mul3A_1018, %add3A_1020 : vector<16xf32>
          %mul3A_1022 = arith.mulf %add3A_1021, %exp3A_1004 : vector<16xf32>
          %add3A_1023 = arith.constant 6.94457412E-5 : f32
          %add3A_1024 = vector.broadcast %add3A_1023 : f32 to vector<16xf32>
          %add3A_1025 = arith.addf %mul3A_1022, %add3A_1024 : vector<16xf32>
          %add3A_1026 = arith.addf %max3A_1007, %add3A_1025 : vector<16xf32>
          %add3A_1027 = arith.constant 1.000000e+00 : f32
          %add3A_1028 = vector.broadcast %add3A_1027 : f32 to vector<16xf32>
          %add3A_1029 = arith.addf %add3A_1028, %exp3A_1004 : vector<16xf32>
          %div3A_1030 = arith.constant 1.000000e+00 : f32
          %div3A_1031 = vector.broadcast %div3A_1030 : f32 to vector<16xf32>
          %div3A_1032 = arith.divf %div3A_1031, %add3A_1029 : vector<16xf32>
          %min3A_1033 = arith.constant 0.000000e+00 : f32
          %min3A_1034 = vector.broadcast %min3A_1033 : f32 to vector<16xf32>
          %min3A_1035 = arith.minimumf %get3A_998, %min3A_1034 : vector<16xf32>
          %exp3A_1036 = math.exp %min3A_1035 : vector<16xf32>
          %mul3A_1037 = arith.mulf %div3A_1032, %exp3A_1036 : vector<16xf32>
          %mul3A_1038 = arith.mulf %add3A_1026, %mul3A_1037 : vector<16xf32>
          %mul3A_1039 = arith.mulf %mul3A_1038, %mul3A_1037 : vector<16xf32>
          %add3A_1040 = arith.addf %mul3A_863, %mul3A_907 : vector<16xf32>
          %add3A_1041 = arith.addf %mul3A_951, %mul3A_995 : vector<16xf32>
          %add3A_1042 = arith.addf %add3A_1040, %add3A_1041 : vector<16xf32>
          %add3A_1043 = arith.addf %add3A_1042, %mul3A_1039 : vector<16xf32>
          %broadcast_in_dim3A_1044 = arith.constant 0 : i32
          %broadcast_in_dim3A_1045 = vector.broadcast %broadcast_in_dim3A_1044 : i32 to vector<16xi32>
          %add3A_1046 = vector.broadcast %mul3A_819 : i32 to vector<16xi32>
          %add3A_1047 = arith.addi %broadcast_in_dim3A_1045, %add3A_1046 : vector<16xi32>
          %gather3A_1048 = tpu.vector_load_idx %arg14[%add3A_1047] : memref<80xf32, #tpu.memory_space<vmem>>[vector<16xi32>], vector<16xf32>,
          %add3A_1049 = arith.constant 1 : i32
          %add3A_1050 = arith.addi %mul3A_819, %add3A_1049 : i32
          %get3A_1051 = arith.index_cast %add3A_1050 : i32 to index
          %get3A_1052 = arith.constant 0 : index
          %get3A_1053 = tpu.vector_load %arg8[%get3A_1051, %get3A_1052] {strides = array<i32>} : memref<80x80xf32, #tpu.memory_space<vmem>>, vector<16xf32>,
          %bitcast3A_1054 = vector.bitcast %get3A_1053 : vector<16xf32> to vector<16xi32>
          %or3A_1055 = arith.constant -2147483648 : i32
          %or3A_1056 = vector.broadcast %or3A_1055 : i32 to vector<16xi32>
          %or3A_1057 = arith.ori %bitcast3A_1054, %or3A_1056 : vector<16xi32>
          %bitcast3A_1058 = vector.bitcast %or3A_1057 : vector<16xi32> to vector<16xf32>
          %exp3A_1059 = math.exp %bitcast3A_1058 : vector<16xf32>
          %max3A_1060 = arith.constant 0.000000e+00 : f32
          %max3A_1061 = vector.broadcast %max3A_1060 : f32 to vector<16xf32>
          %max3A_1062 = arith.maximumf %get3A_1053, %max3A_1061 : vector<16xf32>
          %broadcast_in_dim3A_1063 = arith.constant -0.0554593131 : f32
          %broadcast_in_dim3A_1064 = vector.broadcast %broadcast_in_dim3A_1063 : f32 to vector<16xf32>
          %mul3A_1065 = arith.mulf %broadcast_in_dim3A_1064, %exp3A_1059 : vector<16xf32>
          %add3A_1066 = arith.constant 0.218665481 : f32
          %add3A_1067 = vector.broadcast %add3A_1066 : f32 to vector<16xf32>
          %add3A_1068 = arith.addf %mul3A_1065, %add3A_1067 : vector<16xf32>
          %mul3A_1069 = arith.mulf %add3A_1068, %exp3A_1059 : vector<16xf32>
          %add3A_1070 = arith.constant -0.466442436 : f32
          %add3A_1071 = vector.broadcast %add3A_1070 : f32 to vector<16xf32>
          %add3A_1072 = arith.addf %mul3A_1069, %add3A_1071 : vector<16xf32>
          %mul3A_1073 = arith.mulf %add3A_1072, %exp3A_1059 : vector<16xf32>
          %add3A_1074 = arith.constant 0.996261954 : f32
          %add3A_1075 = vector.broadcast %add3A_1074 : f32 to vector<16xf32>
          %add3A_1076 = arith.addf %mul3A_1073, %add3A_1075 : vector<16xf32>
          %mul3A_1077 = arith.mulf %add3A_1076, %exp3A_1059 : vector<16xf32>
          %add3A_1078 = arith.constant 6.94457412E-5 : f32
          %add3A_1079 = vector.broadcast %add3A_1078 : f32 to vector<16xf32>
          %add3A_1080 = arith.addf %mul3A_1077, %add3A_1079 : vector<16xf32>
          %add3A_1081 = arith.addf %max3A_1062, %add3A_1080 : vector<16xf32>
          %add3A_1082 = arith.constant 1.000000e+00 : f32
          %add3A_1083 = vector.broadcast %add3A_1082 : f32 to vector<16xf32>
          %add3A_1084 = arith.addf %add3A_1083, %exp3A_1059 : vector<16xf32>
          %div3A_1085 = arith.constant 1.000000e+00 : f32
          %div3A_1086 = vector.broadcast %div3A_1085 : f32 to vector<16xf32>
          %div3A_1087 = arith.divf %div3A_1086, %add3A_1084 : vector<16xf32>
          %min3A_1088 = arith.constant 0.000000e+00 : f32
          %min3A_1089 = vector.broadcast %min3A_1088 : f32 to vector<16xf32>
          %min3A_1090 = arith.minimumf %get3A_1053, %min3A_1089 : vector<16xf32>
          %exp3A_1091 = math.exp %min3A_1090 : vector<16xf32>
          %mul3A_1092 = arith.mulf %div3A_1087, %exp3A_1091 : vector<16xf32>
          %mul3A_1093 = arith.mulf %add3A_1081, %mul3A_1092 : vector<16xf32>
          %mul3A_1094 = arith.mulf %mul3A_1093, %mul3A_1092 : vector<16xf32>
          %get3A_1095 = arith.index_cast %add3A_1050 : i32 to index
          %get3A_1096 = arith.constant 16 : index
          %get3A_1097 = tpu.vector_load %arg8[%get3A_1095, %get3A_1096] {strides = array<i32>} : memref<80x80xf32, #tpu.memory_space<vmem>>, vector<16xf32>,
          %bitcast3A_1098 = vector.bitcast %get3A_1097 : vector<16xf32> to vector<16xi32>
          %or3A_1099 = arith.constant -2147483648 : i32
          %or3A_1100 = vector.broadcast %or3A_1099 : i32 to vector<16xi32>
          %or3A_1101 = arith.ori %bitcast3A_1098, %or3A_1100 : vector<16xi32>
          %bitcast3A_1102 = vector.bitcast %or3A_1101 : vector<16xi32> to vector<16xf32>
          %exp3A_1103 = math.exp %bitcast3A_1102 : vector<16xf32>
          %max3A_1104 = arith.constant 0.000000e+00 : f32
          %max3A_1105 = vector.broadcast %max3A_1104 : f32 to vector<16xf32>
          %max3A_1106 = arith.maximumf %get3A_1097, %max3A_1105 : vector<16xf32>
          %broadcast_in_dim3A_1107 = arith.constant -0.0554593131 : f32
          %broadcast_in_dim3A_1108 = vector.broadcast %broadcast_in_dim3A_1107 : f32 to vector<16xf32>
          %mul3A_1109 = arith.mulf %broadcast_in_dim3A_1108, %exp3A_1103 : vector<16xf32>
          %add3A_1110 = arith.constant 0.218665481 : f32
          %add3A_1111 = vector.broadcast %add3A_1110 : f32 to vector<16xf32>
          %add3A_1112 = arith.addf %mul3A_1109, %add3A_1111 : vector<16xf32>
          %mul3A_1113 = arith.mulf %add3A_1112, %exp3A_1103 : vector<16xf32>
          %add3A_1114 = arith.constant -0.466442436 : f32
          %add3A_1115 = vector.broadcast %add3A_1114 : f32 to vector<16xf32>
          %add3A_1116 = arith.addf %mul3A_1113, %add3A_1115 : vector<16xf32>
          %mul3A_1117 = arith.mulf %add3A_1116, %exp3A_1103 : vector<16xf32>
          %add3A_1118 = arith.constant 0.996261954 : f32
          %add3A_1119 = vector.broadcast %add3A_1118 : f32 to vector<16xf32>
          %add3A_1120 = arith.addf %mul3A_1117, %add3A_1119 : vector<16xf32>
          %mul3A_1121 = arith.mulf %add3A_1120, %exp3A_1103 : vector<16xf32>
          %add3A_1122 = arith.constant 6.94457412E-5 : f32
          %add3A_1123 = vector.broadcast %add3A_1122 : f32 to vector<16xf32>
          %add3A_1124 = arith.addf %mul3A_1121, %add3A_1123 : vector<16xf32>
          %add3A_1125 = arith.addf %max3A_1106, %add3A_1124 : vector<16xf32>
          %add3A_1126 = arith.constant 1.000000e+00 : f32
          %add3A_1127 = vector.broadcast %add3A_1126 : f32 to vector<16xf32>
          %add3A_1128 = arith.addf %add3A_1127, %exp3A_1103 : vector<16xf32>
          %div3A_1129 = arith.constant 1.000000e+00 : f32
          %div3A_1130 = vector.broadcast %div3A_1129 : f32 to vector<16xf32>
          %div3A_1131 = arith.divf %div3A_1130, %add3A_1128 : vector<16xf32>
          %min3A_1132 = arith.constant 0.000000e+00 : f32
          %min3A_1133 = vector.broadcast %min3A_1132 : f32 to vector<16xf32>
          %min3A_1134 = arith.minimumf %get3A_1097, %min3A_1133 : vector<16xf32>
          %exp3A_1135 = math.exp %min3A_1134 : vector<16xf32>
          %mul3A_1136 = arith.mulf %div3A_1131, %exp3A_1135 : vector<16xf32>
          %mul3A_1137 = arith.mulf %add3A_1125, %mul3A_1136 : vector<16xf32>
          %mul3A_1138 = arith.mulf %mul3A_1137, %mul3A_1136 : vector<16xf32>
          %get3A_1139 = arith.index_cast %add3A_1050 : i32 to index
          %get3A_1140 = arith.constant 32 : index
          %get3A_1141 = tpu.vector_load %arg8[%get3A_1139, %get3A_1140] {strides = array<i32>} : memref<80x80xf32, #tpu.memory_space<vmem>>, vector<16xf32>,
          %bitcast3A_1142 = vector.bitcast %get3A_1141 : vector<16xf32> to vector<16xi32>
          %or3A_1143 = arith.constant -2147483648 : i32
          %or3A_1144 = vector.broadcast %or3A_1143 : i32 to vector<16xi32>
          %or3A_1145 = arith.ori %bitcast3A_1142, %or3A_1144 : vector<16xi32>
          %bitcast3A_1146 = vector.bitcast %or3A_1145 : vector<16xi32> to vector<16xf32>
          %exp3A_1147 = math.exp %bitcast3A_1146 : vector<16xf32>
          %max3A_1148 = arith.constant 0.000000e+00 : f32
          %max3A_1149 = vector.broadcast %max3A_1148 : f32 to vector<16xf32>
          %max3A_1150 = arith.maximumf %get3A_1141, %max3A_1149 : vector<16xf32>
          %broadcast_in_dim3A_1151 = arith.constant -0.0554593131 : f32
          %broadcast_in_dim3A_1152 = vector.broadcast %broadcast_in_dim3A_1151 : f32 to vector<16xf32>
          %mul3A_1153 = arith.mulf %broadcast_in_dim3A_1152, %exp3A_1147 : vector<16xf32>
          %add3A_1154 = arith.constant 0.218665481 : f32
          %add3A_1155 = vector.broadcast %add3A_1154 : f32 to vector<16xf32>
          %add3A_1156 = arith.addf %mul3A_1153, %add3A_1155 : vector<16xf32>
          %mul3A_1157 = arith.mulf %add3A_1156, %exp3A_1147 : vector<16xf32>
          %add3A_1158 = arith.constant -0.466442436 : f32
          %add3A_1159 = vector.broadcast %add3A_1158 : f32 to vector<16xf32>
          %add3A_1160 = arith.addf %mul3A_1157, %add3A_1159 : vector<16xf32>
          %mul3A_1161 = arith.mulf %add3A_1160, %exp3A_1147 : vector<16xf32>
          %add3A_1162 = arith.constant 0.996261954 : f32
          %add3A_1163 = vector.broadcast %add3A_1162 : f32 to vector<16xf32>
          %add3A_1164 = arith.addf %mul3A_1161, %add3A_1163 : vector<16xf32>
          %mul3A_1165 = arith.mulf %add3A_1164, %exp3A_1147 : vector<16xf32>
          %add3A_1166 = arith.constant 6.94457412E-5 : f32
          %add3A_1167 = vector.broadcast %add3A_1166 : f32 to vector<16xf32>
          %add3A_1168 = arith.addf %mul3A_1165, %add3A_1167 : vector<16xf32>
          %add3A_1169 = arith.addf %max3A_1150, %add3A_1168 : vector<16xf32>
          %add3A_1170 = arith.constant 1.000000e+00 : f32
          %add3A_1171 = vector.broadcast %add3A_1170 : f32 to vector<16xf32>
          %add3A_1172 = arith.addf %add3A_1171, %exp3A_1147 : vector<16xf32>
          %div3A_1173 = arith.constant 1.000000e+00 : f32
          %div3A_1174 = vector.broadcast %div3A_1173 : f32 to vector<16xf32>
          %div3A_1175 = arith.divf %div3A_1174, %add3A_1172 : vector<16xf32>
          %min3A_1176 = arith.constant 0.000000e+00 : f32
          %min3A_1177 = vector.broadcast %min3A_1176 : f32 to vector<16xf32>
          %min3A_1178 = arith.minimumf %get3A_1141, %min3A_1177 : vector<16xf32>
          %exp3A_1179 = math.exp %min3A_1178 : vector<16xf32>
          %mul3A_1180 = arith.mulf %div3A_1175, %exp3A_1179 : vector<16xf32>
          %mul3A_1181 = arith.mulf %add3A_1169, %mul3A_1180 : vector<16xf32>
          %mul3A_1182 = arith.mulf %mul3A_1181, %mul3A_1180 : vector<16xf32>
          %get3A_1183 = arith.index_cast %add3A_1050 : i32 to index
          %get3A_1184 = arith.constant 48 : index
          %get3A_1185 = tpu.vector_load %arg8[%get3A_1183, %get3A_1184] {strides = array<i32>} : memref<80x80xf32, #tpu.memory_space<vmem>>, vector<16xf32>,
          %bitcast3A_1186 = vector.bitcast %get3A_1185 : vector<16xf32> to vector<16xi32>
          %or3A_1187 = arith.constant -2147483648 : i32
          %or3A_1188 = vector.broadcast %or3A_1187 : i32 to vector<16xi32>
          %or3A_1189 = arith.ori %bitcast3A_1186, %or3A_1188 : vector<16xi32>
          %bitcast3A_1190 = vector.bitcast %or3A_1189 : vector<16xi32> to vector<16xf32>
          %exp3A_1191 = math.exp %bitcast3A_1190 : vector<16xf32>
          %max3A_1192 = arith.constant 0.000000e+00 : f32
          %max3A_1193 = vector.broadcast %max3A_1192 : f32 to vector<16xf32>
          %max3A_1194 = arith.maximumf %get3A_1185, %max3A_1193 : vector<16xf32>
          %broadcast_in_dim3A_1195 = arith.constant -0.0554593131 : f32
          %broadcast_in_dim3A_1196 = vector.broadcast %broadcast_in_dim3A_1195 : f32 to vector<16xf32>
          %mul3A_1197 = arith.mulf %broadcast_in_dim3A_1196, %exp3A_1191 : vector<16xf32>
          %add3A_1198 = arith.constant 0.218665481 : f32
          %add3A_1199 = vector.broadcast %add3A_1198 : f32 to vector<16xf32>
          %add3A_1200 = arith.addf %mul3A_1197, %add3A_1199 : vector<16xf32>
          %mul3A_1201 = arith.mulf %add3A_1200, %exp3A_1191 : vector<16xf32>
          %add3A_1202 = arith.constant -0.466442436 : f32
          %add3A_1203 = vector.broadcast %add3A_1202 : f32 to vector<16xf32>
          %add3A_1204 = arith.addf %mul3A_1201, %add3A_1203 : vector<16xf32>
          %mul3A_1205 = arith.mulf %add3A_1204, %exp3A_1191 : vector<16xf32>
          %add3A_1206 = arith.constant 0.996261954 : f32
          %add3A_1207 = vector.broadcast %add3A_1206 : f32 to vector<16xf32>
          %add3A_1208 = arith.addf %mul3A_1205, %add3A_1207 : vector<16xf32>
          %mul3A_1209 = arith.mulf %add3A_1208, %exp3A_1191 : vector<16xf32>
          %add3A_1210 = arith.constant 6.94457412E-5 : f32
          %add3A_1211 = vector.broadcast %add3A_1210 : f32 to vector<16xf32>
          %add3A_1212 = arith.addf %mul3A_1209, %add3A_1211 : vector<16xf32>
          %add3A_1213 = arith.addf %max3A_1194, %add3A_1212 : vector<16xf32>
          %add3A_1214 = arith.constant 1.000000e+00 : f32
          %add3A_1215 = vector.broadcast %add3A_1214 : f32 to vector<16xf32>
          %add3A_1216 = arith.addf %add3A_1215, %exp3A_1191 : vector<16xf32>
          %div3A_1217 = arith.constant 1.000000e+00 : f32
          %div3A_1218 = vector.broadcast %div3A_1217 : f32 to vector<16xf32>
          %div3A_1219 = arith.divf %div3A_1218, %add3A_1216 : vector<16xf32>
          %min3A_1220 = arith.constant 0.000000e+00 : f32
          %min3A_1221 = vector.broadcast %min3A_1220 : f32 to vector<16xf32>
          %min3A_1222 = arith.minimumf %get3A_1185, %min3A_1221 : vector<16xf32>
          %exp3A_1223 = math.exp %min3A_1222 : vector<16xf32>
          %mul3A_1224 = arith.mulf %div3A_1219, %exp3A_1223 : vector<16xf32>
          %mul3A_1225 = arith.mulf %add3A_1213, %mul3A_1224 : vector<16xf32>
          %mul3A_1226 = arith.mulf %mul3A_1225, %mul3A_1224 : vector<16xf32>
          %get3A_1227 = arith.index_cast %add3A_1050 : i32 to index
          %get3A_1228 = arith.constant 64 : index
          %get3A_1229 = tpu.vector_load %arg8[%get3A_1227, %get3A_1228] {strides = array<i32>} : memref<80x80xf32, #tpu.memory_space<vmem>>, vector<16xf32>,
          %bitcast3A_1230 = vector.bitcast %get3A_1229 : vector<16xf32> to vector<16xi32>
          %or3A_1231 = arith.constant -2147483648 : i32
          %or3A_1232 = vector.broadcast %or3A_1231 : i32 to vector<16xi32>
          %or3A_1233 = arith.ori %bitcast3A_1230, %or3A_1232 : vector<16xi32>
          %bitcast3A_1234 = vector.bitcast %or3A_1233 : vector<16xi32> to vector<16xf32>
          %exp3A_1235 = math.exp %bitcast3A_1234 : vector<16xf32>
          %max3A_1236 = arith.constant 0.000000e+00 : f32
          %max3A_1237 = vector.broadcast %max3A_1236 : f32 to vector<16xf32>
          %max3A_1238 = arith.maximumf %get3A_1229, %max3A_1237 : vector<16xf32>
          %broadcast_in_dim3A_1239 = arith.constant -0.0554593131 : f32
          %broadcast_in_dim3A_1240 = vector.broadcast %broadcast_in_dim3A_1239 : f32 to vector<16xf32>
          %mul3A_1241 = arith.mulf %broadcast_in_dim3A_1240, %exp3A_1235 : vector<16xf32>
          %add3A_1242 = arith.constant 0.218665481 : f32
          %add3A_1243 = vector.broadcast %add3A_1242 : f32 to vector<16xf32>
          %add3A_1244 = arith.addf %mul3A_1241, %add3A_1243 : vector<16xf32>
          %mul3A_1245 = arith.mulf %add3A_1244, %exp3A_1235 : vector<16xf32>
          %add3A_1246 = arith.constant -0.466442436 : f32
          %add3A_1247 = vector.broadcast %add3A_1246 : f32 to vector<16xf32>
          %add3A_1248 = arith.addf %mul3A_1245, %add3A_1247 : vector<16xf32>
          %mul3A_1249 = arith.mulf %add3A_1248, %exp3A_1235 : vector<16xf32>
          %add3A_1250 = arith.constant 0.996261954 : f32
          %add3A_1251 = vector.broadcast %add3A_1250 : f32 to vector<16xf32>
          %add3A_1252 = arith.addf %mul3A_1249, %add3A_1251 : vector<16xf32>
          %mul3A_1253 = arith.mulf %add3A_1252, %exp3A_1235 : vector<16xf32>
          %add3A_1254 = arith.constant 6.94457412E-5 : f32
          %add3A_1255 = vector.broadcast %add3A_1254 : f32 to vector<16xf32>
          %add3A_1256 = arith.addf %mul3A_1253, %add3A_1255 : vector<16xf32>
          %add3A_1257 = arith.addf %max3A_1238, %add3A_1256 : vector<16xf32>
          %add3A_1258 = arith.constant 1.000000e+00 : f32
          %add3A_1259 = vector.broadcast %add3A_1258 : f32 to vector<16xf32>
          %add3A_1260 = arith.addf %add3A_1259, %exp3A_1235 : vector<16xf32>
          %div3A_1261 = arith.constant 1.000000e+00 : f32
          %div3A_1262 = vector.broadcast %div3A_1261 : f32 to vector<16xf32>
          %div3A_1263 = arith.divf %div3A_1262, %add3A_1260 : vector<16xf32>
          %min3A_1264 = arith.constant 0.000000e+00 : f32
          %min3A_1265 = vector.broadcast %min3A_1264 : f32 to vector<16xf32>
          %min3A_1266 = arith.minimumf %get3A_1229, %min3A_1265 : vector<16xf32>
          %exp3A_1267 = math.exp %min3A_1266 : vector<16xf32>
          %mul3A_1268 = arith.mulf %div3A_1263, %exp3A_1267 : vector<16xf32>
          %mul3A_1269 = arith.mulf %add3A_1257, %mul3A_1268 : vector<16xf32>
          %mul3A_1270 = arith.mulf %mul3A_1269, %mul3A_1268 : vector<16xf32>
          %add3A_1271 = arith.addf %mul3A_1094, %mul3A_1138 : vector<16xf32>
          %add3A_1272 = arith.addf %mul3A_1182, %mul3A_1226 : vector<16xf32>
          %add3A_1273 = arith.addf %add3A_1271, %add3A_1272 : vector<16xf32>
          %add3A_1274 = arith.addf %add3A_1273, %mul3A_1270 : vector<16xf32>
          %broadcast_in_dim3A_1275 = arith.constant 1 : i32
          %broadcast_in_dim3A_1276 = vector.broadcast %broadcast_in_dim3A_1275 : i32 to vector<16xi32>
          %add3A_1277 = vector.broadcast %mul3A_819 : i32 to vector<16xi32>
          %add3A_1278 = arith.addi %broadcast_in_dim3A_1276, %add3A_1277 : vector<16xi32>
          %gather3A_1279 = tpu.vector_load_idx %arg14[%add3A_1278] : memref<80xf32, #tpu.memory_space<vmem>>[vector<16xi32>], vector<16xf32>,
          %mul3A_1280 = arith.mulf %add3A_1043, %gather3A_1048 : vector<16xf32>
          %mul3A_1281 = arith.mulf %add3A_1274, %gather3A_1279 : vector<16xf32>
          %add3A_1282 = arith.addf %mul3A_1280, %mul3A_1281 : vector<16xf32>
          %add3A_1283 = arith.addf %scan3A_817, %add3A_1282 : vector<16xf32>
          scf.yield %add3A_1283 : vector<16xf32>
        }
        %scan3A_450 = arith.constant 40 : i32
        %add3A_451 = arith.constant 0 : i32
        %add3A_452 = vector.broadcast %add3A_451 : i32 to vector<16xi32>
        %add3A_453 = arith.addi %add3A_452, %iota3A : vector<16xi32>
        %get3A_454 = arith.constant 0 : index
        %get3A_455 = tpu.vector_load %arg10[%get3A_454] {strides = array<i32>} : memref<80xi32, #tpu.memory_space<vmem>>, vector<16xi32>,
        %get3A_456 = arith.constant 0 : index
        %get3A_457 = tpu.vector_load %arg12[%get3A_456] {strides = array<i32>} : memref<80xf32, #tpu.memory_space<vmem>>, vector<16xf32>,
        %get3A_458 = arith.constant 0 : index
        %get3A_459 = tpu.vector_load %arg14[%get3A_458] {strides = array<i32>} : memref<80xf32, #tpu.memory_space<vmem>>, vector<16xf32>,
        %ge3A_460 = arith.constant 0 : i32
        %ge3A_461 = vector.broadcast %ge3A_460 : i32 to vector<16xi32>
        %ge3A_462 = arith.cmpi sge, %get3A_455, %ge3A_461 : vector<16xi32>
        %lt3A_463 = arith.constant 80 : i32
        %lt3A_464 = vector.broadcast %lt3A_463 : i32 to vector<16xi32>
        %lt3A_465 = arith.cmpi slt, %get3A_455, %lt3A_464 : vector<16xi32>
        %and3A_466 = arith.andi %ge3A_462, %lt3A_465 : vector<16xi1>
        %jit3A_467 = arith.constant 0 : i32
        %broadcast_in_dim3A_468 = vector.broadcast %jit3A_467 : i32 to vector<16xi32>
        %select_n3A_469 = arith.select %and3A_466, %get3A_455, %broadcast_in_dim3A_468 : vector<16xi1>, vector<16xi32>
        %gather3A_470 = tpu.vector_load_idx %arg8[%add3A_453, %select_n3A_469] : memref<80x80xf32, #tpu.memory_space<vmem>>[vector<16xi32>, vector<16xi32>], vector<16xf32>,
        %bitcast3A_471 = vector.bitcast %gather3A_470 : vector<16xf32> to vector<16xi32>
        %or3A_472 = arith.constant -2147483648 : i32
        %or3A_473 = vector.broadcast %or3A_472 : i32 to vector<16xi32>
        %or3A_474 = arith.ori %bitcast3A_471, %or3A_473 : vector<16xi32>
        %bitcast3A_475 = vector.bitcast %or3A_474 : vector<16xi32> to vector<16xf32>
        %exp3A_476 = math.exp %bitcast3A_475 : vector<16xf32>
        %max3A_477 = arith.constant 0.000000e+00 : f32
        %max3A_478 = vector.broadcast %max3A_477 : f32 to vector<16xf32>
        %max3A_479 = arith.maximumf %gather3A_470, %max3A_478 : vector<16xf32>
        %broadcast_in_dim3A_480 = arith.constant -0.0554593131 : f32
        %broadcast_in_dim3A_481 = vector.broadcast %broadcast_in_dim3A_480 : f32 to vector<16xf32>
        %mul3A_482 = arith.mulf %broadcast_in_dim3A_481, %exp3A_476 : vector<16xf32>
        %add3A_483 = arith.constant 0.218665481 : f32
        %add3A_484 = vector.broadcast %add3A_483 : f32 to vector<16xf32>
        %add3A_485 = arith.addf %mul3A_482, %add3A_484 : vector<16xf32>
        %mul3A_486 = arith.mulf %add3A_485, %exp3A_476 : vector<16xf32>
        %add3A_487 = arith.constant -0.466442436 : f32
        %add3A_488 = vector.broadcast %add3A_487 : f32 to vector<16xf32>
        %add3A_489 = arith.addf %mul3A_486, %add3A_488 : vector<16xf32>
        %mul3A_490 = arith.mulf %add3A_489, %exp3A_476 : vector<16xf32>
        %add3A_491 = arith.constant 0.996261954 : f32
        %add3A_492 = vector.broadcast %add3A_491 : f32 to vector<16xf32>
        %add3A_493 = arith.addf %mul3A_490, %add3A_492 : vector<16xf32>
        %mul3A_494 = arith.mulf %add3A_493, %exp3A_476 : vector<16xf32>
        %add3A_495 = arith.constant 6.94457412E-5 : f32
        %add3A_496 = vector.broadcast %add3A_495 : f32 to vector<16xf32>
        %add3A_497 = arith.addf %mul3A_494, %add3A_496 : vector<16xf32>
        %add3A_498 = arith.addf %max3A_479, %add3A_497 : vector<16xf32>
        %add3A_499 = arith.constant 1.000000e+00 : f32
        %add3A_500 = vector.broadcast %add3A_499 : f32 to vector<16xf32>
        %add3A_501 = arith.addf %add3A_500, %exp3A_476 : vector<16xf32>
        %div3A_502 = arith.constant 1.000000e+00 : f32
        %div3A_503 = vector.broadcast %div3A_502 : f32 to vector<16xf32>
        %div3A_504 = arith.divf %div3A_503, %add3A_501 : vector<16xf32>
        %min3A_505 = arith.constant 0.000000e+00 : f32
        %min3A_506 = vector.broadcast %min3A_505 : f32 to vector<16xf32>
        %min3A_507 = arith.minimumf %gather3A_470, %min3A_506 : vector<16xf32>
        %exp3A_508 = math.exp %min3A_507 : vector<16xf32>
        %mul3A_509 = arith.mulf %div3A_504, %exp3A_508 : vector<16xf32>
        %sub3A_510 = arith.subf %get3A_457, %mul3A_509 : vector<16xf32>
        %mul3A_511 = arith.mulf %gather3A_470, %get3A_457 : vector<16xf32>
        %sub3A_512 = arith.subf %add3A_498, %mul3A_511 : vector<16xf32>
        %mul3A_513 = arith.mulf %sub3A_512, %sub3A_510 : vector<16xf32>
        %mul3A_514 = arith.mulf %mul3A_513, %sub3A_510 : vector<16xf32>
        %mul3A_515 = arith.mulf %add3A_498, %mul3A_509 : vector<16xf32>
        %mul3A_516 = arith.mulf %mul3A_515, %mul3A_509 : vector<16xf32>
        %sub3A_517 = arith.subf %mul3A_514, %mul3A_516 : vector<16xf32>
        %jit3A_518 = arith.constant 0.000000e+00 : f32
        %broadcast_in_dim3A_519 = vector.broadcast %jit3A_518 : f32 to vector<16xf32>
        %select_n3A_520 = arith.select %and3A_466, %sub3A_517, %broadcast_in_dim3A_519 : vector<16xi1>, vector<16xf32>
        %mul3A_521 = arith.mulf %select_n3A_520, %get3A_459 : vector<16xf32>
        %add3A_522 = arith.addf %scan3A_449, %mul3A_521 : vector<16xf32>
        %add3A_523 = arith.constant 16 : i32
        %add3A_524 = vector.broadcast %add3A_523 : i32 to vector<16xi32>
        %add3A_525 = arith.addi %add3A_524, %iota3A : vector<16xi32>
        %get3A_526 = arith.constant 16 : index
        %get3A_527 = tpu.vector_load %arg10[%get3A_526] {strides = array<i32>} : memref<80xi32, #tpu.memory_space<vmem>>, vector<16xi32>,
        %get3A_528 = arith.constant 16 : index
        %get3A_529 = tpu.vector_load %arg12[%get3A_528] {strides = array<i32>} : memref<80xf32, #tpu.memory_space<vmem>>, vector<16xf32>,
        %get3A_530 = arith.constant 16 : index
        %get3A_531 = tpu.vector_load %arg14[%get3A_530] {strides = array<i32>} : memref<80xf32, #tpu.memory_space<vmem>>, vector<16xf32>,
        %ge3A_532 = arith.constant 0 : i32
        %ge3A_533 = vector.broadcast %ge3A_532 : i32 to vector<16xi32>
        %ge3A_534 = arith.cmpi sge, %get3A_527, %ge3A_533 : vector<16xi32>
        %lt3A_535 = arith.constant 80 : i32
        %lt3A_536 = vector.broadcast %lt3A_535 : i32 to vector<16xi32>
        %lt3A_537 = arith.cmpi slt, %get3A_527, %lt3A_536 : vector<16xi32>
        %and3A_538 = arith.andi %ge3A_534, %lt3A_537 : vector<16xi1>
        %jit3A_539 = arith.constant 0 : i32
        %broadcast_in_dim3A_540 = vector.broadcast %jit3A_539 : i32 to vector<16xi32>
        %select_n3A_541 = arith.select %and3A_538, %get3A_527, %broadcast_in_dim3A_540 : vector<16xi1>, vector<16xi32>
        %gather3A_542 = tpu.vector_load_idx %arg8[%add3A_525, %select_n3A_541] : memref<80x80xf32, #tpu.memory_space<vmem>>[vector<16xi32>, vector<16xi32>], vector<16xf32>,
        %bitcast3A_543 = vector.bitcast %gather3A_542 : vector<16xf32> to vector<16xi32>
        %or3A_544 = arith.constant -2147483648 : i32
        %or3A_545 = vector.broadcast %or3A_544 : i32 to vector<16xi32>
        %or3A_546 = arith.ori %bitcast3A_543, %or3A_545 : vector<16xi32>
        %bitcast3A_547 = vector.bitcast %or3A_546 : vector<16xi32> to vector<16xf32>
        %exp3A_548 = math.exp %bitcast3A_547 : vector<16xf32>
        %max3A_549 = arith.constant 0.000000e+00 : f32
        %max3A_550 = vector.broadcast %max3A_549 : f32 to vector<16xf32>
        %max3A_551 = arith.maximumf %gather3A_542, %max3A_550 : vector<16xf32>
        %broadcast_in_dim3A_552 = arith.constant -0.0554593131 : f32
        %broadcast_in_dim3A_553 = vector.broadcast %broadcast_in_dim3A_552 : f32 to vector<16xf32>
        %mul3A_554 = arith.mulf %broadcast_in_dim3A_553, %exp3A_548 : vector<16xf32>
        %add3A_555 = arith.constant 0.218665481 : f32
        %add3A_556 = vector.broadcast %add3A_555 : f32 to vector<16xf32>
        %add3A_557 = arith.addf %mul3A_554, %add3A_556 : vector<16xf32>
        %mul3A_558 = arith.mulf %add3A_557, %exp3A_548 : vector<16xf32>
        %add3A_559 = arith.constant -0.466442436 : f32
        %add3A_560 = vector.broadcast %add3A_559 : f32 to vector<16xf32>
        %add3A_561 = arith.addf %mul3A_558, %add3A_560 : vector<16xf32>
        %mul3A_562 = arith.mulf %add3A_561, %exp3A_548 : vector<16xf32>
        %add3A_563 = arith.constant 0.996261954 : f32
        %add3A_564 = vector.broadcast %add3A_563 : f32 to vector<16xf32>
        %add3A_565 = arith.addf %mul3A_562, %add3A_564 : vector<16xf32>
        %mul3A_566 = arith.mulf %add3A_565, %exp3A_548 : vector<16xf32>
        %add3A_567 = arith.constant 6.94457412E-5 : f32
        %add3A_568 = vector.broadcast %add3A_567 : f32 to vector<16xf32>
        %add3A_569 = arith.addf %mul3A_566, %add3A_568 : vector<16xf32>
        %add3A_570 = arith.addf %max3A_551, %add3A_569 : vector<16xf32>
        %add3A_571 = arith.constant 1.000000e+00 : f32
        %add3A_572 = vector.broadcast %add3A_571 : f32 to vector<16xf32>
        %add3A_573 = arith.addf %add3A_572, %exp3A_548 : vector<16xf32>
        %div3A_574 = arith.constant 1.000000e+00 : f32
        %div3A_575 = vector.broadcast %div3A_574 : f32 to vector<16xf32>
        %div3A_576 = arith.divf %div3A_575, %add3A_573 : vector<16xf32>
        %min3A_577 = arith.constant 0.000000e+00 : f32
        %min3A_578 = vector.broadcast %min3A_577 : f32 to vector<16xf32>
        %min3A_579 = arith.minimumf %gather3A_542, %min3A_578 : vector<16xf32>
        %exp3A_580 = math.exp %min3A_579 : vector<16xf32>
        %mul3A_581 = arith.mulf %div3A_576, %exp3A_580 : vector<16xf32>
        %sub3A_582 = arith.subf %get3A_529, %mul3A_581 : vector<16xf32>
        %mul3A_583 = arith.mulf %gather3A_542, %get3A_529 : vector<16xf32>
        %sub3A_584 = arith.subf %add3A_570, %mul3A_583 : vector<16xf32>
        %mul3A_585 = arith.mulf %sub3A_584, %sub3A_582 : vector<16xf32>
        %mul3A_586 = arith.mulf %mul3A_585, %sub3A_582 : vector<16xf32>
        %mul3A_587 = arith.mulf %add3A_570, %mul3A_581 : vector<16xf32>
        %mul3A_588 = arith.mulf %mul3A_587, %mul3A_581 : vector<16xf32>
        %sub3A_589 = arith.subf %mul3A_586, %mul3A_588 : vector<16xf32>
        %jit3A_590 = arith.constant 0.000000e+00 : f32
        %broadcast_in_dim3A_591 = vector.broadcast %jit3A_590 : f32 to vector<16xf32>
        %select_n3A_592 = arith.select %and3A_538, %sub3A_589, %broadcast_in_dim3A_591 : vector<16xi1>, vector<16xf32>
        %mul3A_593 = arith.mulf %select_n3A_592, %get3A_531 : vector<16xf32>
        %add3A_594 = arith.addf %add3A_522, %mul3A_593 : vector<16xf32>
        %add3A_595 = arith.constant 32 : i32
        %add3A_596 = vector.broadcast %add3A_595 : i32 to vector<16xi32>
        %add3A_597 = arith.addi %add3A_596, %iota3A : vector<16xi32>
        %get3A_598 = arith.constant 32 : index
        %get3A_599 = tpu.vector_load %arg10[%get3A_598] {strides = array<i32>} : memref<80xi32, #tpu.memory_space<vmem>>, vector<16xi32>,
        %get3A_600 = arith.constant 32 : index
        %get3A_601 = tpu.vector_load %arg12[%get3A_600] {strides = array<i32>} : memref<80xf32, #tpu.memory_space<vmem>>, vector<16xf32>,
        %get3A_602 = arith.constant 32 : index
        %get3A_603 = tpu.vector_load %arg14[%get3A_602] {strides = array<i32>} : memref<80xf32, #tpu.memory_space<vmem>>, vector<16xf32>,
        %ge3A_604 = arith.constant 0 : i32
        %ge3A_605 = vector.broadcast %ge3A_604 : i32 to vector<16xi32>
        %ge3A_606 = arith.cmpi sge, %get3A_599, %ge3A_605 : vector<16xi32>
        %lt3A_607 = arith.constant 80 : i32
        %lt3A_608 = vector.broadcast %lt3A_607 : i32 to vector<16xi32>
        %lt3A_609 = arith.cmpi slt, %get3A_599, %lt3A_608 : vector<16xi32>
        %and3A_610 = arith.andi %ge3A_606, %lt3A_609 : vector<16xi1>
        %jit3A_611 = arith.constant 0 : i32
        %broadcast_in_dim3A_612 = vector.broadcast %jit3A_611 : i32 to vector<16xi32>
        %select_n3A_613 = arith.select %and3A_610, %get3A_599, %broadcast_in_dim3A_612 : vector<16xi1>, vector<16xi32>
        %gather3A_614 = tpu.vector_load_idx %arg8[%add3A_597, %select_n3A_613] : memref<80x80xf32, #tpu.memory_space<vmem>>[vector<16xi32>, vector<16xi32>], vector<16xf32>,
        %bitcast3A_615 = vector.bitcast %gather3A_614 : vector<16xf32> to vector<16xi32>
        %or3A_616 = arith.constant -2147483648 : i32
        %or3A_617 = vector.broadcast %or3A_616 : i32 to vector<16xi32>
        %or3A_618 = arith.ori %bitcast3A_615, %or3A_617 : vector<16xi32>
        %bitcast3A_619 = vector.bitcast %or3A_618 : vector<16xi32> to vector<16xf32>
        %exp3A_620 = math.exp %bitcast3A_619 : vector<16xf32>
        %max3A_621 = arith.constant 0.000000e+00 : f32
        %max3A_622 = vector.broadcast %max3A_621 : f32 to vector<16xf32>
        %max3A_623 = arith.maximumf %gather3A_614, %max3A_622 : vector<16xf32>
        %broadcast_in_dim3A_624 = arith.constant -0.0554593131 : f32
        %broadcast_in_dim3A_625 = vector.broadcast %broadcast_in_dim3A_624 : f32 to vector<16xf32>
        %mul3A_626 = arith.mulf %broadcast_in_dim3A_625, %exp3A_620 : vector<16xf32>
        %add3A_627 = arith.constant 0.218665481 : f32
        %add3A_628 = vector.broadcast %add3A_627 : f32 to vector<16xf32>
        %add3A_629 = arith.addf %mul3A_626, %add3A_628 : vector<16xf32>
        %mul3A_630 = arith.mulf %add3A_629, %exp3A_620 : vector<16xf32>
        %add3A_631 = arith.constant -0.466442436 : f32
        %add3A_632 = vector.broadcast %add3A_631 : f32 to vector<16xf32>
        %add3A_633 = arith.addf %mul3A_630, %add3A_632 : vector<16xf32>
        %mul3A_634 = arith.mulf %add3A_633, %exp3A_620 : vector<16xf32>
        %add3A_635 = arith.constant 0.996261954 : f32
        %add3A_636 = vector.broadcast %add3A_635 : f32 to vector<16xf32>
        %add3A_637 = arith.addf %mul3A_634, %add3A_636 : vector<16xf32>
        %mul3A_638 = arith.mulf %add3A_637, %exp3A_620 : vector<16xf32>
        %add3A_639 = arith.constant 6.94457412E-5 : f32
        %add3A_640 = vector.broadcast %add3A_639 : f32 to vector<16xf32>
        %add3A_641 = arith.addf %mul3A_638, %add3A_640 : vector<16xf32>
        %add3A_642 = arith.addf %max3A_623, %add3A_641 : vector<16xf32>
        %add3A_643 = arith.constant 1.000000e+00 : f32
        %add3A_644 = vector.broadcast %add3A_643 : f32 to vector<16xf32>
        %add3A_645 = arith.addf %add3A_644, %exp3A_620 : vector<16xf32>
        %div3A_646 = arith.constant 1.000000e+00 : f32
        %div3A_647 = vector.broadcast %div3A_646 : f32 to vector<16xf32>
        %div3A_648 = arith.divf %div3A_647, %add3A_645 : vector<16xf32>
        %min3A_649 = arith.constant 0.000000e+00 : f32
        %min3A_650 = vector.broadcast %min3A_649 : f32 to vector<16xf32>
        %min3A_651 = arith.minimumf %gather3A_614, %min3A_650 : vector<16xf32>
        %exp3A_652 = math.exp %min3A_651 : vector<16xf32>
        %mul3A_653 = arith.mulf %div3A_648, %exp3A_652 : vector<16xf32>
        %sub3A_654 = arith.subf %get3A_601, %mul3A_653 : vector<16xf32>
        %mul3A_655 = arith.mulf %gather3A_614, %get3A_601 : vector<16xf32>
        %sub3A_656 = arith.subf %add3A_642, %mul3A_655 : vector<16xf32>
        %mul3A_657 = arith.mulf %sub3A_656, %sub3A_654 : vector<16xf32>
        %mul3A_658 = arith.mulf %mul3A_657, %sub3A_654 : vector<16xf32>
        %mul3A_659 = arith.mulf %add3A_642, %mul3A_653 : vector<16xf32>
        %mul3A_660 = arith.mulf %mul3A_659, %mul3A_653 : vector<16xf32>
        %sub3A_661 = arith.subf %mul3A_658, %mul3A_660 : vector<16xf32>
        %jit3A_662 = arith.constant 0.000000e+00 : f32
        %broadcast_in_dim3A_663 = vector.broadcast %jit3A_662 : f32 to vector<16xf32>
        %select_n3A_664 = arith.select %and3A_610, %sub3A_661, %broadcast_in_dim3A_663 : vector<16xi1>, vector<16xf32>
        %mul3A_665 = arith.mulf %select_n3A_664, %get3A_603 : vector<16xf32>
        %add3A_666 = arith.addf %add3A_594, %mul3A_665 : vector<16xf32>
        %add3A_667 = arith.constant 48 : i32
        %add3A_668 = vector.broadcast %add3A_667 : i32 to vector<16xi32>
        %add3A_669 = arith.addi %add3A_668, %iota3A : vector<16xi32>
        %get3A_670 = arith.constant 48 : index
        %get3A_671 = tpu.vector_load %arg10[%get3A_670] {strides = array<i32>} : memref<80xi32, #tpu.memory_space<vmem>>, vector<16xi32>,
        %get3A_672 = arith.constant 48 : index
        %get3A_673 = tpu.vector_load %arg12[%get3A_672] {strides = array<i32>} : memref<80xf32, #tpu.memory_space<vmem>>, vector<16xf32>,
        %get3A_674 = arith.constant 48 : index
        %get3A_675 = tpu.vector_load %arg14[%get3A_674] {strides = array<i32>} : memref<80xf32, #tpu.memory_space<vmem>>, vector<16xf32>,
        %ge3A_676 = arith.constant 0 : i32
        %ge3A_677 = vector.broadcast %ge3A_676 : i32 to vector<16xi32>
        %ge3A_678 = arith.cmpi sge, %get3A_671, %ge3A_677 : vector<16xi32>
        %lt3A_679 = arith.constant 80 : i32
        %lt3A_680 = vector.broadcast %lt3A_679 : i32 to vector<16xi32>
        %lt3A_681 = arith.cmpi slt, %get3A_671, %lt3A_680 : vector<16xi32>
        %and3A_682 = arith.andi %ge3A_678, %lt3A_681 : vector<16xi1>
        %jit3A_683 = arith.constant 0 : i32
        %broadcast_in_dim3A_684 = vector.broadcast %jit3A_683 : i32 to vector<16xi32>
        %select_n3A_685 = arith.select %and3A_682, %get3A_671, %broadcast_in_dim3A_684 : vector<16xi1>, vector<16xi32>
        %gather3A_686 = tpu.vector_load_idx %arg8[%add3A_669, %select_n3A_685] : memref<80x80xf32, #tpu.memory_space<vmem>>[vector<16xi32>, vector<16xi32>], vector<16xf32>,
        %bitcast3A_687 = vector.bitcast %gather3A_686 : vector<16xf32> to vector<16xi32>
        %or3A_688 = arith.constant -2147483648 : i32
        %or3A_689 = vector.broadcast %or3A_688 : i32 to vector<16xi32>
        %or3A_690 = arith.ori %bitcast3A_687, %or3A_689 : vector<16xi32>
        %bitcast3A_691 = vector.bitcast %or3A_690 : vector<16xi32> to vector<16xf32>
        %exp3A_692 = math.exp %bitcast3A_691 : vector<16xf32>
        %max3A_693 = arith.constant 0.000000e+00 : f32
        %max3A_694 = vector.broadcast %max3A_693 : f32 to vector<16xf32>
        %max3A_695 = arith.maximumf %gather3A_686, %max3A_694 : vector<16xf32>
        %broadcast_in_dim3A_696 = arith.constant -0.0554593131 : f32
        %broadcast_in_dim3A_697 = vector.broadcast %broadcast_in_dim3A_696 : f32 to vector<16xf32>
        %mul3A_698 = arith.mulf %broadcast_in_dim3A_697, %exp3A_692 : vector<16xf32>
        %add3A_699 = arith.constant 0.218665481 : f32
        %add3A_700 = vector.broadcast %add3A_699 : f32 to vector<16xf32>
        %add3A_701 = arith.addf %mul3A_698, %add3A_700 : vector<16xf32>
        %mul3A_702 = arith.mulf %add3A_701, %exp3A_692 : vector<16xf32>
        %add3A_703 = arith.constant -0.466442436 : f32
        %add3A_704 = vector.broadcast %add3A_703 : f32 to vector<16xf32>
        %add3A_705 = arith.addf %mul3A_702, %add3A_704 : vector<16xf32>
        %mul3A_706 = arith.mulf %add3A_705, %exp3A_692 : vector<16xf32>
        %add3A_707 = arith.constant 0.996261954 : f32
        %add3A_708 = vector.broadcast %add3A_707 : f32 to vector<16xf32>
        %add3A_709 = arith.addf %mul3A_706, %add3A_708 : vector<16xf32>
        %mul3A_710 = arith.mulf %add3A_709, %exp3A_692 : vector<16xf32>
        %add3A_711 = arith.constant 6.94457412E-5 : f32
        %add3A_712 = vector.broadcast %add3A_711 : f32 to vector<16xf32>
        %add3A_713 = arith.addf %mul3A_710, %add3A_712 : vector<16xf32>
        %add3A_714 = arith.addf %max3A_695, %add3A_713 : vector<16xf32>
        %add3A_715 = arith.constant 1.000000e+00 : f32
        %add3A_716 = vector.broadcast %add3A_715 : f32 to vector<16xf32>
        %add3A_717 = arith.addf %add3A_716, %exp3A_692 : vector<16xf32>
        %div3A_718 = arith.constant 1.000000e+00 : f32
        %div3A_719 = vector.broadcast %div3A_718 : f32 to vector<16xf32>
        %div3A_720 = arith.divf %div3A_719, %add3A_717 : vector<16xf32>
        %min3A_721 = arith.constant 0.000000e+00 : f32
        %min3A_722 = vector.broadcast %min3A_721 : f32 to vector<16xf32>
        %min3A_723 = arith.minimumf %gather3A_686, %min3A_722 : vector<16xf32>
        %exp3A_724 = math.exp %min3A_723 : vector<16xf32>
        %mul3A_725 = arith.mulf %div3A_720, %exp3A_724 : vector<16xf32>
        %sub3A_726 = arith.subf %get3A_673, %mul3A_725 : vector<16xf32>
        %mul3A_727 = arith.mulf %gather3A_686, %get3A_673 : vector<16xf32>
        %sub3A_728 = arith.subf %add3A_714, %mul3A_727 : vector<16xf32>
        %mul3A_729 = arith.mulf %sub3A_728, %sub3A_726 : vector<16xf32>
        %mul3A_730 = arith.mulf %mul3A_729, %sub3A_726 : vector<16xf32>
        %mul3A_731 = arith.mulf %add3A_714, %mul3A_725 : vector<16xf32>
        %mul3A_732 = arith.mulf %mul3A_731, %mul3A_725 : vector<16xf32>
        %sub3A_733 = arith.subf %mul3A_730, %mul3A_732 : vector<16xf32>
        %jit3A_734 = arith.constant 0.000000e+00 : f32
        %broadcast_in_dim3A_735 = vector.broadcast %jit3A_734 : f32 to vector<16xf32>
        %select_n3A_736 = arith.select %and3A_682, %sub3A_733, %broadcast_in_dim3A_735 : vector<16xi1>, vector<16xf32>
        %mul3A_737 = arith.mulf %select_n3A_736, %get3A_675 : vector<16xf32>
        %add3A_738 = arith.addf %add3A_666, %mul3A_737 : vector<16xf32>
        %add3A_739 = arith.constant 64 : i32
        %add3A_740 = vector.broadcast %add3A_739 : i32 to vector<16xi32>
        %add3A_741 = arith.addi %add3A_740, %iota3A : vector<16xi32>
        %get3A_742 = arith.constant 64 : index
        %get3A_743 = tpu.vector_load %arg10[%get3A_742] {strides = array<i32>} : memref<80xi32, #tpu.memory_space<vmem>>, vector<16xi32>,
        %get3A_744 = arith.constant 64 : index
        %get3A_745 = tpu.vector_load %arg12[%get3A_744] {strides = array<i32>} : memref<80xf32, #tpu.memory_space<vmem>>, vector<16xf32>,
        %get3A_746 = arith.constant 64 : index
        %get3A_747 = tpu.vector_load %arg14[%get3A_746] {strides = array<i32>} : memref<80xf32, #tpu.memory_space<vmem>>, vector<16xf32>,
        %ge3A_748 = arith.constant 0 : i32
        %ge3A_749 = vector.broadcast %ge3A_748 : i32 to vector<16xi32>
        %ge3A_750 = arith.cmpi sge, %get3A_743, %ge3A_749 : vector<16xi32>
        %lt3A_751 = arith.constant 80 : i32
        %lt3A_752 = vector.broadcast %lt3A_751 : i32 to vector<16xi32>
        %lt3A_753 = arith.cmpi slt, %get3A_743, %lt3A_752 : vector<16xi32>
        %and3A_754 = arith.andi %ge3A_750, %lt3A_753 : vector<16xi1>
        %jit3A_755 = arith.constant 0 : i32
        %broadcast_in_dim3A_756 = vector.broadcast %jit3A_755 : i32 to vector<16xi32>
        %select_n3A_757 = arith.select %and3A_754, %get3A_743, %broadcast_in_dim3A_756 : vector<16xi1>, vector<16xi32>
        %gather3A_758 = tpu.vector_load_idx %arg8[%add3A_741, %select_n3A_757] : memref<80x80xf32, #tpu.memory_space<vmem>>[vector<16xi32>, vector<16xi32>], vector<16xf32>,
        %bitcast3A_759 = vector.bitcast %gather3A_758 : vector<16xf32> to vector<16xi32>
        %or3A_760 = arith.constant -2147483648 : i32
        %or3A_761 = vector.broadcast %or3A_760 : i32 to vector<16xi32>
        %or3A_762 = arith.ori %bitcast3A_759, %or3A_761 : vector<16xi32>
        %bitcast3A_763 = vector.bitcast %or3A_762 : vector<16xi32> to vector<16xf32>
        %exp3A_764 = math.exp %bitcast3A_763 : vector<16xf32>
        %max3A_765 = arith.constant 0.000000e+00 : f32
        %max3A_766 = vector.broadcast %max3A_765 : f32 to vector<16xf32>
        %max3A_767 = arith.maximumf %gather3A_758, %max3A_766 : vector<16xf32>
        %broadcast_in_dim3A_768 = arith.constant -0.0554593131 : f32
        %broadcast_in_dim3A_769 = vector.broadcast %broadcast_in_dim3A_768 : f32 to vector<16xf32>
        %mul3A_770 = arith.mulf %broadcast_in_dim3A_769, %exp3A_764 : vector<16xf32>
        %add3A_771 = arith.constant 0.218665481 : f32
        %add3A_772 = vector.broadcast %add3A_771 : f32 to vector<16xf32>
        %add3A_773 = arith.addf %mul3A_770, %add3A_772 : vector<16xf32>
        %mul3A_774 = arith.mulf %add3A_773, %exp3A_764 : vector<16xf32>
        %add3A_775 = arith.constant -0.466442436 : f32
        %add3A_776 = vector.broadcast %add3A_775 : f32 to vector<16xf32>
        %add3A_777 = arith.addf %mul3A_774, %add3A_776 : vector<16xf32>
        %mul3A_778 = arith.mulf %add3A_777, %exp3A_764 : vector<16xf32>
        %add3A_779 = arith.constant 0.996261954 : f32
        %add3A_780 = vector.broadcast %add3A_779 : f32 to vector<16xf32>
        %add3A_781 = arith.addf %mul3A_778, %add3A_780 : vector<16xf32>
        %mul3A_782 = arith.mulf %add3A_781, %exp3A_764 : vector<16xf32>
        %add3A_783 = arith.constant 6.94457412E-5 : f32
        %add3A_784 = vector.broadcast %add3A_783 : f32 to vector<16xf32>
        %add3A_785 = arith.addf %mul3A_782, %add3A_784 : vector<16xf32>
        %add3A_786 = arith.addf %max3A_767, %add3A_785 : vector<16xf32>
        %add3A_787 = arith.constant 1.000000e+00 : f32
        %add3A_788 = vector.broadcast %add3A_787 : f32 to vector<16xf32>
        %add3A_789 = arith.addf %add3A_788, %exp3A_764 : vector<16xf32>
        %div3A_790 = arith.constant 1.000000e+00 : f32
        %div3A_791 = vector.broadcast %div3A_790 : f32 to vector<16xf32>
        %div3A_792 = arith.divf %div3A_791, %add3A_789 : vector<16xf32>
        %min3A_793 = arith.constant 0.000000e+00 : f32
        %min3A_794 = vector.broadcast %min3A_793 : f32 to vector<16xf32>
        %min3A_795 = arith.minimumf %gather3A_758, %min3A_794 : vector<16xf32>
        %exp3A_796 = math.exp %min3A_795 : vector<16xf32>
        %mul3A_797 = arith.mulf %div3A_792, %exp3A_796 : vector<16xf32>
        %sub3A_798 = arith.subf %get3A_745, %mul3A_797 : vector<16xf32>
        %mul3A_799 = arith.mulf %gather3A_758, %get3A_745 : vector<16xf32>
        %sub3A_800 = arith.subf %add3A_786, %mul3A_799 : vector<16xf32>
        %mul3A_801 = arith.mulf %sub3A_800, %sub3A_798 : vector<16xf32>
        %mul3A_802 = arith.mulf %mul3A_801, %sub3A_798 : vector<16xf32>
        %mul3A_803 = arith.mulf %add3A_786, %mul3A_797 : vector<16xf32>
        %mul3A_804 = arith.mulf %mul3A_803, %mul3A_797 : vector<16xf32>
        %sub3A_805 = arith.subf %mul3A_802, %mul3A_804 : vector<16xf32>
        %jit3A_806 = arith.constant 0.000000e+00 : f32
        %broadcast_in_dim3A_807 = vector.broadcast %jit3A_806 : f32 to vector<16xf32>
        %select_n3A_808 = arith.select %and3A_754, %sub3A_805, %broadcast_in_dim3A_807 : vector<16xi1>, vector<16xf32>
        %mul3A_809 = arith.mulf %select_n3A_808, %get3A_747 : vector<16xf32>
        %add3A_810 = arith.addf %add3A_738, %mul3A_809 : vector<16xf32>
        %get3A_811 = arith.constant 0 : index
        %get3A_812 = tpu.vector_load %arg15[%get3A_811] {strides = array<i32>} : memref<16xf32, #tpu.memory_space<vmem>>, vector<16xf32>,
        %add3A_813 = arith.addf %get3A_812, %add3A_810 : vector<16xf32>
        %swap3A_814 = arith.constant 0 : index
        %swap3A_815 = tpu.vector_load %arg15[%swap3A_814] {strides = array<i32>} : memref<16xf32, #tpu.memory_space<vmem>>, vector<16xf32>,
        tpu.vector_store %arg15[%swap3A_814], %add3A_813 {strides = array<i32>} : memref<16xf32, #tpu.memory_space<vmem>>, vector<16xf32>,
      } else {
      }
    }
    %scan3A_22 = arith.constant 10 : i32
    "tpu.region"() ({
      %run_scoped3A = tpu.sem_alloc : memref<!tpu.dma_semaphore, #tpu.memory_space<semaphore_mem>>
      %dma_start3A_23 = arith.constant 0 : i32
      %dma_start3A_24 = tpu.memref_slice %arg6[%add3A, %dma_start3A_23] : memref<32x16xf32, #tpu.memory_space<hbm>> -> memref<1x16xf32, #tpu.memory_space<hbm>>
      %dma_start3A_25 = tpu.memref_squeeze %dma_start3A_24 : memref<1x16xf32, #tpu.memory_space<hbm>> -> memref<16xf32, #tpu.memory_space<hbm>>
      %dma_start3A_26 = arith.constant 0 : i32
      %dma_start3A_27 = tpu.memref_slice %arg6[%add3A, %dma_start3A_26] : memref<32x16xf32, #tpu.memory_space<hbm>> -> memref<1x16xf32, #tpu.memory_space<hbm>>
      %dma_start3A_28 = tpu.memref_squeeze %dma_start3A_27 : memref<1x16xf32, #tpu.memory_space<hbm>> -> memref<16xf32, #tpu.memory_space<hbm>>
      tpu.enqueue_dma source(%arg15 : memref<16xf32, #tpu.memory_space<vmem>>) target(%dma_start3A_28 : memref<16xf32, #tpu.memory_space<hbm>>) target_semaphore(%run_scoped3A : memref<!tpu.dma_semaphore, #tpu.memory_space<semaphore_mem>>)
      %dma_wait3A = arith.constant 0 : i32
      %dma_wait3A_29 = tpu.memref_slice %arg6[%add3A, %dma_wait3A] : memref<32x16xf32, #tpu.memory_space<hbm>> -> memref<1x16xf32, #tpu.memory_space<hbm>>
      %dma_wait3A_30 = tpu.memref_squeeze %dma_wait3A_29 : memref<1x16xf32, #tpu.memory_space<hbm>> -> memref<16xf32, #tpu.memory_space<hbm>>
      %dma_wait3A_31 = arith.constant 0 : i32
      %dma_wait3A_32 = tpu.memref_slice %arg6[%add3A, %dma_wait3A_31] : memref<32x16xf32, #tpu.memory_space<hbm>> -> memref<1x16xf32, #tpu.memory_space<hbm>>
      %dma_wait3A_33 = tpu.memref_squeeze %dma_wait3A_32 : memref<1x16xf32, #tpu.memory_space<hbm>> -> memref<16xf32, #tpu.memory_space<hbm>>
      tpu.wait_dma2 semaphore(%run_scoped3A : memref<!tpu.dma_semaphore, #tpu.memory_space<semaphore_mem>>) src(%arg15 : memref<16xf32, #tpu.memory_space<vmem>>) dst(%dma_wait3A_33 : memref<16xf32, #tpu.memory_space<hbm>>)
      tpu.yield
    }) : () -> ()
    return
  }
}

</mosaic_0001>

<sc_bundles>
// kernel: _qfl_partials.3.cloned.1.call-start
scs
__scs_entry_jumppad:
0x0: {  	(pc) =	sbr.rel $0x88, $3  }
0x1: {  	(tag) =	ssettag $0x0;
	lr =	simm.s32 $0x1  }
0x2: {  	[smem:$0x3F9D] =	sst lr;
	_ =	strace $0xD0000000  }
0x3: {  	_ = 	snop  }
0x4: {  	_ = 	snop  }
0x5: {  	_ = 	snop  }
0x6: {  	_ = 	snop  }
0x7: {  	_ = 	snop  }
__scs_overlays_trampoline_lowered:
0x8: {  	[smem:$0x3FAC] =	sst s0  }
0x9: {  	[smem:$0x3FAD] =	sst s1  }
0xa: {  	[smem:$0x3FAE] =	sst s2  }
0xb: {  	[smem:$0x3FAF] =	sst s3  }
0xc: {  	[smem:$0x3FB0] =	sst s4  }
0xd: {  	[smem:$0x3FB1] =	sst s5  }
0xe: {  	[smem:$0x3FB2] =	sst s6  }
0xf: {  	[smem:$0x3FB3] =	sst s7  }
0x10: {  	[smem:$0x3FB4] =	sst s8  }
0x11: {  	[smem:$0x3FB5] =	sst s9;
	s0 =	simm.s32 @!p0 $0x0  }
0x12: {  	s1 =	sld [smem:$0x3F9B];
	s0 =	simm.s32 @p0 $0x1  }
0x13: {  	[smem:$0x3FB6] =	sst s0;
	s0 =	simm.s32 @!p1 $0x0  }
0x14: {  	s2 =	sld [smem:$0x3F9A];
	s0 =	simm.s32 @p1 $0x1  }
0x15: {  	[smem:$0x3FB7] =	sst s0;
	s0 =	simm.s32 @!p2 $0x0  }
0x16: {  	s3 =	sld [smem:$0x3FDB];
	s0 =	simm.s32 @p2 $0x1  }
0x17: {  	s4 =	simm.s32 $0x1BF5;
	[smem:$0x3FB9] =	sst s0  }
0x18: {  	s0 =	sld [smem:$0x3F9C];
	_ =	swait.ge [sflag:s4], $0x0  }
0x19: {  	s7 =	sld [smem:$0x3F9D]  }
0x1a: {  	s8 =	sadd.s32 $0xFFFFE003, lr  }
0x1b: {  	s9 =	sadd.s32 $0xFFFFFEF7, lr;
	s5 =	simm.s32 $0xFFFFFFFF;
	p2 =	slt.u32 s8, $0xFFFFF086  }
0x1c: {  	p1 =	slt.u32 s9, $0xF7A;
	s5 =	simm.s32 @!p2 $0x0  }
0x1d: {  	s5 =	simm.s32 @p1 $0x1;
	p0 =	seq.s32 s7, s2  }
0x1e: {  	s7 =	smul.u32 @!p0 $0xF7A, s2;
	p2 =	seq.s32 @!p0 s5, $0x0  }
0x1f: {  	s9 =	smul.u32 $0xF7A, s1;
	s8 =	simm.s32 @!p0 $0x1BF5;
	p2 =	por !p2, p0  }
0x20: {  	[sflag:s8] =	ssyncset.s32 @!p0 $0xFFFFF086;
	s6 =	sadd.s32 @!p0 s3, s7;
	s7 =	simm.s32 @!p0 $0x108  }
0x21: {  	s3 =	sadd.s32 s3, s9;
	s6 =	sadd.s32 @!p0 $0x88, s6;
	s7 =	simm.s32 @p2 $0x1082  }
0x22: {  	[simem:s7], [sflag:s8] =	dma.local @!p0 [hbm:s6], $0xF7A  }
0x23: {  	s9 =	sor.u32 $0xD0000000, s2;
	s6 =	simm.s32 $0x108;
	_ =	swait.ge @!p0 [sflag:s8], $0x0  }
0x24: {  	s3 =	sadd.s32 $0x88, s3;
	s6 =	simm.s32 @!p1 $0x1082;
	[sflag:s4] =	ssyncset.s32 $0xFFFFF086  }
0x25: {  	[simem:s6], [sflag:s4] =	dma.local [hbm:s3], $0xF7A  }
0x26: {  	[smem:$0x3F9D] =	sst s1;
	(tag) =	ssettag s2;
	_ =	strace s9  }
0x27: {  	s1 =	sld [smem:$0x3FAD]  }
0x28: {  	s2 =	sld [smem:$0x3FAE]  }
0x29: {  	s4 =	sld [smem:$0x3FB0]  }
0x2a: {  	p0 =	seq.s32 s5, $0x0;
	s5 =	sld [smem:$0x3FB1]  }
0x2b: {  	s6 =	sld [smem:$0x3FB2]  }
0x2c: {  	s7 =	sld [smem:$0x3FB3]  }
0x2d: {  	s3 =	simm.s32 $0x108;
	s8 =	sld [smem:$0x3FB4]  }
0x2e: {  	s3 =	simm.s32 @!p0 $0x1082;
	s9 =	sld [smem:$0x3FB5]  }
0x2f: {  	lr =	sadd.s32 s0, s3;
	s0 =	sld [smem:$0x3FAC]  }
0x30: {  	s3 =	sld [smem:$0x3FAF]  }
0x31: {  	[smem:$0x3FB8] =	sst s10  }
0x32: {  	s10 =	sld [smem:$0x3FB6];
	_ =	sdelay $0x3  }
0x33: {  	p0 =	seq.s32 s10, $0x1;
	s10 =	sld [smem:$0x3FB8];
	_ =	sdelay $0x3  }
0x34: {  	[smem:$0x3FB8] =	sst s10  }
0x35: {  	s10 =	sld [smem:$0x3FB7];
	_ =	sdelay $0x3  }
0x36: {  	p1 =	seq.s32 s10, $0x1;
	s10 =	sld [smem:$0x3FB8];
	_ =	sdelay $0x3  }
0x37: {  	[smem:$0x3FB8] =	sst s10  }
0x38: {  	s10 =	sld [smem:$0x3FB9]  }
0x39: {  	_ = 	snop;
	(pc) =	sbr.ind lr, $3  }
0x3a: {  	_ = 	snop  }
0x3b: {  	_ = 	snop  }
0x3c: {  	p2 =	seq.s32 s10, $0x1;
	s10 =	sld [smem:$0x3FB8]  }
0x3d: {  	_ =	shalt  }
0x3e: {  	_ =	shalt  }
0x3f: {  	_ =	shalt  }
0x40: {  	_ =	shalt  }
0x41: {  	_ =	shalt  }
0x42: {  	_ =	shalt  }
0x43: {  	_ =	shalt  }
0x44: {  	_ =	shalt  }
0x45: {  	_ =	shalt  }
0x46: {  	_ =	shalt  }
0x47: {  	_ =	shalt  }
0x48: {  	_ =	shalt  }
0x49: {  	_ =	shalt  }
0x4a: {  	_ =	shalt  }
0x4b: {  	_ =	shalt  }
0x4c: {  	_ =	shalt  }
0x4d: {  	_ =	shalt  }
0x4e: {  	_ =	shalt  }
0x4f: {  	_ =	shalt  }
0x50: {  	_ =	shalt  }
0x51: {  	_ =	shalt  }
0x52: {  	_ =	shalt  }
0x53: {  	_ =	shalt  }
0x54: {  	_ =	shalt  }
0x55: {  	_ =	shalt  }
0x56: {  	_ =	shalt  }
0x57: {  	_ =	shalt  }
0x58: {  	_ =	shalt  }
0x59: {  	_ =	shalt  }
0x5a: {  	_ =	shalt  }
0x5b: {  	_ =	shalt  }
0x5c: {  	_ =	shalt  }
0x5d: {  	_ =	shalt  }
0x5e: {  	_ =	shalt  }
0x5f: {  	_ =	shalt  }
0x60: {  	_ =	shalt  }
0x61: {  	_ =	shalt  }
0x62: {  	_ =	shalt  }
0x63: {  	_ =	shalt  }
0x64: {  	_ =	shalt  }
0x65: {  	_ =	shalt  }
0x66: {  	_ =	shalt  }
0x67: {  	_ =	shalt  }
0x68: {  	_ =	shalt  }
0x69: {  	_ =	shalt  }
0x6a: {  	_ =	shalt  }
0x6b: {  	_ =	shalt  }
0x6c: {  	_ =	shalt  }
0x6d: {  	_ =	shalt  }
0x6e: {  	_ =	shalt  }
0x6f: {  	_ =	shalt  }
0x70: {  	_ =	shalt  }
0x71: {  	_ =	shalt  }
0x72: {  	_ =	shalt  }
0x73: {  	_ =	shalt  }
0x74: {  	_ =	shalt  }
0x75: {  	_ =	shalt  }
0x76: {  	_ =	shalt  }
0x77: {  	_ =	shalt  }
0x78: {  	_ =	shalt  }
0x79: {  	_ =	shalt  }
0x7a: {  	_ =	shalt  }
0x7b: {  	_ =	shalt  }
0x7c: {  	_ =	shalt  }
0x7d: {  	_ =	shalt  }
0x7e: {  	_ =	shalt  }
0x7f: {  	_ =	shalt  }
0x80: {  	_ =	shalt  }
0x81: {  	_ =	shalt  }
0x82: {  	_ =	shalt  }
0x83: {  	_ =	shalt  }
0x84: {  	_ =	shalt  }
0x85: {  	_ =	shalt  }
0x86: {  	_ =	shalt  }
0x87: {  	_ =	shalt  }
.Lfunc_end0:
.L_simem_size_0:
called_computation_lowered:
.L_overlay_start_0:
0x88: {  	s2 =	sld [smem:$0x3FD9]  }
0x89: {  	s3 =	sld [smem:$0x3FFE];
	_ =	sdelay $0x1  }
0x8a: {  	s1 =	srdreg.scid  }
0x8b: {  	s0 =	sand.u32 $0x1, s1  }
0x8c: {  	s17 =	sshll.u32 s0, $0xA;
	s2 =	sadd.s32 s3, s2  }
0x8d: {  	s2 =	sadd.s32 s2, s17  }
0x8e: {  	[smem:$0x3FC4] =	sst s2  }
0x8f: {  	_ = 	snop  }
0x90: {  	s2 =	sld [smem:$0x3FC8]  }
0x91: {  	s18 =	sld [smem:$0x3FC7]  }
0x92: {  	s4 =	sld [smem:$0x3FC6];
	(tm) =	ssettm $0x1  }
0x93: {  	s5 =	sld [smem:$0x3FFB];
	_ =	sdelay $0x3  }
0x94: {  	_ =	strace s5  }
0x95: {  	s5 =	sld [smem:$0x3FFC];
	_ =	sdelay $0x3  }
0x96: {  	_ =	strace s5  }
0x97: {  	s5 =	sld [smem:$0x3FFD];
	_ =	sdelay $0x3  }
0x98: {  	_ =	strace s5  }
0x99: {  	_ =	strace $0x8FFFFFFF  }
0x9a: {  	s19 =	sld [smem:$0x3FDB];
	_ =	sdelay $0x1  }
0x9b: {  	s6 =	simm.s32 $_scs_section_size  }
0x9c: {  	s7 =	simm.s32 $_size__tile_overlayer_lowered;
	s8 =	simm.s32 $_tile_overlayer_lowered  }
0x9d: {  	s22 =	simm.s32 $0x1BFF;
	s21 =	sshll.u32 s8, $0x1;
	s5 =	sadd.s32 s6, s19  }
0x9e: {  	s9 =	simm.s32 $0x0;
	s20 =	sshll.u32 s7, $0x1;
	s7 =	sadd.s32 s21, s5  }
0x9f: {  	[timem:s9], [sflag:s22] =	dma.local [hbm:s7], s20  }
0xa0: {  	_ =	swait.ge [sflag:s22], s20  }
0xa1: {  	s6 =	ssub.s32 $0x0, s20;
	[sflag:s22] =	ssyncset.done $0x0  }
0xa2: {  	[sflag:s22] =	ssyncadd.s32 s6;
	_ =	sdelay $0x1  }
0xa3: {  	s23 =	simm.s32 $0x1B8B  }
0xa4: {  	_ =	swait.ge [sflag:s23], $0x1  }
0xa5: {  	[sflag:s23] =	ssyncset.done $0x0  }
0xa6: {  	s25 =	simm.s32 $0x1B8E;
	s24 =	sld [smem:$0x3FFE];
	[sflag:s23] =	ssyncadd.s32 $0xFFFFFFFF  }
0xa7: {  	s26 =	simm.s32 $execute0_lowered;
	[smem:$0x3FD2] =	sst s25  }
0xa8: {  	s7 =	sshll.u32 s26, $0x1;
	_ =	strace $0x80000046;
	[dreg:$0x1] =	wrdreg $0xFFFFFFFF  }
0xa9: {  	s28 =	simm.s32 $_size_execute0_lowered;
	s5 =	sadd.s32 s5, s7;
	[dreg:$0x0] =	wrdreg $0x0  }
0xaa: {  	s7 =	sshll.u32 s28, $0x1;
	[dreg:$0x2] =	wrdreg s5  }
0xab: {  	[dreg:$0x3] =	wrdreg s7  }
0xac: {  	[dreg:$0x4] =	wrdreg $0xC0  }
0xad: {  	_ =	task [dreg:s9], $0x5FFFF  }
0xae: {  	[dreg:$0x1] =	wrdreg $0xFFFFFFFF  }
0xaf: {  	[dreg:$0x0] =	wrdreg $0x60  }
0xb0: {  	[dreg:$0x2] =	wrdreg s24  }
0xb1: {  	[dreg:$0x3] =	wrdreg s2  }
0xb2: {  	[dreg:$0x4] =	wrdreg s18  }
0xb3: {  	[dreg:$0x5] =	wrdreg s4  }
0xb4: {  	[dreg:$0x6] =	wrdreg $0x9  }
0xb5: {  	_ =	task.clear_ibuf [dreg:s9], $0x7FFFF;
	_ =	strace $0x90000046  }
0xb6: {  	s29 =	simm.s32 $0x9;
	_ =	strace $0x80000048  }
0xb7: {  	_ =	swait.ge [sflag:s29], $0x1  }
0xb8: {  	[sflag:s29] =	ssyncadd.s32 $0xFFFFFFFF  }
0xb9: {  	_ =	strace $0x90000048  }
0xba: {  	_ =	sfence  }
0xbb: {  	s30 =	sld [smem:$0x0];
	_ =	sdelay $0x2  }
0xbc: {  	s31 =	sshll.u32 s1, $0xD;
	s1 =	sshrl.u32 s1, $0x2  }
0xbd: {  	s3 =	sand.u32 $0x4000, s31;
	s1 =	sadd.s32 s1, s30  }
0xbe: {  	s0 =	sor.u32 s3, s0;
	s1 =	sshll.u32 s1, $0x11  }
0xbf: {  	s0 =	sor.u32 s1, s0  }
0xc0: {  	s0 =	sadd.s32 $0x8F2B, s0  }
0xc1: {  	[sflag:s0] =	ssyncadd.remote.s32 $0x1  }
0xc2: {  	_ =	sfence.sel $0xFFFF  }
0xc3: {  	[dreg:$0x0] =	wrdreg $0xFFFFFFFF;
	(pc) =	sbr.abs _section_cstart, $3  }
0xc4: {  	[dreg:$0x1] =	wrdreg $0xFFFFFFFF  }
0xc5: {  	_ =	task.clear_ibuf [dreg:s9], $0x2FFFF;
	_ =	strace $0x9FFFFFFF  }
0xc6: {  	(tm) =	ssettm $0x7FFFFFFF  }
0xc7: {  	_ =	shalt  }
tec
execute0_lowered:
.L_overlay_start_1:
0x0: {  	(tag) =	ssettag $0x1  }
0x1: {  	s8 =	rddreg [dreg:$0x0]  }
0x2: {  	s1 =	rddreg [dreg:$0x1]  }
0x3: {  	s2 =	rddreg [dreg:$0x2]  }
0x4: {  	s4 =	rddreg [dreg:$0x3]  }
0x5: {  	s0 =	rddreg [dreg:$0x4]  }
0x6: {  	s5 =	simm.s32 $0x0;
	s6 =	srdreg.scid;
	s3 =	stileid.u32  }
0x7: {  	s15 =	simm.s32 $0x5000;
	s16 =	simm.s32 $0x5100;
	s17 =	simm.s32 $0x5200  }
0x8: {  	s18 =	simm.s32 $0x1;
	s19 =	simm.s32 $0x2;
	s20 =	simm.s32 $0x5280  }
0x9: {  	s21 =	simm.s32 $0x2800;
	s22 =	simm.s32 $0x5300;
	s23 =	simm.s32 $0x3  }
0xa: {  	s24 =	simm.s32 $0x0;
	s9 =	sand.u32 $0x1, s6;
	s30 =	sshll.u32 s3, $0x1  }
0xb: {  	[smem:$0x7FF] =	sst s5;
	s7 =	sadd.s32 $0x400, s8;
	s6 =	sor.u32 s9, s30  }
0xc: {  	s9 =	ssub.s32 $0x2, s9;
	s10 =	sshll.u32 s6, $0x4;
	s11 =	smul.u32 $0x500, s6  }
.Ltmp0:
0xd: {  	v0 =	vlaneseq.u32;
	s31 =	sshrl.u32 s9, $0x1;
	p0 =	slt.u32 s6, $0x11;
	(pc) =	sbr.rel .LBB2_1-.Ltmp0, $4  }
0xe: {  	v0 =	vmul.u32 $0x80, v0;
	s12 =	smul.u32 $0xA, s6;
	s13 =	sadd.s32 s10, s8;
	s8 =	simm.s32 $0x14  }
0xf: {  	_ =	strace $0x80000047;
	s14 =	ssub.s32 s9, s31;
	s8 =	simm.s32 @!p0 $0x13  }
0x10: {  	v1 =	vimm.f32 $0.0e+00;
	v2 =	vor.u32 $0x800, v0;
	s9 =	sadd.s32 s7, s11;
	s10 =	sadd.s32 s1, s12;
	s11 =	sadd.s32 s2, s12  }
0x11: {  	v3 =	vor.u32 $0x1000, v0;
	v4 =	vor.u32 $0x1800, v0;
	v5 =	vor.u32 $0x2000, v0;
	s12 =	sadd.s32 s4, s12;
	s13 =	sadd.s32 $0xC3A00, s13;
	s14 =	smax.u32 s14, $0x1  }
.LBB2_9:
0x12: {  	s24 =	sadd.s32 $0x1, s24  }
0x13: {  	p0 =	sne.s32 s24, s14  }
.Ltmp1:
0x14: {  	_ = 	snop;
	(pc) =	sbr.rel @!p0 .LBB2_10-.Ltmp1, $4  }
0x15: {  	[hbm4b:s13+s5] =	stream.linear.scatter [tilespmem:s22], [sflag:$0x3], $0x80, $0x38;
	[tilespmem:$0x5380] =	vst v63  }
0x16: {  	_ =	swait.ge [sflag:s23], $0x80  }
0x17: {  	[sflag:s23] =	ssyncset.done $0x0  }
0x18: {  	[sflag:s23] =	ssyncadd.s32 $0xFFFFFF80  }
.LBB2_1:
0x19: {  	[tilespmem:$0x5300] =	vst v1  }
0x1a: {  	[tilespmem:s5], [sflag:$0x1] =	stream.linear.gather [hbm4b:s9+s5], $0x2800, $0x38;
	[tilespmem:$0x5380] =	vst v63  }
0x1b: {  	_ = 	snop  }
0x1c: {  	[tilespmem:s15], [sflag:$0x1] =	stream.linear.gather [hbm4b:s10+s5], $0x50, $0x38;
	[tilespmem:$0x5380] =	vst v63  }
.Ltmp2:
0x1d: {  	_ = 	snop;
	(pc) =	sbr.rel .LBB2_2-.Ltmp2, $4  }
0x1e: {  	_ = 	snop  }
0x1f: {  	[tilespmem:s16], [sflag:$0x1] =	stream.linear.gather [hbm4b:s11+s5], $0x50, $0x38;
	[tilespmem:$0x5380] =	vst v63  }
0x20: {  	s25 =	simm.s32 $0x0  }
0x21: {  	[tilespmem:s17], [sflag:$0x1] =	stream.linear.gather [hbm4b:s12+s5], $0x50, $0x38;
	[tilespmem:$0x5380] =	vst v63  }
.LBB2_8:
0x22: {  	s25 =	sadd.s32 $0x1, s25  }
0x23: {  	p0 =	sne.s32 s25, $0xA  }
.Ltmp3:
0x24: {  	_ = 	snop;
	(pc) =	sbr.rel @!p0 .LBB2_9-.Ltmp3, $1  }
0x25: {  	_ =	sdelay $0x3  }
.LBB2_2:
0x26: {  	s26 =	sshllo.u32 s25, $0x1  }
0x27: {  	p0 =	sge.u32 s26, s8  }
0x28: {  	s26 =	sshll.u32 @!p0 s26, $0x5  }
0x29: {  	s26 =	sor.u32 @!p0 s6, s26  }
0x2a: {  	s28 =	smul.u32 @!p0 $0x500, s26  }
0x2b: {  	s29 =	simm.s32 @!p0 $0x0  }
0x2c: {  	s30 =	simm.s32 @!p0 $0x2800;
	s26 =	smul.u32 @!p0 $0xA, s26;
	s28 =	sadd.s32 @!p0 s7, s28  }
0x2d: {  	[tilespmem:s30], [sflag:$0x2] =	stream.linear.gather @!p0 [hbm4b:s28+s29], $0x2800, $0x38;
	[tilespmem:$0x5380] =	vst v63  }
0x2e: {  	s28 =	sadd.s32 @!p0 s1, s26;
	s30 =	simm.s32 @!p0 $0x5080  }
0x2f: {  	[tilespmem:s30], [sflag:$0x2] =	stream.linear.gather @!p0 [hbm4b:s28+s29], $0x50, $0x38;
	[tilespmem:$0x5380] =	vst v63  }
0x30: {  	s28 =	sadd.s32 @!p0 s2, s26;
	s30 =	simm.s32 @!p0 $0x5180  }
0x31: {  	[tilespmem:s30], [sflag:$0x2] =	stream.linear.gather @!p0 [hbm4b:s28+s29], $0x50, $0x38;
	[tilespmem:$0x5380] =	vst v63  }
0x32: {  	s26 =	sadd.s32 @!p0 s4, s26;
	s28 =	simm.s32 @!p0 $0x5280  }
0x33: {  	[tilespmem:s28], [sflag:$0x2] =	stream.linear.gather @!p0 [hbm4b:s26+s29], $0x50, $0x38;
	[tilespmem:$0x5380] =	vst v63  }
0x34: {  	_ =	swait.ge [sflag:s18], $0x2800  }
0x35: {  	[sflag:s18] =	ssyncset.done $0x0  }
0x36: {  	[sflag:s18] =	ssyncadd.s32 $0xFFFFD800  }
0x37: {  	_ =	swait.ge [sflag:s18], $0x50  }
0x38: {  	[sflag:s18] =	ssyncset.done $0x0  }
0x39: {  	[sflag:s18] =	ssyncadd.s32 $0xFFFFFFB0  }
0x3a: {  	_ =	swait.ge [sflag:s18], $0x50  }
0x3b: {  	[sflag:s18] =	ssyncset.done $0x0  }
0x3c: {  	[sflag:s18] =	ssyncadd.s32 $0xFFFFFFB0  }
0x3d: {  	_ =	swait.ge [sflag:s18], $0x50  }
0x3e: {  	[sflag:s18] =	ssyncset.done $0x0  }
0x3f: {  	s28 =	simm.s32 $0x80;
	[sflag:s18] =	ssyncadd.s32 $0xFFFFFFB0  }
0x40: {  	v10 =	vld [tilespmem:s28+$0xFFFFFFC0]  }
0x41: {  	v14 =	vld [tilespmem:s28+$0xFFFFFF80]  }
0x42: {  	v15 =	vld [tilespmem:s28+$0xFFFFFF90]  }
0x43: {  	v9 =	vld [tilespmem:s28+$0x40];
	_ =	sdelay $0x3  }
0x44: {  	v6 =	vimm.f32 $0.0e+00;
	v16 =	vld [tilespmem:s28+$0xFFFFFFA0];
	v11 =	vmax.f32 v14, $0.0e+00  }
0x45: {  	v17 =	vld [tilespmem:s28+$0xFFFFFFB0];
	v12 =	vmax.f32 v15, $0.0e+00;
	v13 =	vmin.f32 v10, $0.0e+00;
	v19 =	vmin.f32 v9, $0.0e+00  }
0x46: {  	v27 =	vld [tilespmem:s28+$0x0];
	v20 =	vmin.f32 v14, $0.0e+00;
	v21 =	vmin.f32 v15, $0.0e+00;
	v18 =	vmul.f32 $1.442695020e+00, v13  }
0x47: {  	v29 =	vld [tilespmem:s28+$0x10];
	v14 =	vand.u32 $0x7FFFFFFF, v14;
	v19 =	vmul.f32 $1.442695020e+00, v19;
	v20 =	vmul.f32 $1.442695020e+00, v20  }
0x48: {  	v15 =	vand.u32 $0x7FFFFFFF, v15;
	v21 =	vmul.f32 $1.442695020e+00, v21;
	(erf) = vpow2.f32 v18  }
0x49: {  	v14 =	vmul.f32 $-1.442695020e+00, v14;
	v18 =	vmin.f32 v16, $0.0e+00;
	(erf) = vpow2.f32 v19  }
0x4a: {  	v19 =	vmin.f32 v17, $0.0e+00;
	v18 =	vmul.f32 $1.442695020e+00, v18;
	(erf) = vpow2.f32 v20  }
0x4b: {  	v19 =	vmul.f32 $1.442695020e+00, v19;
	v20 =	vmin.f32 v27, $0.0e+00;
	(erf) = vpow2.f32 v21  }
0x4c: {  	v20 =	vmul.f32 $1.442695020e+00, v20;
	v21 =	vmin.f32 v29, $0.0e+00;
	(erf) = vpow2.f32 v18  }
0x4d: {  	v18 =	vand.u32 $0x7FFFFFFF, v10;
	v21 =	vmul.f32 $1.442695020e+00, v21;
	(erf) = vpow2.f32 v19  }
0x4e: {  	v18 =	vmul.f32 $-1.442695020e+00, v18;
	v19 =	vand.u32 $0x7FFFFFFF, v9;
	(erf) = vpow2.f32 v20  }
0x4f: {  	v30 =	vld [tilespmem:s28+$0x20];
	v13 =	vmax.f32 v16, $0.0e+00;
	v19 =	vmul.f32 $-1.442695020e+00, v19;
	(erf) = vpow2.f32 v21  }
0x50: {  	v15 =	vmul.f32 $-1.442695020e+00, v15;
	v16 =	vand.u32 $0x7FFFFFFF, v16;
	v21 =	vld [tilespmem:s28+$0x30];
	(erf) = vpow2.f32 v18  }
0x51: {  	v16 =	vmul.f32 $-1.442695020e+00, v16;
	v18 =	vand.u32 $0x7FFFFFFF, v17;
	v23 =	vpop (erf);
	(erf) = vpow2.f32 v19  }
0x52: {  	(erf) = vpow2.f32 v14;
	v22 =	vpop (erf);
	v14 =	vmul.f32 $-1.442695020e+00, v18;
	v18 =	vand.u32 $0x7FFFFFFF, v27  }
0x53: {  	v25 =	vpop (erf);
	(erf) = vpow2.f32 v15;
	v15 =	vmul.f32 $-1.442695020e+00, v18;
	v18 =	vand.u32 $0x7FFFFFFF, v29  }
0x54: {  	v24 =	vpop (erf);
	(erf) = vpow2.f32 v16;
	v16 =	vmul.f32 $-1.442695020e+00, v18;
	v18 =	vand.u32 $0x7FFFFFFF, v30  }
0x55: {  	s31 =	simm.s32 $0x0;
	v26 =	vpop (erf);
	(erf) = vpow2.f32 v14;
	v14 =	vmul.f32 $-1.442695020e+00, v18;
	v18 =	vand.u32 $0x7FFFFFFF, v21  }
0x56: {  	v8 =	vmov s31;
	v28 =	vpop (erf);
	(erf) = vpow2.f32 v15;
	v18 =	vmul.f32 $-1.442695020e+00, v18  }
0x57: {  	v7 =	vor.u32 $0x1, v8;
	v15 =	vmin.f32 v30, $0.0e+00;
	v19 =	vpop (erf);
	(erf) = vpow2.f32 v16  }
0x58: {  	v31 =	vmul.f32 $1.442695020e+00, v15;
	v15 =	vmin.f32 v21, $0.0e+00;
	v20 =	vpop (erf);
	(erf) = vpow2.f32 v14  }
0x59: {  	v16 =	vmax.f32 v29, $0.0e+00;
	v32 =	vmul.f32 $1.442695020e+00, v15;
	v34 =	vpop (erf);
	(erf) = vpow2.f32 v18  }
0x5a: {  	v14 =	vmax.f32 v17, $0.0e+00;
	v15 =	vmax.f32 v27, $0.0e+00;
	(erf) = vpow2.f32 v31;
	v18 =	vpop (erf)  }
0x5b: {  	v17 =	vmax.f32 v30, $0.0e+00;
	v29 =	vadd.f32 $1.000000000e+00, v34;
	v27 =	vpop (erf);
	(erf) = vpow2.f32 v32  }
0x5c: {  	v41 =	vmul.f32 $5.545931310e-02, v34;
	v36 =	vadd.f32 $1.000000000e+00, v18;
	v42 =	vmul.f32 $5.545931310e-02, v18;
	v30 =	vpop (erf)  }
0x5d: {  	v35 =	vadd.f32 $1.000000000e+00, v27;
	v39 =	vmul.f32 $5.545931310e-02, v27;
	v38 =	vadd.f32 $1.000000000e+00, v30;
	v31 =	vpop (erf)  }
0x5e: {  	v43 =	vmul.f32 $5.545931310e-02, v30;
	v46 =	vadd.f32 $1.000000000e+00, v31;
	v32 =	vpop (erf);
	(erf) = vrcp.f32 v29  }
0x5f: {  	v47 =	vmul.f32 $5.545931310e-02, v31;
	v29 =	vadd.f32 $1.000000000e+00, v32;
	v33 =	vpop (erf);
	(erf) = vrcp.f32 v36  }
0x60: {  	v48 =	vmul.f32 $5.545931310e-02, v32;
	v40 =	vadd.f32 $1.000000000e+00, v33;
	(erf) = vrcp.f32 v35;
	v37 =	vpop (erf)  }
0x61: {  	v44 =	vmul.f32 $5.545931310e-02, v33;
	v49 =	vadd.f32 $1.000000000e+00, v37;
	(erf) = vrcp.f32 v38;
	v36 =	vpop (erf)  }
0x62: {  	v45 =	vmul.f32 $5.545931310e-02, v37;
	v50 =	vadd.f32 $1.000000000e+00, v36;
	(erf) = vrcp.f32 v46;
	v35 =	vpop (erf)  }
0x63: {  	s26 =	sshll.u32 s25, $0x1;
	s29 =	simm.s32 $0x2;
	v46 =	vmul.f32 $5.545931310e-02, v36;
	v51 =	vadd.f32 $1.000000000e+00, v35;
	(erf) = vrcp.f32 v29;
	v29 =	vpop (erf)  }
.LBB2_3:
0x64: {  	p1 =	sne.s32 s29, $0x4E;
	v38 =	vsub.f32 $2.186654810e-01, v41;
	v41 =	vmul.f32 $5.545931310e-02, v35;
	(erf) = vrcp.f32 v40;
	v40 =	vpop (erf)  }
0x65: {  	v39 =	vsub.f32 $2.186654810e-01, v39;
	v42 =	vsub.f32 $2.186654810e-01, v42;
	(erf) = vrcp.f32 v49  }
0x66: {  	v43 =	vsub.f32 $2.186654810e-01, v43;
	v47 =	vsub.f32 $2.186654810e-01, v47;
	(erf) = vrcp.f32 v50  }
0x67: {  	v48 =	vsub.f32 $2.186654810e-01, v48;
	v44 =	vsub.f32 $2.186654810e-01, v44;
	v49 =	vpop (erf);
	(erf) = vrcp.f32 v51  }
0x68: {  	v45 =	vsub.f32 $2.186654810e-01, v45;
	v38 =	vmul.f32 v38, v34;
	v42 =	vmul.f32 v42, v18;
	v50 =	vpop (erf)  }
0x69: {  	v46 =	vsub.f32 $2.186654810e-01, v46;
	v39 =	vmul.f32 v39, v27;
	v43 =	vmul.f32 v43, v30;
	v51 =	vpop (erf)  }
0x6a: {  	v47 =	vmul.f32 v47, v31;
	v48 =	vmul.f32 v48, v32;
	v41 =	vsub.f32 $2.186654810e-01, v41;
	v52 =	vpop (erf)  }
0x6b: {  	v44 =	vmul.f32 v44, v33;
	v45 =	vmul.f32 v45, v37;
	v38 =	vadd.f32 $-4.664424360e-01, v38;
	v53 =	vpop (erf)  }
0x6c: {  	v46 =	vmul.f32 v46, v36;
	v39 =	vadd.f32 $-4.664424360e-01, v39;
	v42 =	vadd.f32 $-4.664424360e-01, v42;
	v54 =	vpop (erf)  }
0x6d: {  	v43 =	vadd.f32 $-4.664424360e-01, v43;
	v47 =	vadd.f32 $-4.664424360e-01, v47;
	v41 =	vmul.f32 v41, v35;
	v55 =	vpop (erf)  }
0x6e: {  	v48 =	vadd.f32 $-4.664424360e-01, v48;
	v44 =	vadd.f32 $-4.664424360e-01, v44;
	v38 =	vmul.f32 v38, v34;
	v56 =	vpop (erf)  }
0x6f: {  	v45 =	vadd.f32 $-4.664424360e-01, v45;
	v39 =	vmul.f32 v39, v27;
	v42 =	vmul.f32 v42, v18;
	v57 =	vpop (erf)  }
0x70: {  	v46 =	vadd.f32 $-4.664424360e-01, v46;
	v43 =	vmul.f32 v43, v30;
	v47 =	vmul.f32 v47, v31;
	v58 =	vpop (erf)  }
0x71: {  	v48 =	vmul.f32 v48, v32;
	v44 =	vmul.f32 v44, v33;
	v41 =	vadd.f32 $-4.664424360e-01, v41  }
0x72: {  	v21 =	vmax.f32 v21, $0.0e+00;
	v45 =	vmul.f32 v45, v37;
	v46 =	vmul.f32 v46, v36  }
0x73: {  	v38 =	vadd.f32 $9.962619540e-01, v38;
	v41 =	vmul.f32 v41, v35;
	v42 =	vadd.f32 $9.962619540e-01, v42  }
0x74: {  	v23 =	vmul.f32 v49, v23;
	v39 =	vadd.f32 $9.962619540e-01, v39;
	v43 =	vadd.f32 $9.962619540e-01, v43  }
0x75: {  	v22 =	vmul.f32 v50, v22;
	v25 =	vmul.f32 v51, v25;
	v47 =	vadd.f32 $9.962619540e-01, v47  }
0x76: {  	v24 =	vmul.f32 v52, v24;
	v26 =	vmul.f32 v53, v26;
	v48 =	vadd.f32 $9.962619540e-01, v48  }
0x77: {  	v28 =	vmul.f32 v54, v28;
	v34 =	vmul.f32 v38, v34;
	v38 =	vadd.f32 $9.962619540e-01, v44  }
0x78: {  	v27 =	vmul.f32 v39, v27;
	v30 =	vmul.f32 v43, v30;
	v39 =	vadd.f32 $9.962619540e-01, v45  }
0x79: {  	v31 =	vmul.f32 v47, v31;
	v32 =	vmul.f32 v48, v32;
	v43 =	vadd.f32 $9.962619540e-01, v46  }
0x7a: {  	v33 =	vmul.f32 v38, v33;
	v37 =	vmul.f32 v39, v37;
	v38 =	vadd.f32 $9.962619540e-01, v41  }
0x7b: {  	v27 =	vadd.f32 $6.944574120e-05, v27;
	v30 =	vadd.f32 $6.944574120e-05, v30;
	v36 =	vmul.f32 v43, v36  }
0x7c: {  	v31 =	vadd.f32 $6.944574120e-05, v31;
	v32 =	vadd.f32 $6.944574120e-05, v32;
	v35 =	vmul.f32 v38, v35  }
0x7d: {  	v19 =	vmul.f32 v55, v19;
	v33 =	vadd.f32 $6.944574120e-05, v33;
	v37 =	vadd.f32 $6.944574120e-05, v37  }
0x7e: {  	v20 =	vmul.f32 v56, v20;
	v36 =	vadd.f32 $6.944574120e-05, v36;
	v35 =	vadd.f32 $6.944574120e-05, v35  }
0x7f: {  	v11 =	vadd.f32 v27, v11;
	v12 =	vadd.f32 v30, v12;
	v27 =	vmul.f32 v57, v29  }
0x80: {  	v13 =	vadd.f32 v31, v13;
	v14 =	vadd.f32 v32, v14;
	v29 =	vmul.f32 v58, v40  }
0x81: {  	v18 =	vmul.f32 v42, v18;
	v15 =	vadd.f32 v33, v15;
	v16 =	vadd.f32 v37, v16  }
0x82: {  	v11 =	vmul.f32 v11, v25;
	v12 =	vmul.f32 v12, v24;
	v17 =	vadd.f32 v36, v17  }
0x83: {  	v13 =	vmul.f32 v13, v26;
	v14 =	vmul.f32 v14, v28;
	v21 =	vadd.f32 v35, v21  }
0x84: {  	v30 =	vmax.f32 v10, $0.0e+00;
	v15 =	vmul.f32 v15, v19;
	v16 =	vmul.f32 v16, v20  }
0x85: {  	s28 =	sadd.s32 $0x100, s28;
	v31 =	vld.idx.msk [tilespmem:v8+s17+$0x0], $0xffff;
	v8 =	vmul.f32 v17, v27;
	v17 =	vmul.f32 v21, v29;
	v21 =	vmax.f32 v9, $0.0e+00  }
0x86: {  	v11 =	vmul.f32 v11, v25;
	v12 =	vmul.f32 v12, v24;
	v24 =	vadd.f32 $6.944574120e-05, v34;
	v10 =	vld [tilespmem:s28+$0xFFFFFFC0]  }
0x87: {  	v18 =	vadd.f32 $6.944574120e-05, v18;
	v13 =	vmul.f32 v13, v26;
	v14 =	vmul.f32 v14, v28;
	v9 =	vld [tilespmem:s28+$0x40]  }
0x88: {  	v24 =	vadd.f32 v24, v30;
	v15 =	vmul.f32 v15, v19;
	v16 =	vmul.f32 v16, v20;
	v25 =	vld [tilespmem:s28+$0xFFFFFF80]  }
0x89: {  	v18 =	vadd.f32 v18, v21;
	v8 =	vmul.f32 v8, v27;
	v17 =	vmul.f32 v17, v29;
	v19 =	vld [tilespmem:s28+$0xFFFFFF90]  }
0x8a: {  	v11 =	vadd.f32 v12, v11;
	v12 =	vadd.f32 v14, v13;
	v21 =	vmul.f32 v24, v23;
	v20 =	vld [tilespmem:s28+$0xFFFFFFA0]  }
0x8b: {  	v14 =	vadd.f32 v16, v15;
	v13 =	vmul.f32 v18, v22;
	v15 =	vadd.f32 v17, v8;
	v16 =	vld.idx.msk [tilespmem:v7+s17+$0x0], $0xffff  }
0x8c: {  	v8 =	vmov s29;
	v17 =	vmul.f32 v21, v23  }
0x8d: {  	v18 =	vadd.f32 v12, v11;
	v13 =	vmul.f32 v13, v22;
	v14 =	vadd.f32 v15, v14  }
0x8e: {  	v7 =	vor.u32 $0x1, v8;
	v11 =	vmax.f32 v25, $0.0e+00;
	v12 =	vmax.f32 v19, $0.0e+00  }
0x8f: {  	v21 =	vmin.f32 v10, $0.0e+00;
	v17 =	vadd.f32 v18, v17;
	v14 =	vadd.f32 v14, v13;
	v15 =	vld [tilespmem:s28+$0xFFFFFFB0]  }
0x90: {  	v18 =	vmul.f32 $1.442695020e+00, v21;
	v21 =	vmin.f32 v9, $0.0e+00;
	v13 =	vmax.f32 v20, $0.0e+00  }
0x91: {  	v22 =	vmin.f32 v25, $0.0e+00;
	v17 =	vmul.f32 v17, v31;
	v14 =	vmul.f32 v14, v16;
	v27 =	vld [tilespmem:s28+$0x0]  }
0x92: {  	v21 =	vmul.f32 $1.442695020e+00, v21;
	v23 =	vmin.f32 v20, $0.0e+00;
	v16 =	vmin.f32 v19, $0.0e+00;
	v29 =	vld [tilespmem:s28+$0x10]  }
0x93: {  	v22 =	vmul.f32 $1.442695020e+00, v22;
	v14 =	vadd.f32 v14, v17;
	(erf) = vpow2.f32 v18  }
0x94: {  	v16 =	vmul.f32 $1.442695020e+00, v16;
	v17 =	vmin.f32 v15, $0.0e+00;
	(erf) = vpow2.f32 v21  }
0x95: {  	v18 =	vmul.f32 $1.442695020e+00, v23;
	v6 =	vadd.f32 v14, v6;
	(erf) = vpow2.f32 v22  }
0x96: {  	v14 =	vmul.f32 $1.442695020e+00, v17;
	v17 =	vmin.f32 v27, $0.0e+00;
	(erf) = vpow2.f32 v16  }
0x97: {  	v16 =	vmul.f32 $1.442695020e+00, v17;
	v17 =	vmin.f32 v29, $0.0e+00;
	(erf) = vpow2.f32 v18  }
0x98: {  	v18 =	vand.u32 $0x7FFFFFFF, v10;
	v17 =	vmul.f32 $1.442695020e+00, v17;
	(erf) = vpow2.f32 v14  }
0x99: {  	v14 =	vmul.f32 $-1.442695020e+00, v18;
	v18 =	vand.u32 $0x7FFFFFFF, v9;
	(erf) = vpow2.f32 v16  }
0x9a: {  	v16 =	vand.u32 $0x7FFFFFFF, v25;
	v18 =	vmul.f32 $-1.442695020e+00, v18;
	(erf) = vpow2.f32 v17  }
0x9b: {  	v16 =	vmul.f32 $-1.442695020e+00, v16;
	v17 =	vand.u32 $0x7FFFFFFF, v19;
	v30 =	vld [tilespmem:s28+$0x20];
	(erf) = vpow2.f32 v14  }
0x9c: {  	v14 =	vmul.f32 $-1.442695020e+00, v17;
	v17 =	vand.u32 $0x7FFFFFFF, v20;
	v21 =	vld [tilespmem:s28+$0x30];
	v23 =	vpop (erf);
	(erf) = vpow2.f32 v18  }
0x9d: {  	v17 =	vmul.f32 $-1.442695020e+00, v17;
	v18 =	vand.u32 $0x7FFFFFFF, v15;
	(erf) = vpow2.f32 v16;
	v22 =	vpop (erf)  }
0x9e: {  	v16 =	vmul.f32 $-1.442695020e+00, v18;
	v18 =	vand.u32 $0x7FFFFFFF, v27;
	v25 =	vpop (erf);
	(erf) = vpow2.f32 v14  }
0x9f: {  	v14 =	vmul.f32 $-1.442695020e+00, v18;
	v18 =	vand.u32 $0x7FFFFFFF, v29;
	v24 =	vpop (erf);
	(erf) = vpow2.f32 v17  }
0xa0: {  	v17 =	vmul.f32 $-1.442695020e+00, v18;
	v18 =	vand.u32 $0x7FFFFFFF, v30;
	v26 =	vpop (erf);
	(erf) = vpow2.f32 v16  }
0xa1: {  	v16 =	vmul.f32 $-1.442695020e+00, v18;
	v18 =	vand.u32 $0x7FFFFFFF, v21;
	v28 =	vpop (erf);
	(erf) = vpow2.f32 v14  }
0xa2: {  	v14 =	vmin.f32 v30, $0.0e+00;
	v32 =	vmul.f32 $-1.442695020e+00, v18;
	v19 =	vpop (erf);
	(erf) = vpow2.f32 v17  }
0xa3: {  	v31 =	vmin.f32 v21, $0.0e+00;
	v17 =	vmul.f32 $1.442695020e+00, v14;
	v20 =	vpop (erf);
	(erf) = vpow2.f32 v16  }
0xa4: {  	v14 =	vmax.f32 v15, $0.0e+00;
	v31 =	vmul.f32 $1.442695020e+00, v31;
	v34 =	vpop (erf);
	(erf) = vpow2.f32 v32  }
0xa5: {  	v15 =	vmax.f32 v27, $0.0e+00;
	v16 =	vmax.f32 v29, $0.0e+00;
	(erf) = vpow2.f32 v17;
	v18 =	vpop (erf)  }
0xa6: {  	v29 =	vadd.f32 $1.000000000e+00, v34;
	v17 =	vmax.f32 v30, $0.0e+00;
	v27 =	vpop (erf);
	(erf) = vpow2.f32 v31  }
0xa7: {  	v41 =	vmul.f32 $5.545931310e-02, v34;
	v36 =	vadd.f32 $1.000000000e+00, v18;
	v35 =	vadd.f32 $1.000000000e+00, v27;
	v30 =	vpop (erf)  }
0xa8: {  	v42 =	vmul.f32 $5.545931310e-02, v18;
	v39 =	vmul.f32 $5.545931310e-02, v27;
	v38 =	vadd.f32 $1.000000000e+00, v30;
	v31 =	vpop (erf)  }
0xa9: {  	v43 =	vmul.f32 $5.545931310e-02, v30;
	v46 =	vadd.f32 $1.000000000e+00, v31;
	v32 =	vpop (erf);
	(erf) = vrcp.f32 v29  }
.Ltmp4:
0xaa: {  	v47 =	vmul.f32 $5.545931310e-02, v31;
	v29 =	vadd.f32 $1.000000000e+00, v32;
	v33 =	vpop (erf);
	(erf) = vrcp.f32 v36;
	(pc) =	sbr.rel @p1 .LBB2_3-.Ltmp4, $4  }
0xab: {  	v48 =	vmul.f32 $5.545931310e-02, v32;
	v40 =	vadd.f32 $1.000000000e+00, v33;
	(erf) = vrcp.f32 v35;
	v37 =	vpop (erf)  }
0xac: {  	v44 =	vmul.f32 $5.545931310e-02, v33;
	v49 =	vadd.f32 $1.000000000e+00, v37;
	(erf) = vrcp.f32 v38;
	v36 =	vpop (erf)  }
0xad: {  	v45 =	vmul.f32 $5.545931310e-02, v37;
	v50 =	vadd.f32 $1.000000000e+00, v36;
	(erf) = vrcp.f32 v46;
	v35 =	vpop (erf)  }
0xae: {  	s29 =	sadd.s32 $0x2, s29;
	v46 =	vmul.f32 $5.545931310e-02, v36;
	v51 =	vadd.f32 $1.000000000e+00, v35;
	(erf) = vrcp.f32 v29;
	v29 =	vpop (erf)  }
0xaf: {  	v38 =	vld [tilespmem:$0x5000];
	_ =	sdelay $0x4  }
0xb0: {  	vm1 =	vlt.u32 v38, $0x50  }
0xb1: {  	v38 =	vnsel vm1, $0x0, v38  }
0xb2: {  	v38 =	vadd.s32 v0, v38;
	_ =	sdelay $0x4  }
0xb3: {  	v38 =	vld.idx.msk [tilespmem:v38+s5+$0x0], $0xffff;
	_ =	sdelay $0x2  }
0xb4: {  	(erf) = vrcp.f32 v40;
	v52 =	vld [tilespmem:$0x5010]  }
0xb5: {  	v41 =	vsub.f32 $2.186654810e-01, v41;
	v60 =	vmul.f32 $5.545931310e-02, v35;
	v39 =	vsub.f32 $2.186654810e-01, v39  }
0xb6: {  	v42 =	vsub.f32 $2.186654810e-01, v42;
	(erf) = vrcp.f32 v49;
	v61 =	vand.u32 $0x7FFFFFFF, v38  }
0xb7: {  	v40 =	vpop (erf);
	v43 =	vsub.f32 $2.186654810e-01, v43;
	(erf) = vrcp.f32 v50;
	v49 =	vmul.f32 $-1.442695020e+00, v61  }
0xb8: {  	v47 =	vsub.f32 $2.186654810e-01, v47;
	v48 =	vsub.f32 $2.186654810e-01, v48;
	v62 =	vpop (erf);
	(erf) = vrcp.f32 v51  }
0xb9: {  	v44 =	vsub.f32 $2.186654810e-01, v44;
	v63 =	vpop (erf);
	vm0 =	vlt.u32 v52, $0x50;
	(erf) = vpow2.f32 v49  }
0xba: {  	v45 =	vsub.f32 $2.186654810e-01, v45;
	v10 =	vmax.f32 v10, $0.0e+00;
	v53 =	vpop (erf);
	v52 =	vnsel vm0, $0x0, v52  }
0xbb: {  	v41 =	vmul.f32 v41, v34;
	v42 =	vmul.f32 v42, v18;
	v54 =	vpop (erf);
	v52 =	vadd.s32 v2, v52  }
0xbc: {  	v9 =	vmax.f32 v9, $0.0e+00;
	v56 =	vmul.f32 v39, v27;
	v43 =	vmul.f32 v43, v30;
	v55 =	vpop (erf)  }
0xbd: {  	v46 =	vsub.f32 $2.186654810e-01, v46;
	v47 =	vmul.f32 v47, v31;
	v48 =	vmul.f32 v48, v32;
	v57 =	vpop (erf)  }
0xbe: {  	v44 =	vmul.f32 v44, v33;
	v45 =	vmul.f32 v45, v37;
	v41 =	vadd.f32 $-4.664424360e-01, v41;
	v50 =	vpop (erf)  }
0xbf: {  	v39 =	vmul.f32 v62, v23;
	v42 =	vadd.f32 $-4.664424360e-01, v42;
	v25 =	vmul.f32 v53, v25;
	v53 =	vpop (erf)  }
0xc0: {  	v47 =	vadd.f32 $-4.664424360e-01, v47;
	v23 =	vmul.f32 v63, v22;
	v41 =	vmul.f32 v41, v34;
	v51 =	vpop (erf);
	v22 =	vld.idx.msk [tilespmem:v52+s5+$0x0], $0xffff  }
0xc1: {  	v46 =	vmul.f32 v46, v36;
	v48 =	vadd.f32 $-4.664424360e-01, v48;
	v44 =	vadd.f32 $-4.664424360e-01, v44;
	v58 =	vpop (erf)  }
0xc2: {  	v54 =	vmul.f32 v54, v24;
	v41 =	vadd.f32 $9.962619540e-01, v41;
	v28 =	vmul.f32 v57, v28;
	v57 =	vld [tilespmem:$0x5020];
	v24 =	vpop (erf)  }
0xc3: {  	v45 =	vadd.f32 $-4.664424360e-01, v45;
	v62 =	vmin.f32 v38, $0.0e+00;
	v61 =	vadd.f32 $1.000000000e+00, v24  }
0xc4: {  	v63 =	vadd.f32 $-4.664424360e-01, v56;
	v34 =	vmul.f32 v41, v34;
	v41 =	vmul.f32 $1.442695020e+00, v62  }
0xc5: {  	v42 =	vmul.f32 v42, v18;
	v59 =	vand.u32 $0x7FFFFFFF, v22;
	(erf) = vrcp.f32 v61  }
0xc6: {  	v46 =	vadd.f32 $-4.664424360e-01, v46;
	(erf) = vpow2.f32 v41;
	v41 =	vmul.f32 $-1.442695020e+00, v59  }
0xc7: {  	v48 =	vmul.f32 v48, v32;
	v44 =	vmul.f32 v44, v33;
	vm2 =	vlt.u32 v57, $0x50  }
0xc8: {  	v45 =	vmul.f32 v45, v37;
	v62 =	vnsel vm2, $0x0, v57;
	(erf) = vpow2.f32 v41  }
0xc9: {  	v49 =	vsub.f32 $2.186654810e-01, v60;
	v61 =	vmul.f32 v47, v31;
	v47 =	vadd.s32 v3, v62  }
0xca: {  	v43 =	vadd.f32 $-4.664424360e-01, v43;
	v46 =	vmul.f32 v46, v36;
	v26 =	vmul.f32 v55, v26  }
0xcb: {  	v55 =	vmul.f32 v63, v27;
	v42 =	vadd.f32 $9.962619540e-01, v42;
	v49 =	vmul.f32 v49, v35  }
0xcc: {  	v48 =	vadd.f32 $9.962619540e-01, v48;
	v44 =	vadd.f32 $9.962619540e-01, v44;
	v60 =	vmul.f32 v43, v30  }
0xcd: {  	v63 =	vadd.f32 $9.962619540e-01, v55;
	v55 =	vmax.f32 v21, $0.0e+00;
	v49 =	vadd.f32 $-4.664424360e-01, v49  }
0xce: {  	v32 =	vmul.f32 v48, v32;
	v33 =	vmul.f32 v44, v33;
	v57 =	vadd.f32 $9.962619540e-01, v60;
	v21 =	vld.idx.msk [tilespmem:v47+s5+$0x0], $0xffff  }
0xcf: {  	v56 =	vld [tilespmem:$0x5030];
	v60 =	vmul.f32 v49, v35;
	v49 =	vadd.f32 $9.962619540e-01, v46;
	v59 =	vadd.f32 $9.962619540e-01, v61;
	v46 =	vpop (erf)  }
0xd0: {  	v45 =	vadd.f32 $9.962619540e-01, v45;
	v19 =	vmul.f32 v50, v19;
	v62 =	vmul.f32 v57, v30;
	v44 =	vpop (erf)  }
0xd1: {  	v43 =	vadd.f32 $9.962619540e-01, v60;
	v61 =	vmul.f32 v63, v27;
	v63 =	vmul.f32 v59, v31;
	v41 =	vpop (erf)  }
0xd2: {  	v60 =	vmin.f32 v22, $0.0e+00;
	v30 =	vadd.f32 $6.944574120e-05, v62;
	v59 =	vadd.f32 $1.000000000e+00, v41  }
0xd3: {  	v62 =	vmul.f32 $1.442695020e+00, v60;
	v31 =	vadd.f32 $6.944574120e-05, v63;
	v63 =	vand.u32 $0x7FFFFFFF, v21  }
0xd4: {  	vm3 =	vlt.u32 v56, $0x50;
	v48 =	vmul.f32 $-1.442695020e+00, v63;
	(erf) = vrcp.f32 v59  }
0xd5: {  	v52 =	vmul.f32 v45, v37;
	v32 =	vadd.f32 $6.944574120e-05, v32;
	(erf) = vpow2.f32 v62  }
0xd6: {  	v57 =	vmul.f32 v49, v36;
	v49 =	vnsel vm3, $0x0, v56;
	(erf) = vpow2.f32 v48  }
0xd7: {  	v27 =	vadd.f32 $6.944574120e-05, v61;
	v61 =	vmul.f32 v43, v35;
	v43 =	vadd.s32 v4, v49  }
0xd8: {  	v20 =	vmul.f32 v53, v20;
	v33 =	vadd.f32 $6.944574120e-05, v33;
	v34 =	vadd.f32 $6.944574120e-05, v34  }
0xd9: {  	v50 =	vmul.f32 v51, v29;
	v37 =	vadd.f32 $6.944574120e-05, v52;
	v14 =	vadd.f32 v32, v14  }
0xda: {  	v51 =	vmul.f32 v58, v40;
	v58 =	vld [tilespmem:$0x5040];
	v35 =	vadd.f32 $6.944574120e-05, v61;
	v11 =	vadd.f32 v27, v11  }
0xdb: {  	v15 =	vadd.f32 v33, v15;
	v52 =	vmul.f32 v42, v18;
	v10 =	vadd.f32 v34, v10  }
0xdc: {  	v16 =	vadd.f32 v37, v16;
	v14 =	vmul.f32 v14, v28;
	v53 =	vmul.f32 v11, v25;
	v11 =	vld.idx.msk [tilespmem:v43+s5+$0x0], $0xffff  }
0xdd: {  	v15 =	vmul.f32 v15, v19;
	v18 =	vadd.f32 $6.944574120e-05, v52;
	v10 =	vmul.f32 v10, v39;
	v33 =	vpop (erf)  }
0xde: {  	v16 =	vmul.f32 v16, v20;
	v14 =	vmul.f32 v14, v28;
	v56 =	vadd.f32 v35, v55;
	v35 =	vpop (erf)  }
0xdf: {  	vm4 =	vlt.u32 v58, $0x50;
	v15 =	vmul.f32 v15, v19;
	v10 =	vmul.f32 v10, v39;
	v37 =	vpop (erf)  }
0xe0: {  	v36 =	vadd.f32 $6.944574120e-05, v57;
	v60 =	vmin.f32 v21, $0.0e+00;
	v59 =	vadd.f32 $1.000000000e+00, v37  }
0xe1: {  	v57 =	vmul.f32 $5.545931310e-02, v24;
	v40 =	vmul.f32 $1.442695020e+00, v60;
	v61 =	vand.u32 $0x7FFFFFFF, v11  }
0xe2: {  	v9 =	vadd.f32 v18, v9;
	v62 =	vmul.f32 $-1.442695020e+00, v61;
	(erf) = vrcp.f32 v59  }
0xe3: {  	v16 =	vmul.f32 v16, v20;
	v32 =	vsub.f32 $2.186654810e-01, v57;
	(erf) = vpow2.f32 v40  }
0xe4: {  	v13 =	vadd.f32 v31, v13;
	v63 =	vnsel vm4, $0x0, v58;
	(erf) = vpow2.f32 v62  }
0xe5: {  	v12 =	vadd.f32 v30, v12;
	v32 =	vmul.f32 v32, v24;
	v30 =	vadd.s32 v5, v63  }
0xe6: {  	v9 =	vmul.f32 v9, v23;
	v13 =	vmul.f32 v13, v26  }
0xe7: {  	v12 =	vmul.f32 v12, v54;
	v32 =	vadd.f32 $-4.664424360e-01, v32;
	v25 =	vmul.f32 v53, v25  }
0xe8: {  	v9 =	vmul.f32 v9, v23;
	v17 =	vadd.f32 v36, v17;
	v13 =	vmul.f32 v13, v26  }
0xe9: {  	v15 =	vadd.f32 v16, v15;
	v12 =	vmul.f32 v12, v54;
	v32 =	vmul.f32 v32, v24  }
0xea: {  	v17 =	vmul.f32 v17, v50;
	v31 =	vmul.f32 v56, v51;
	v13 =	vadd.f32 v14, v13;
	v14 =	vld.idx.msk [tilespmem:v30+s5+$0x0], $0xffff  }
0xeb: {  	v32 =	vadd.f32 $9.962619540e-01, v32;
	v12 =	vadd.f32 v12, v25;
	v42 =	vmul.f32 $5.545931310e-02, v41;
	v25 =	vpop (erf)  }
0xec: {  	v17 =	vmul.f32 v17, v50;
	v43 =	vmax.f32 v38, $0.0e+00;
	v36 =	vmul.f32 v31, v51;
	v45 =	vpop (erf)  }
0xed: {  	v46 =	vmul.f32 v46, v44;
	v19 =	vmul.f32 v32, v24;
	v24 =	vsub.f32 $2.186654810e-01, v42;
	v47 =	vpop (erf)  }
0xee: {  	v56 =	vld [tilespmem:$0x5110];
	v50 =	vmin.f32 v11, $0.0e+00;
	v17 =	vadd.f32 v36, v17;
	v49 =	vadd.f32 $1.000000000e+00, v47  }
0xef: {  	v8 =	vld.idx.msk [tilespmem:v8+s17+$0x0], $0xffff;
	v24 =	vmul.f32 v24, v41;
	v30 =	vmul.f32 $1.442695020e+00, v50;
	v51 =	vand.u32 $0x7FFFFFFF, v14  }
0xf0: {  	v7 =	vld.idx.msk [tilespmem:v7+s17+$0x0], $0xffff;
	v60 =	vmax.f32 v22, $0.0e+00;
	v52 =	vmul.f32 $-1.442695020e+00, v51;
	(erf) = vrcp.f32 v49  }
0xf1: {  	v12 =	vadd.f32 v13, v12;
	v15 =	vadd.f32 v17, v15;
	(erf) = vpow2.f32 v30  }
0xf2: {  	v24 =	vadd.f32 $-4.664424360e-01, v24;
	v53 =	vmul.f32 $5.545931310e-02, v37;
	(erf) = vpow2.f32 v52  }
0xf3: {  	v32 =	vmul.f32 v22, v56;
	v10 =	vadd.f32 v12, v10;
	v9 =	vadd.f32 v15, v9;
	v40 =	vld [tilespmem:$0x5100]  }
0xf4: {  	v19 =	vadd.f32 $6.944574120e-05, v19;
	v24 =	vmul.f32 v24, v41;
	v20 =	vsub.f32 $2.186654810e-01, v53  }
0xf5: {  	v50 =	vmax.f32 v11, $0.0e+00;
	v8 =	vmul.f32 v10, v8;
	v7 =	vmul.f32 v9, v7  }
0xf6: {  	v16 =	vadd.f32 v19, v43;
	v55 =	vadd.f32 $9.962619540e-01, v24;
	v58 =	vmul.f32 v20, v37  }
0xf7: {  	v43 =	vmax.f32 v21, $0.0e+00;
	v42 =	vmin.f32 v14, $0.0e+00;
	v7 =	vadd.f32 v7, v8  }
0xf8: {  	v57 =	vmul.f32 v55, v41;
	v59 =	vadd.f32 $-4.664424360e-01, v58;
	v48 =	vmul.f32 v38, v40  }
0xf9: {  	v6 =	vadd.f32 v7, v6;
	v61 =	vmul.f32 v33, v35;
	v62 =	vmul.f32 $5.545931310e-02, v47;
	v63 =	vpop (erf)  }
0xfa: {  	v18 =	vsub.f32 v40, v46;
	v15 =	vmul.f32 v59, v37;
	v28 =	vsub.f32 v16, v48;
	v33 =	vpop (erf)  }
0xfb: {  	v12 =	vadd.f32 $6.944574120e-05, v57;
	v40 =	vld [tilespmem:$0x5120];
	v16 =	vmul.f32 v16, v46;
	v35 =	vsub.f32 $2.186654810e-01, v62;
	v36 =	vpop (erf)  }
0xfc: {  	v15 =	vadd.f32 $9.962619540e-01, v15;
	v54 =	vmul.f32 v28, v18;
	v38 =	vmul.f32 $5.545931310e-02, v36  }
0xfd: {  	v34 =	vsub.f32 v56, v61;
	v16 =	vmul.f32 v16, v46;
	v39 =	vmul.f32 v35, v47  }
0xfe: {  	v15 =	vmul.f32 v15, v37;
	v28 =	vmul.f32 $1.442695020e+00, v42;
	v23 =	vsub.f32 $2.186654810e-01, v38  }
0xff: {  	v44 =	vmul.f32 v25, v45;
	v9 =	vadd.f32 $-4.664424360e-01, v39;
	v41 =	vadd.f32 $1.000000000e+00, v36  }
0x100: {  	v12 =	vadd.f32 v12, v60;
	v21 =	vmul.f32 v21, v40;
	v23 =	vmul.f32 v23, v36  }
0x101: {  	v53 =	vmax.f32 v14, $0.0e+00;
	v46 =	vld [tilespmem:$0x5130];
	v9 =	vmul.f32 v9, v47;
	(erf) = vrcp.f32 v41  }
0x102: {  	v45 =	vmul.f32 v12, v61;
	(erf) = vpow2.f32 v28;
	v23 =	vadd.f32 $-4.664424360e-01, v23  }
0x103: {  	v13 =	vmul.f32 v54, v18;
	v15 =	vadd.f32 $6.944574120e-05, v15;
	v9 =	vadd.f32 $9.962619540e-01, v9  }
0x104: {  	v17 =	vsub.f32 v40, v44;
	v8 =	vmul.f32 v45, v61;
	v23 =	vmul.f32 v23, v36  }
0x105: {  	v13 =	vsub.f32 v13, v16;
	v16 =	vsub.f32 v12, v32;
	v9 =	vmul.f32 v9, v47  }
0x106: {  	v15 =	vadd.f32 v15, v43;
	v49 =	vld [tilespmem:$0x5140];
	v11 =	vmul.f32 v11, v46;
	v47 =	vadd.f32 $9.962619540e-01, v23  }
0x107: {  	v13 =	vnsel vm1, $0x0, v13;
	v16 =	vmul.f32 v16, v34;
	v9 =	vadd.f32 $6.944574120e-05, v9  }
0x108: {  	v21 =	vsub.f32 v15, v21;
	v15 =	vmul.f32 v15, v44;
	v10 =	vmul.f32 v47, v36  }
0x109: {  	v51 =	vld [tilespmem:$0x5200];
	v7 =	vmul.f32 v16, v34;
	v20 =	vmul.f32 v63, v33;
	v9 =	vadd.f32 v9, v50  }
0x10a: {  	v48 =	vmul.f32 v21, v17;
	v15 =	vmul.f32 v15, v44;
	v52 =	vpop (erf);
	v10 =	vadd.f32 $6.944574120e-05, v10  }
0x10b: {  	v14 =	vmul.f32 v14, v49;
	v12 =	vsub.f32 v46, v20;
	v11 =	vsub.f32 v9, v11;
	v54 =	vpop (erf)  }
0x10c: {  	v55 =	vld [tilespmem:$0x5210];
	v16 =	vmul.f32 v48, v17;
	v17 =	vmul.f32 v52, v54;
	v10 =	vadd.f32 v10, v53  }
0x10d: {  	v7 =	vsub.f32 v7, v8;
	v9 =	vmul.f32 v9, v20;
	v56 =	vmul.f32 v11, v12  }
0x10e: {  	v58 =	vld [tilespmem:$0x5220];
	v57 =	vmul.f32 v13, v51;
	v18 =	vsub.f32 v49, v17;
	v14 =	vsub.f32 v10, v14  }
0x10f: {  	v15 =	vsub.f32 v16, v15;
	v9 =	vmul.f32 v9, v20;
	v8 =	vmul.f32 v56, v12  }
0x110: {  	v59 =	vld [tilespmem:$0x5230];
	v7 =	vnsel vm0, $0x0, v7;
	v10 =	vmul.f32 v10, v17;
	v14 =	vmul.f32 v14, v18  }
0x111: {  	v6 =	vadd.f32 v57, v6;
	v7 =	vmul.f32 v7, v55;
	v15 =	vnsel vm2, $0x0, v15  }
0x112: {  	v60 =	vld [tilespmem:$0x5240];
	v8 =	vsub.f32 v8, v9;
	v10 =	vmul.f32 v10, v17;
	v61 =	vmul.f32 v14, v18  }
0x113: {  	v6 =	vadd.f32 v7, v6;
	v7 =	vmul.f32 v15, v58  }
0x114: {  	v8 =	vnsel vm3, $0x0, v8;
	v10 =	vsub.f32 v61, v10  }
0x115: {  	v6 =	vadd.f32 v7, v6;
	v7 =	vmul.f32 v8, v59  }
0x116: {  	v63 =	vld [tilespmem:$0x5300];
	v62 =	vnsel vm4, $0x0, v10  }
0x117: {  	s26 =	sadd.s32 $0x2, s26;
	v6 =	vadd.f32 v7, v6;
	v7 =	vmul.f32 v62, v60  }
0x118: {  	p1 =	sge.u32 s26, s8  }
0x119: {  	s26 =	sshll.u32 @!p1 s26, $0x5;
	v6 =	vadd.f32 v7, v6  }
0x11a: {  	s26 =	sor.u32 @!p1 s6, s26  }
0x11b: {  	s28 =	smul.u32 @!p1 $0x500, s26;
	v6 =	vadd.f32 v6, v63;
	_ =	sdelay $0x1  }
0x11c: {  	s29 =	simm.s32 @!p1 $0x0;
	s26 =	smul.u32 @!p1 $0xA, s26;
	s28 =	sadd.s32 @!p1 s7, s28;
	[tilespmem:$0x5300] =	vst v6  }
0x11d: {  	[tilespmem:s29], [sflag:$0x1] =	stream.linear.gather @!p1 [hbm4b:s28+s29], $0x2800, $0x38;
	[tilespmem:$0x5380] =	vst v63  }
0x11e: {  	s30 =	simm.s32 @!p1 $0x5000;
	s28 =	sadd.s32 @!p1 s1, s26  }
0x11f: {  	[tilespmem:s30], [sflag:$0x1] =	stream.linear.gather @!p1 [hbm4b:s28+s29], $0x50, $0x38;
	[tilespmem:$0x5380] =	vst v63  }
.Ltmp5:
0x120: {  	_ = 	snop;
	(pc) =	sbr.rel @p0 .LBB2_8-.Ltmp5, $4  }
0x121: {  	s28 =	sadd.s32 @!p1 s2, s26;
	s30 =	simm.s32 @!p1 $0x5100  }
0x122: {  	[tilespmem:s30], [sflag:$0x1] =	stream.linear.gather @!p1 [hbm4b:s28+s29], $0x50, $0x38;
	[tilespmem:$0x5380] =	vst v63  }
0x123: {  	s26 =	sadd.s32 @!p1 s4, s26;
	s28 =	simm.s32 @!p1 $0x5200  }
0x124: {  	[tilespmem:s28], [sflag:$0x1] =	stream.linear.gather @!p1 [hbm4b:s26+s29], $0x50, $0x38;
	[tilespmem:$0x5380] =	vst v63  }
0x125: {  	_ =	swait.ge [sflag:s19], $0x2800  }
0x126: {  	[sflag:s19] =	ssyncset.done $0x0  }
0x127: {  	[sflag:s19] =	ssyncadd.s32 $0xFFFFD800  }
0x128: {  	_ =	swait.ge [sflag:s19], $0x50  }
0x129: {  	[sflag:s19] =	ssyncset.done $0x0  }
0x12a: {  	[sflag:s19] =	ssyncadd.s32 $0xFFFFFFB0  }
0x12b: {  	_ =	swait.ge [sflag:s19], $0x50  }
0x12c: {  	[sflag:s19] =	ssyncset.done $0x0  }
0x12d: {  	[sflag:s19] =	ssyncadd.s32 $0xFFFFFFB0  }
0x12e: {  	_ =	swait.ge [sflag:s19], $0x50  }
0x12f: {  	[sflag:s19] =	ssyncset.done $0x0  }
0x130: {  	s26 =	simm.s32 $0x2880;
	[sflag:s19] =	ssyncadd.s32 $0xFFFFFFB0  }
0x131: {  	v10 =	vld [tilespmem:s26+$0xFFFFFFC0]  }
0x132: {  	v14 =	vld [tilespmem:s26+$0xFFFFFF80]  }
0x133: {  	v15 =	vld [tilespmem:s26+$0xFFFFFF90]  }
0x134: {  	v9 =	vld [tilespmem:s26+$0x40];
	_ =	sdelay $0x3  }
0x135: {  	v6 =	vimm.f32 $0.0e+00;
	v16 =	vld [tilespmem:s26+$0xFFFFFFA0];
	v11 =	vmax.f32 v14, $0.0e+00  }
0x136: {  	v17 =	vld [tilespmem:s26+$0xFFFFFFB0];
	v12 =	vmax.f32 v15, $0.0e+00;
	v13 =	vmin.f32 v10, $0.0e+00;
	v19 =	vmin.f32 v9, $0.0e+00  }
0x137: {  	v27 =	vld [tilespmem:s26+$0x0];
	v20 =	vmin.f32 v14, $0.0e+00;
	v21 =	vmin.f32 v15, $0.0e+00;
	v18 =	vmul.f32 $1.442695020e+00, v13  }
0x138: {  	v29 =	vld [tilespmem:s26+$0x10];
	v14 =	vand.u32 $0x7FFFFFFF, v14;
	v19 =	vmul.f32 $1.442695020e+00, v19;
	v20 =	vmul.f32 $1.442695020e+00, v20  }
0x139: {  	v15 =	vand.u32 $0x7FFFFFFF, v15;
	v21 =	vmul.f32 $1.442695020e+00, v21;
	(erf) = vpow2.f32 v18  }
0x13a: {  	v14 =	vmul.f32 $-1.442695020e+00, v14;
	v18 =	vmin.f32 v16, $0.0e+00;
	(erf) = vpow2.f32 v19  }
0x13b: {  	v19 =	vmin.f32 v17, $0.0e+00;
	v18 =	vmul.f32 $1.442695020e+00, v18;
	(erf) = vpow2.f32 v20  }
0x13c: {  	v19 =	vmul.f32 $1.442695020e+00, v19;
	v20 =	vmin.f32 v27, $0.0e+00;
	(erf) = vpow2.f32 v21  }
0x13d: {  	v20 =	vmul.f32 $1.442695020e+00, v20;
	v21 =	vmin.f32 v29, $0.0e+00;
	(erf) = vpow2.f32 v18  }
0x13e: {  	v18 =	vand.u32 $0x7FFFFFFF, v10;
	v21 =	vmul.f32 $1.442695020e+00, v21;
	(erf) = vpow2.f32 v19  }
0x13f: {  	v18 =	vmul.f32 $-1.442695020e+00, v18;
	v19 =	vand.u32 $0x7FFFFFFF, v9;
	(erf) = vpow2.f32 v20  }
0x140: {  	v30 =	vld [tilespmem:s26+$0x20];
	v13 =	vmax.f32 v16, $0.0e+00;
	v19 =	vmul.f32 $-1.442695020e+00, v19;
	(erf) = vpow2.f32 v21  }
0x141: {  	v15 =	vmul.f32 $-1.442695020e+00, v15;
	v16 =	vand.u32 $0x7FFFFFFF, v16;
	v21 =	vld [tilespmem:s26+$0x30];
	(erf) = vpow2.f32 v18  }
0x142: {  	v16 =	vmul.f32 $-1.442695020e+00, v16;
	v18 =	vand.u32 $0x7FFFFFFF, v17;
	v23 =	vpop (erf);
	(erf) = vpow2.f32 v19  }
0x143: {  	(erf) = vpow2.f32 v14;
	v22 =	vpop (erf);
	v14 =	vmul.f32 $-1.442695020e+00, v18;
	v18 =	vand.u32 $0x7FFFFFFF, v27  }
0x144: {  	v25 =	vpop (erf);
	(erf) = vpow2.f32 v15;
	v15 =	vmul.f32 $-1.442695020e+00, v18;
	v18 =	vand.u32 $0x7FFFFFFF, v29  }
0x145: {  	v24 =	vpop (erf);
	(erf) = vpow2.f32 v16;
	v16 =	vmul.f32 $-1.442695020e+00, v18;
	v18 =	vand.u32 $0x7FFFFFFF, v30  }
0x146: {  	s28 =	simm.s32 $0x0;
	v26 =	vpop (erf);
	(erf) = vpow2.f32 v14;
	v14 =	vmul.f32 $-1.442695020e+00, v18;
	v18 =	vand.u32 $0x7FFFFFFF, v21  }
0x147: {  	v8 =	vmov s28;
	v28 =	vpop (erf);
	(erf) = vpow2.f32 v15;
	v18 =	vmul.f32 $-1.442695020e+00, v18  }
0x148: {  	v7 =	vor.u32 $0x1, v8;
	v15 =	vmin.f32 v30, $0.0e+00;
	v19 =	vpop (erf);
	(erf) = vpow2.f32 v16  }
0x149: {  	v31 =	vmul.f32 $1.442695020e+00, v15;
	v15 =	vmin.f32 v21, $0.0e+00;
	v20 =	vpop (erf);
	(erf) = vpow2.f32 v14  }
0x14a: {  	v16 =	vmax.f32 v29, $0.0e+00;
	v32 =	vmul.f32 $1.442695020e+00, v15;
	v34 =	vpop (erf);
	(erf) = vpow2.f32 v18  }
0x14b: {  	v14 =	vmax.f32 v17, $0.0e+00;
	v15 =	vmax.f32 v27, $0.0e+00;
	(erf) = vpow2.f32 v31;
	v18 =	vpop (erf)  }
0x14c: {  	v17 =	vmax.f32 v30, $0.0e+00;
	v29 =	vadd.f32 $1.000000000e+00, v34;
	v27 =	vpop (erf);
	(erf) = vpow2.f32 v32  }
0x14d: {  	v41 =	vmul.f32 $5.545931310e-02, v34;
	v36 =	vadd.f32 $1.000000000e+00, v18;
	v42 =	vmul.f32 $5.545931310e-02, v18;
	v30 =	vpop (erf)  }
0x14e: {  	v35 =	vadd.f32 $1.000000000e+00, v27;
	v39 =	vmul.f32 $5.545931310e-02, v27;
	v38 =	vadd.f32 $1.000000000e+00, v30;
	v31 =	vpop (erf)  }
0x14f: {  	v43 =	vmul.f32 $5.545931310e-02, v30;
	v44 =	vadd.f32 $1.000000000e+00, v31;
	v32 =	vpop (erf);
	(erf) = vrcp.f32 v29  }
0x150: {  	v47 =	vmul.f32 $5.545931310e-02, v31;
	v29 =	vadd.f32 $1.000000000e+00, v32;
	v33 =	vpop (erf);
	(erf) = vrcp.f32 v36  }
0x151: {  	v48 =	vmul.f32 $5.545931310e-02, v32;
	v40 =	vadd.f32 $1.000000000e+00, v33;
	(erf) = vrcp.f32 v35;
	v37 =	vpop (erf)  }
0x152: {  	v45 =	vmul.f32 $5.545931310e-02, v33;
	v49 =	vadd.f32 $1.000000000e+00, v37;
	(erf) = vrcp.f32 v38;
	v36 =	vpop (erf)  }
0x153: {  	v46 =	vmul.f32 $5.545931310e-02, v37;
	v50 =	vadd.f32 $1.000000000e+00, v36;
	(erf) = vrcp.f32 v44;
	v35 =	vpop (erf)  }
0x154: {  	s28 =	simm.s32 $0x2;
	v44 =	vmul.f32 $5.545931310e-02, v36;
	v51 =	vadd.f32 $1.000000000e+00, v35;
	(erf) = vrcp.f32 v29;
	v29 =	vpop (erf)  }
.LBB2_6:
0x155: {  	p0 =	sne.s32 s28, $0x4E;
	v38 =	vsub.f32 $2.186654810e-01, v41;
	v41 =	vmul.f32 $5.545931310e-02, v35;
	(erf) = vrcp.f32 v40;
	v40 =	vpop (erf)  }
0x156: {  	v39 =	vsub.f32 $2.186654810e-01, v39;
	v42 =	vsub.f32 $2.186654810e-01, v42;
	(erf) = vrcp.f32 v49  }
0x157: {  	v43 =	vsub.f32 $2.186654810e-01, v43;
	v47 =	vsub.f32 $2.186654810e-01, v47;
	(erf) = vrcp.f32 v50  }
0x158: {  	v48 =	vsub.f32 $2.186654810e-01, v48;
	v45 =	vsub.f32 $2.186654810e-01, v45;
	v49 =	vpop (erf);
	(erf) = vrcp.f32 v51  }
0x159: {  	v46 =	vsub.f32 $2.186654810e-01, v46;
	v38 =	vmul.f32 v38, v34;
	v42 =	vmul.f32 v42, v18;
	v50 =	vpop (erf)  }
0x15a: {  	v44 =	vsub.f32 $2.186654810e-01, v44;
	v39 =	vmul.f32 v39, v27;
	v43 =	vmul.f32 v43, v30;
	v51 =	vpop (erf)  }
0x15b: {  	v47 =	vmul.f32 v47, v31;
	v48 =	vmul.f32 v48, v32;
	v41 =	vsub.f32 $2.186654810e-01, v41;
	v52 =	vpop (erf)  }
0x15c: {  	v45 =	vmul.f32 v45, v33;
	v46 =	vmul.f32 v46, v37;
	v38 =	vadd.f32 $-4.664424360e-01, v38;
	v53 =	vpop (erf)  }
0x15d: {  	v44 =	vmul.f32 v44, v36;
	v39 =	vadd.f32 $-4.664424360e-01, v39;
	v42 =	vadd.f32 $-4.664424360e-01, v42;
	v54 =	vpop (erf)  }
0x15e: {  	v43 =	vadd.f32 $-4.664424360e-01, v43;
	v47 =	vadd.f32 $-4.664424360e-01, v47;
	v41 =	vmul.f32 v41, v35;
	v55 =	vpop (erf)  }
0x15f: {  	v48 =	vadd.f32 $-4.664424360e-01, v48;
	v45 =	vadd.f32 $-4.664424360e-01, v45;
	v38 =	vmul.f32 v38, v34;
	v56 =	vpop (erf)  }
0x160: {  	v46 =	vadd.f32 $-4.664424360e-01, v46;
	v39 =	vmul.f32 v39, v27;
	v42 =	vmul.f32 v42, v18;
	v57 =	vpop (erf)  }
0x161: {  	v44 =	vadd.f32 $-4.664424360e-01, v44;
	v43 =	vmul.f32 v43, v30;
	v47 =	vmul.f32 v47, v31;
	v58 =	vpop (erf)  }
0x162: {  	v48 =	vmul.f32 v48, v32;
	v45 =	vmul.f32 v45, v33;
	v41 =	vadd.f32 $-4.664424360e-01, v41  }
0x163: {  	v21 =	vmax.f32 v21, $0.0e+00;
	v46 =	vmul.f32 v46, v37;
	v44 =	vmul.f32 v44, v36  }
0x164: {  	v38 =	vadd.f32 $9.962619540e-01, v38;
	v41 =	vmul.f32 v41, v35;
	v42 =	vadd.f32 $9.962619540e-01, v42  }
0x165: {  	v23 =	vmul.f32 v49, v23;
	v39 =	vadd.f32 $9.962619540e-01, v39;
	v43 =	vadd.f32 $9.962619540e-01, v43  }
0x166: {  	v22 =	vmul.f32 v50, v22;
	v25 =	vmul.f32 v51, v25;
	v47 =	vadd.f32 $9.962619540e-01, v47  }
0x167: {  	v24 =	vmul.f32 v52, v24;
	v26 =	vmul.f32 v53, v26;
	v48 =	vadd.f32 $9.962619540e-01, v48  }
0x168: {  	v28 =	vmul.f32 v54, v28;
	v34 =	vmul.f32 v38, v34;
	v38 =	vadd.f32 $9.962619540e-01, v45  }
0x169: {  	v27 =	vmul.f32 v39, v27;
	v30 =	vmul.f32 v43, v30;
	v39 =	vadd.f32 $9.962619540e-01, v46  }
0x16a: {  	v31 =	vmul.f32 v47, v31;
	v32 =	vmul.f32 v48, v32;
	v43 =	vadd.f32 $9.962619540e-01, v44  }
0x16b: {  	v33 =	vmul.f32 v38, v33;
	v37 =	vmul.f32 v39, v37;
	v38 =	vadd.f32 $9.962619540e-01, v41  }
0x16c: {  	v27 =	vadd.f32 $6.944574120e-05, v27;
	v30 =	vadd.f32 $6.944574120e-05, v30;
	v36 =	vmul.f32 v43, v36  }
0x16d: {  	v31 =	vadd.f32 $6.944574120e-05, v31;
	v32 =	vadd.f32 $6.944574120e-05, v32;
	v35 =	vmul.f32 v38, v35  }
0x16e: {  	v19 =	vmul.f32 v55, v19;
	v33 =	vadd.f32 $6.944574120e-05, v33;
	v37 =	vadd.f32 $6.944574120e-05, v37  }
0x16f: {  	v20 =	vmul.f32 v56, v20;
	v36 =	vadd.f32 $6.944574120e-05, v36;
	v35 =	vadd.f32 $6.944574120e-05, v35  }
0x170: {  	v11 =	vadd.f32 v27, v11;
	v12 =	vadd.f32 v30, v12;
	v27 =	vmul.f32 v57, v29  }
0x171: {  	v13 =	vadd.f32 v31, v13;
	v14 =	vadd.f32 v32, v14;
	v29 =	vmul.f32 v58, v40  }
0x172: {  	v18 =	vmul.f32 v42, v18;
	v15 =	vadd.f32 v33, v15;
	v16 =	vadd.f32 v37, v16  }
0x173: {  	v11 =	vmul.f32 v11, v25;
	v12 =	vmul.f32 v12, v24;
	v17 =	vadd.f32 v36, v17  }
0x174: {  	v13 =	vmul.f32 v13, v26;
	v14 =	vmul.f32 v14, v28;
	v21 =	vadd.f32 v35, v21  }
0x175: {  	v30 =	vmax.f32 v10, $0.0e+00;
	v15 =	vmul.f32 v15, v19;
	v16 =	vmul.f32 v16, v20  }
0x176: {  	s26 =	sadd.s32 $0x100, s26;
	v31 =	vld.idx.msk [tilespmem:v8+s20+$0x0], $0xffff;
	v8 =	vmul.f32 v17, v27;
	v17 =	vmul.f32 v21, v29;
	v21 =	vmax.f32 v9, $0.0e+00  }
0x177: {  	v11 =	vmul.f32 v11, v25;
	v12 =	vmul.f32 v12, v24;
	v24 =	vadd.f32 $6.944574120e-05, v34;
	v10 =	vld [tilespmem:s26+$0xFFFFFFC0]  }
0x178: {  	v18 =	vadd.f32 $6.944574120e-05, v18;
	v13 =	vmul.f32 v13, v26;
	v14 =	vmul.f32 v14, v28;
	v9 =	vld [tilespmem:s26+$0x40]  }
0x179: {  	v24 =	vadd.f32 v24, v30;
	v15 =	vmul.f32 v15, v19;
	v16 =	vmul.f32 v16, v20;
	v25 =	vld [tilespmem:s26+$0xFFFFFF80]  }
0x17a: {  	v18 =	vadd.f32 v18, v21;
	v8 =	vmul.f32 v8, v27;
	v17 =	vmul.f32 v17, v29;
	v19 =	vld [tilespmem:s26+$0xFFFFFF90]  }
0x17b: {  	v11 =	vadd.f32 v12, v11;
	v12 =	vadd.f32 v14, v13;
	v21 =	vmul.f32 v24, v23;
	v20 =	vld [tilespmem:s26+$0xFFFFFFA0]  }
0x17c: {  	v14 =	vadd.f32 v16, v15;
	v13 =	vmul.f32 v18, v22;
	v15 =	vadd.f32 v17, v8;
	v16 =	vld.idx.msk [tilespmem:v7+s20+$0x0], $0xffff  }
0x17d: {  	v8 =	vmov s28;
	v17 =	vmul.f32 v21, v23  }
0x17e: {  	v18 =	vadd.f32 v12, v11;
	v13 =	vmul.f32 v13, v22;
	v14 =	vadd.f32 v15, v14  }
0x17f: {  	v7 =	vor.u32 $0x1, v8;
	v11 =	vmax.f32 v25, $0.0e+00;
	v12 =	vmax.f32 v19, $0.0e+00  }
0x180: {  	v21 =	vmin.f32 v10, $0.0e+00;
	v17 =	vadd.f32 v18, v17;
	v14 =	vadd.f32 v14, v13;
	v15 =	vld [tilespmem:s26+$0xFFFFFFB0]  }
0x181: {  	v18 =	vmul.f32 $1.442695020e+00, v21;
	v21 =	vmin.f32 v9, $0.0e+00;
	v13 =	vmax.f32 v20, $0.0e+00  }
0x182: {  	v22 =	vmin.f32 v25, $0.0e+00;
	v17 =	vmul.f32 v17, v31;
	v14 =	vmul.f32 v14, v16;
	v27 =	vld [tilespmem:s26+$0x0]  }
0x183: {  	v21 =	vmul.f32 $1.442695020e+00, v21;
	v23 =	vmin.f32 v20, $0.0e+00;
	v16 =	vmin.f32 v19, $0.0e+00;
	v29 =	vld [tilespmem:s26+$0x10]  }
0x184: {  	v22 =	vmul.f32 $1.442695020e+00, v22;
	v14 =	vadd.f32 v14, v17;
	(erf) = vpow2.f32 v18  }
0x185: {  	v16 =	vmul.f32 $1.442695020e+00, v16;
	v17 =	vmin.f32 v15, $0.0e+00;
	(erf) = vpow2.f32 v21  }
0x186: {  	v18 =	vmul.f32 $1.442695020e+00, v23;
	v6 =	vadd.f32 v14, v6;
	(erf) = vpow2.f32 v22  }
0x187: {  	v14 =	vmul.f32 $1.442695020e+00, v17;
	v17 =	vmin.f32 v27, $0.0e+00;
	(erf) = vpow2.f32 v16  }
0x188: {  	v16 =	vmul.f32 $1.442695020e+00, v17;
	v17 =	vmin.f32 v29, $0.0e+00;
	(erf) = vpow2.f32 v18  }
0x189: {  	v18 =	vand.u32 $0x7FFFFFFF, v10;
	v17 =	vmul.f32 $1.442695020e+00, v17;
	(erf) = vpow2.f32 v14  }
0x18a: {  	v14 =	vmul.f32 $-1.442695020e+00, v18;
	v18 =	vand.u32 $0x7FFFFFFF, v9;
	(erf) = vpow2.f32 v16  }
0x18b: {  	v16 =	vand.u32 $0x7FFFFFFF, v25;
	v18 =	vmul.f32 $-1.442695020e+00, v18;
	(erf) = vpow2.f32 v17  }
0x18c: {  	v16 =	vmul.f32 $-1.442695020e+00, v16;
	v17 =	vand.u32 $0x7FFFFFFF, v19;
	v30 =	vld [tilespmem:s26+$0x20];
	(erf) = vpow2.f32 v14  }
0x18d: {  	v14 =	vmul.f32 $-1.442695020e+00, v17;
	v17 =	vand.u32 $0x7FFFFFFF, v20;
	v21 =	vld [tilespmem:s26+$0x30];
	v23 =	vpop (erf);
	(erf) = vpow2.f32 v18  }
0x18e: {  	v17 =	vmul.f32 $-1.442695020e+00, v17;
	v18 =	vand.u32 $0x7FFFFFFF, v15;
	(erf) = vpow2.f32 v16;
	v22 =	vpop (erf)  }
0x18f: {  	v16 =	vmul.f32 $-1.442695020e+00, v18;
	v18 =	vand.u32 $0x7FFFFFFF, v27;
	v25 =	vpop (erf);
	(erf) = vpow2.f32 v14  }
0x190: {  	v14 =	vmul.f32 $-1.442695020e+00, v18;
	v18 =	vand.u32 $0x7FFFFFFF, v29;
	v24 =	vpop (erf);
	(erf) = vpow2.f32 v17  }
0x191: {  	v17 =	vmul.f32 $-1.442695020e+00, v18;
	v18 =	vand.u32 $0x7FFFFFFF, v30;
	v26 =	vpop (erf);
	(erf) = vpow2.f32 v16  }
0x192: {  	v16 =	vmul.f32 $-1.442695020e+00, v18;
	v18 =	vand.u32 $0x7FFFFFFF, v21;
	v28 =	vpop (erf);
	(erf) = vpow2.f32 v14  }
0x193: {  	v14 =	vmin.f32 v30, $0.0e+00;
	v32 =	vmul.f32 $-1.442695020e+00, v18;
	v19 =	vpop (erf);
	(erf) = vpow2.f32 v17  }
0x194: {  	v31 =	vmin.f32 v21, $0.0e+00;
	v17 =	vmul.f32 $1.442695020e+00, v14;
	v20 =	vpop (erf);
	(erf) = vpow2.f32 v16  }
0x195: {  	v14 =	vmax.f32 v15, $0.0e+00;
	v31 =	vmul.f32 $1.442695020e+00, v31;
	v34 =	vpop (erf);
	(erf) = vpow2.f32 v32  }
0x196: {  	v15 =	vmax.f32 v27, $0.0e+00;
	v16 =	vmax.f32 v29, $0.0e+00;
	(erf) = vpow2.f32 v17;
	v18 =	vpop (erf)  }
0x197: {  	v29 =	vadd.f32 $1.000000000e+00, v34;
	v17 =	vmax.f32 v30, $0.0e+00;
	v27 =	vpop (erf);
	(erf) = vpow2.f32 v31  }
0x198: {  	v41 =	vmul.f32 $5.545931310e-02, v34;
	v36 =	vadd.f32 $1.000000000e+00, v18;
	v35 =	vadd.f32 $1.000000000e+00, v27;
	v30 =	vpop (erf)  }
0x199: {  	v42 =	vmul.f32 $5.545931310e-02, v18;
	v39 =	vmul.f32 $5.545931310e-02, v27;
	v38 =	vadd.f32 $1.000000000e+00, v30;
	v31 =	vpop (erf)  }
0x19a: {  	v43 =	vmul.f32 $5.545931310e-02, v30;
	v44 =	vadd.f32 $1.000000000e+00, v31;
	v32 =	vpop (erf);
	(erf) = vrcp.f32 v29  }
.Ltmp6:
0x19b: {  	v47 =	vmul.f32 $5.545931310e-02, v31;
	v29 =	vadd.f32 $1.000000000e+00, v32;
	v33 =	vpop (erf);
	(erf) = vrcp.f32 v36;
	(pc) =	sbr.rel @p0 .LBB2_6-.Ltmp6, $4  }
0x19c: {  	v48 =	vmul.f32 $5.545931310e-02, v32;
	v40 =	vadd.f32 $1.000000000e+00, v33;
	(erf) = vrcp.f32 v35;
	v37 =	vpop (erf)  }
0x19d: {  	v45 =	vmul.f32 $5.545931310e-02, v33;
	v49 =	vadd.f32 $1.000000000e+00, v37;
	(erf) = vrcp.f32 v38;
	v36 =	vpop (erf)  }
0x19e: {  	v46 =	vmul.f32 $5.545931310e-02, v37;
	v50 =	vadd.f32 $1.000000000e+00, v36;
	(erf) = vrcp.f32 v44;
	v35 =	vpop (erf)  }
0x19f: {  	s28 =	sadd.s32 $0x2, s28;
	v44 =	vmul.f32 $5.545931310e-02, v36;
	v51 =	vadd.f32 $1.000000000e+00, v35;
	(erf) = vrcp.f32 v29;
	v29 =	vpop (erf)  }
0x1a0: {  	v38 =	vld [tilespmem:$0x5080];
	_ =	sdelay $0x4  }
0x1a1: {  	vm1 =	vlt.u32 v38, $0x50  }
0x1a2: {  	v38 =	vnsel vm1, $0x0, v38  }
0x1a3: {  	v38 =	vadd.s32 v0, v38;
	_ =	sdelay $0x4  }
0x1a4: {  	v38 =	vld.idx.msk [tilespmem:v38+s21+$0x0], $0xffff;
	_ =	sdelay $0x2  }
0x1a5: {  	v52 =	vld [tilespmem:$0x5090]  }
0x1a6: {  	(erf) = vrcp.f32 v40;
	v41 =	vsub.f32 $2.186654810e-01, v41;
	v60 =	vmul.f32 $5.545931310e-02, v35  }
0x1a7: {  	v39 =	vsub.f32 $2.186654810e-01, v39;
	(erf) = vrcp.f32 v49;
	v61 =	vand.u32 $0x7FFFFFFF, v38  }
0x1a8: {  	v40 =	vpop (erf);
	v42 =	vsub.f32 $2.186654810e-01, v42;
	(erf) = vrcp.f32 v50;
	v49 =	vmul.f32 $-1.442695020e+00, v61  }
0x1a9: {  	v43 =	vsub.f32 $2.186654810e-01, v43;
	v47 =	vsub.f32 $2.186654810e-01, v47;
	v62 =	vpop (erf);
	(erf) = vrcp.f32 v51  }
0x1aa: {  	v48 =	vsub.f32 $2.186654810e-01, v48;
	v63 =	vpop (erf);
	vm0 =	vlt.u32 v52, $0x50;
	(erf) = vpow2.f32 v49  }
0x1ab: {  	v45 =	vsub.f32 $2.186654810e-01, v45;
	v46 =	vsub.f32 $2.186654810e-01, v46;
	v53 =	vpop (erf);
	v52 =	vnsel vm0, $0x0, v52  }
0x1ac: {  	v41 =	vmul.f32 v41, v34;
	v42 =	vmul.f32 v42, v18;
	v54 =	vpop (erf);
	v52 =	vadd.s32 v2, v52  }
0x1ad: {  	v10 =	vmax.f32 v10, $0.0e+00;
	v56 =	vmul.f32 v39, v27;
	v43 =	vmul.f32 v43, v30;
	v55 =	vpop (erf)  }
0x1ae: {  	v44 =	vsub.f32 $2.186654810e-01, v44;
	v47 =	vmul.f32 v47, v31;
	v48 =	vmul.f32 v48, v32;
	v57 =	vpop (erf)  }
0x1af: {  	v45 =	vmul.f32 v45, v33;
	v46 =	vmul.f32 v46, v37;
	v41 =	vadd.f32 $-4.664424360e-01, v41;
	v50 =	vpop (erf)  }
0x1b0: {  	v39 =	vmul.f32 v62, v23;
	v42 =	vadd.f32 $-4.664424360e-01, v42;
	v25 =	vmul.f32 v53, v25;
	v53 =	vpop (erf)  }
0x1b1: {  	v47 =	vadd.f32 $-4.664424360e-01, v47;
	v23 =	vmul.f32 v63, v22;
	v41 =	vmul.f32 v41, v34;
	v51 =	vpop (erf);
	v22 =	vld.idx.msk [tilespmem:v52+s21+$0x0], $0xffff  }
0x1b2: {  	v44 =	vmul.f32 v44, v36;
	v48 =	vadd.f32 $-4.664424360e-01, v48;
	v45 =	vadd.f32 $-4.664424360e-01, v45;
	v58 =	vpop (erf)  }
0x1b3: {  	v54 =	vmul.f32 v54, v24;
	v41 =	vadd.f32 $9.962619540e-01, v41;
	v28 =	vmul.f32 v57, v28;
	v57 =	vld [tilespmem:$0x50A0];
	v24 =	vpop (erf)  }
0x1b4: {  	v46 =	vadd.f32 $-4.664424360e-01, v46;
	v62 =	vmin.f32 v38, $0.0e+00;
	v61 =	vadd.f32 $1.000000000e+00, v24  }
0x1b5: {  	v63 =	vadd.f32 $-4.664424360e-01, v56;
	v34 =	vmul.f32 v41, v34;
	v41 =	vmul.f32 $1.442695020e+00, v62  }
0x1b6: {  	v42 =	vmul.f32 v42, v18;
	v59 =	vand.u32 $0x7FFFFFFF, v22;
	(erf) = vrcp.f32 v61  }
0x1b7: {  	v44 =	vadd.f32 $-4.664424360e-01, v44;
	(erf) = vpow2.f32 v41;
	v41 =	vmul.f32 $-1.442695020e+00, v59  }
0x1b8: {  	v48 =	vmul.f32 v48, v32;
	v45 =	vmul.f32 v45, v33;
	vm2 =	vlt.u32 v57, $0x50  }
0x1b9: {  	v46 =	vmul.f32 v46, v37;
	v62 =	vnsel vm2, $0x0, v57;
	(erf) = vpow2.f32 v41  }
0x1ba: {  	v49 =	vsub.f32 $2.186654810e-01, v60;
	v61 =	vmul.f32 v47, v31;
	v47 =	vadd.s32 v3, v62  }
0x1bb: {  	v43 =	vadd.f32 $-4.664424360e-01, v43;
	v44 =	vmul.f32 v44, v36;
	v26 =	vmul.f32 v55, v26  }
0x1bc: {  	v9 =	vmax.f32 v9, $0.0e+00;
	v55 =	vmul.f32 v63, v27;
	v49 =	vmul.f32 v49, v35  }
0x1bd: {  	v48 =	vadd.f32 $9.962619540e-01, v48;
	v45 =	vadd.f32 $9.962619540e-01, v45;
	v60 =	vmul.f32 v43, v30  }
0x1be: {  	v63 =	vadd.f32 $9.962619540e-01, v55;
	v55 =	vmax.f32 v21, $0.0e+00;
	v49 =	vadd.f32 $-4.664424360e-01, v49  }
0x1bf: {  	v32 =	vmul.f32 v48, v32;
	v33 =	vmul.f32 v45, v33;
	v57 =	vadd.f32 $9.962619540e-01, v60;
	v21 =	vld.idx.msk [tilespmem:v47+s21+$0x0], $0xffff  }
0x1c0: {  	v60 =	vmul.f32 v49, v35;
	v49 =	vadd.f32 $9.962619540e-01, v44;
	v59 =	vadd.f32 $9.962619540e-01, v61;
	v44 =	vpop (erf)  }
0x1c1: {  	v56 =	vld [tilespmem:$0x50B0];
	v46 =	vadd.f32 $9.962619540e-01, v46;
	v19 =	vmul.f32 v50, v19;
	v62 =	vmul.f32 v57, v30;
	v45 =	vpop (erf)  }
0x1c2: {  	v43 =	vadd.f32 $9.962619540e-01, v60;
	v61 =	vmul.f32 v63, v27;
	v63 =	vmul.f32 v59, v31;
	v41 =	vpop (erf)  }
0x1c3: {  	v60 =	vmin.f32 v22, $0.0e+00;
	v30 =	vadd.f32 $6.944574120e-05, v62;
	v59 =	vadd.f32 $1.000000000e+00, v41  }
0x1c4: {  	v62 =	vmul.f32 $1.442695020e+00, v60;
	v31 =	vadd.f32 $6.944574120e-05, v63;
	v63 =	vand.u32 $0x7FFFFFFF, v21  }
0x1c5: {  	v42 =	vadd.f32 $9.962619540e-01, v42;
	v48 =	vmul.f32 $-1.442695020e+00, v63;
	(erf) = vrcp.f32 v59  }
0x1c6: {  	vm3 =	vlt.u32 v56, $0x50;
	v52 =	vmul.f32 v46, v37;
	(erf) = vpow2.f32 v62  }
0x1c7: {  	v57 =	vmul.f32 v49, v36;
	v49 =	vnsel vm3, $0x0, v56;
	(erf) = vpow2.f32 v48  }
0x1c8: {  	v27 =	vadd.f32 $6.944574120e-05, v61;
	v61 =	vmul.f32 v43, v35;
	v43 =	vadd.s32 v4, v49  }
0x1c9: {  	v20 =	vmul.f32 v53, v20;
	v32 =	vadd.f32 $6.944574120e-05, v32;
	v33 =	vadd.f32 $6.944574120e-05, v33  }
0x1ca: {  	v50 =	vmul.f32 v51, v29;
	v34 =	vadd.f32 $6.944574120e-05, v34;
	v37 =	vadd.f32 $6.944574120e-05, v52  }
0x1cb: {  	v51 =	vmul.f32 v58, v40;
	v35 =	vadd.f32 $6.944574120e-05, v61;
	v11 =	vadd.f32 v27, v11  }
0x1cc: {  	v14 =	vadd.f32 v32, v14;
	v15 =	vadd.f32 v33, v15;
	v52 =	vmul.f32 v42, v18  }
0x1cd: {  	v10 =	vadd.f32 v34, v10;
	v16 =	vadd.f32 v37, v16;
	v53 =	vmul.f32 v11, v25;
	v11 =	vld.idx.msk [tilespmem:v43+s21+$0x0], $0xffff  }
0x1ce: {  	v58 =	vld [tilespmem:$0x50C0];
	v14 =	vmul.f32 v14, v28;
	v36 =	vadd.f32 $6.944574120e-05, v57;
	v57 =	vmul.f32 $5.545931310e-02, v24;
	v33 =	vpop (erf)  }
0x1cf: {  	v15 =	vmul.f32 v15, v19;
	v18 =	vadd.f32 $6.944574120e-05, v52;
	v56 =	vadd.f32 v35, v55;
	v35 =	vpop (erf)  }
0x1d0: {  	v10 =	vmul.f32 v10, v39;
	v16 =	vmul.f32 v16, v20;
	v32 =	vsub.f32 $2.186654810e-01, v57;
	v37 =	vpop (erf)  }
0x1d1: {  	v14 =	vmul.f32 v14, v28;
	v60 =	vmin.f32 v21, $0.0e+00;
	v59 =	vadd.f32 $1.000000000e+00, v37  }
0x1d2: {  	v32 =	vmul.f32 v32, v24;
	v40 =	vmul.f32 $1.442695020e+00, v60;
	v61 =	vand.u32 $0x7FFFFFFF, v11  }
0x1d3: {  	vm4 =	vlt.u32 v58, $0x50;
	v62 =	vmul.f32 $-1.442695020e+00, v61;
	(erf) = vrcp.f32 v59  }
0x1d4: {  	v12 =	vadd.f32 v30, v12;
	v32 =	vadd.f32 $-4.664424360e-01, v32;
	(erf) = vpow2.f32 v40  }
0x1d5: {  	v13 =	vadd.f32 v31, v13;
	v63 =	vnsel vm4, $0x0, v58;
	(erf) = vpow2.f32 v62  }
0x1d6: {  	v15 =	vmul.f32 v15, v19;
	v32 =	vmul.f32 v32, v24;
	v30 =	vadd.s32 v5, v63  }
0x1d7: {  	v9 =	vadd.f32 v18, v9;
	v12 =	vmul.f32 v12, v54;
	v13 =	vmul.f32 v13, v26  }
0x1d8: {  	v25 =	vmul.f32 v53, v25;
	v32 =	vadd.f32 $9.962619540e-01, v32;
	v42 =	vmul.f32 $5.545931310e-02, v41  }
0x1d9: {  	v10 =	vmul.f32 v10, v39;
	v17 =	vadd.f32 v36, v17;
	v13 =	vmul.f32 v13, v26  }
0x1da: {  	v12 =	vmul.f32 v12, v54;
	v19 =	vmul.f32 v32, v24;
	v24 =	vsub.f32 $2.186654810e-01, v42  }
0x1db: {  	v16 =	vmul.f32 v16, v20;
	v9 =	vmul.f32 v9, v23;
	v13 =	vadd.f32 v14, v13;
	v14 =	vld.idx.msk [tilespmem:v30+s21+$0x0], $0xffff  }
0x1dc: {  	v17 =	vmul.f32 v17, v50;
	v12 =	vadd.f32 v12, v25;
	v24 =	vmul.f32 v24, v41;
	v25 =	vpop (erf)  }
0x1dd: {  	v15 =	vadd.f32 v16, v15;
	v9 =	vmul.f32 v9, v23;
	v31 =	vmul.f32 v56, v51;
	v26 =	vpop (erf)  }
0x1de: {  	v17 =	vmul.f32 v17, v50;
	v43 =	vmax.f32 v38, $0.0e+00;
	v24 =	vadd.f32 $-4.664424360e-01, v24;
	v47 =	vpop (erf)  }
0x1df: {  	v56 =	vld [tilespmem:$0x5190];
	v36 =	vmul.f32 v31, v51;
	v50 =	vmin.f32 v11, $0.0e+00;
	v49 =	vadd.f32 $1.000000000e+00, v47  }
0x1e0: {  	v30 =	vmul.f32 $1.442695020e+00, v50;
	v24 =	vmul.f32 v24, v41;
	v51 =	vand.u32 $0x7FFFFFFF, v14  }
0x1e1: {  	v8 =	vld.idx.msk [tilespmem:v8+s20+$0x0], $0xffff;
	v17 =	vadd.f32 v36, v17;
	v52 =	vmul.f32 $-1.442695020e+00, v51;
	(erf) = vrcp.f32 v49  }
0x1e2: {  	v7 =	vld.idx.msk [tilespmem:v7+s20+$0x0], $0xffff;
	v46 =	vmul.f32 v44, v45;
	v12 =	vadd.f32 v13, v12;
	(erf) = vpow2.f32 v30  }
0x1e3: {  	v15 =	vadd.f32 v17, v15;
	v55 =	vadd.f32 $9.962619540e-01, v24;
	(erf) = vpow2.f32 v52  }
0x1e4: {  	v60 =	vmax.f32 v22, $0.0e+00;
	v32 =	vmul.f32 v22, v56;
	v53 =	vmul.f32 $5.545931310e-02, v37  }
0x1e5: {  	v10 =	vadd.f32 v12, v10;
	v9 =	vadd.f32 v15, v9;
	v57 =	vmul.f32 v55, v41  }
0x1e6: {  	v19 =	vadd.f32 $6.944574120e-05, v19;
	v50 =	vmax.f32 v11, $0.0e+00;
	v20 =	vsub.f32 $2.186654810e-01, v53;
	v40 =	vld [tilespmem:$0x5180]  }
0x1e7: {  	v8 =	vmul.f32 v10, v8;
	v7 =	vmul.f32 v9, v7;
	v12 =	vadd.f32 $6.944574120e-05, v57  }
0x1e8: {  	v16 =	vadd.f32 v19, v43;
	v43 =	vmax.f32 v21, $0.0e+00;
	v58 =	vmul.f32 v20, v37  }
0x1e9: {  	v7 =	vadd.f32 v7, v8;
	v61 =	vmul.f32 v33, v35;
	v12 =	vadd.f32 v12, v60  }
0x1ea: {  	v42 =	vmin.f32 v14, $0.0e+00;
	v59 =	vadd.f32 $-4.664424360e-01, v58;
	v62 =	vmul.f32 $5.545931310e-02, v47;
	v63 =	vpop (erf)  }
0x1eb: {  	v6 =	vadd.f32 v7, v6;
	v45 =	vmul.f32 v12, v61;
	v48 =	vmul.f32 v38, v40;
	v33 =	vpop (erf)  }
0x1ec: {  	v18 =	vsub.f32 v40, v46;
	v15 =	vmul.f32 v59, v37;
	v35 =	vsub.f32 $2.186654810e-01, v62;
	v36 =	vpop (erf)  }
0x1ed: {  	v28 =	vsub.f32 v16, v48;
	v16 =	vmul.f32 v16, v46;
	v38 =	vmul.f32 $5.545931310e-02, v36  }
0x1ee: {  	v8 =	vmul.f32 v45, v61;
	v15 =	vadd.f32 $9.962619540e-01, v15;
	v39 =	vmul.f32 v35, v47  }
0x1ef: {  	v40 =	vld [tilespmem:$0x51A0];
	v54 =	vmul.f32 v28, v18;
	v16 =	vmul.f32 v16, v46;
	v23 =	vsub.f32 $2.186654810e-01, v38  }
0x1f0: {  	v15 =	vmul.f32 v15, v37;
	v9 =	vadd.f32 $-4.664424360e-01, v39;
	v41 =	vadd.f32 $1.000000000e+00, v36  }
0x1f1: {  	v34 =	vsub.f32 v56, v61;
	v28 =	vmul.f32 $1.442695020e+00, v42;
	v23 =	vmul.f32 v23, v36  }
0x1f2: {  	v53 =	vmax.f32 v14, $0.0e+00;
	v46 =	vld [tilespmem:$0x51B0];
	v9 =	vmul.f32 v9, v47;
	(erf) = vrcp.f32 v41  }
0x1f3: {  	v44 =	vmul.f32 v25, v26;
	(erf) = vpow2.f32 v28;
	v23 =	vadd.f32 $-4.664424360e-01, v23  }
0x1f4: {  	v21 =	vmul.f32 v21, v40;
	v13 =	vmul.f32 v54, v18;
	v9 =	vadd.f32 $9.962619540e-01, v9  }
0x1f5: {  	v15 =	vadd.f32 $6.944574120e-05, v15;
	v17 =	vsub.f32 v40, v44;
	v23 =	vmul.f32 v23, v36  }
0x1f6: {  	v13 =	vsub.f32 v13, v16;
	v16 =	vsub.f32 v12, v32;
	v9 =	vmul.f32 v9, v47  }
0x1f7: {  	v15 =	vadd.f32 v15, v43;
	v49 =	vld [tilespmem:$0x51C0];
	v11 =	vmul.f32 v11, v46;
	v47 =	vadd.f32 $9.962619540e-01, v23  }
0x1f8: {  	v13 =	vnsel vm1, $0x0, v13;
	v16 =	vmul.f32 v16, v34;
	v9 =	vadd.f32 $6.944574120e-05, v9  }
0x1f9: {  	v21 =	vsub.f32 v15, v21;
	v15 =	vmul.f32 v15, v44;
	v10 =	vmul.f32 v47, v36  }
0x1fa: {  	v51 =	vld [tilespmem:$0x5280];
	v7 =	vmul.f32 v16, v34;
	v20 =	vmul.f32 v63, v33;
	v9 =	vadd.f32 v9, v50  }
0x1fb: {  	v48 =	vmul.f32 v21, v17;
	v15 =	vmul.f32 v15, v44;
	v52 =	vpop (erf);
	v10 =	vadd.f32 $6.944574120e-05, v10  }
0x1fc: {  	v14 =	vmul.f32 v14, v49;
	v12 =	vsub.f32 v46, v20;
	v11 =	vsub.f32 v9, v11;
	v54 =	vpop (erf)  }
0x1fd: {  	v55 =	vld [tilespmem:$0x5290];
	v16 =	vmul.f32 v48, v17;
	v17 =	vmul.f32 v52, v54;
	v10 =	vadd.f32 v10, v53  }
0x1fe: {  	v7 =	vsub.f32 v7, v8;
	v9 =	vmul.f32 v9, v20;
	v56 =	vmul.f32 v11, v12  }
0x1ff: {  	v58 =	vld [tilespmem:$0x52A0];
	v57 =	vmul.f32 v13, v51;
	v18 =	vsub.f32 v49, v17;
	v14 =	vsub.f32 v10, v14  }
0x200: {  	v15 =	vsub.f32 v16, v15;
	v9 =	vmul.f32 v9, v20;
	v8 =	vmul.f32 v56, v12  }
0x201: {  	v59 =	vld [tilespmem:$0x52B0];
	v7 =	vnsel vm0, $0x0, v7;
	v10 =	vmul.f32 v10, v17;
	v14 =	vmul.f32 v14, v18  }
0x202: {  	v6 =	vadd.f32 v57, v6;
	v7 =	vmul.f32 v7, v55;
	v15 =	vnsel vm2, $0x0, v15  }
0x203: {  	v60 =	vld [tilespmem:$0x52C0];
	v8 =	vsub.f32 v8, v9;
	v10 =	vmul.f32 v10, v17;
	v61 =	vmul.f32 v14, v18  }
0x204: {  	v6 =	vadd.f32 v7, v6;
	v7 =	vmul.f32 v15, v58  }
0x205: {  	v8 =	vnsel vm3, $0x0, v8;
	v10 =	vsub.f32 v61, v10  }
0x206: {  	v6 =	vadd.f32 v7, v6;
	v7 =	vmul.f32 v8, v59  }
0x207: {  	v63 =	vld [tilespmem:$0x5300];
	v62 =	vnsel vm4, $0x0, v10  }
0x208: {  	v6 =	vadd.f32 v7, v6;
	v7 =	vmul.f32 v62, v60;
	_ =	sdelay $0x1  }
.Ltmp7:
0x209: {  	v6 =	vadd.f32 v7, v6;
	(pc) =	sbr.rel .LBB2_8-.Ltmp7, $3  }
0x20a: {  	_ = 	snop  }
0x20b: {  	v6 =	vadd.f32 v6, v63;
	_ =	sdelay $0x1  }
0x20c: {  	[tilespmem:$0x5300] =	vst v6  }
.LBB2_10:
0x20d: {  	_ =	sfence.sel $0x180000  }
0x20e: {  	[bflag:$0x0] =	sbarrier.arrive $0xFFFF  }
0x20f: {  	p0 =	sne.s32 s3, $0x0;
	_ =	strace $0x90000047  }
0x210: {  	s0 =	sadd.s32 @!p0 $0x100000, s0;
	[bflag:$0x2] =	sbarrier.arrive $0xFFFF  }
0x211: {  	[sflag:s0] =	ssyncadd.tile.s32 @!p0 $0x1;
	_ =	shalt  }
.Lfunc_end2:
_tile_overlayer_lowered:
.L_overlay_start_2:
0x212: {  	(tag) =	ssettag $0x2  }
0x213: {  	s0 =	rddreg [dreg:$0x0];
	s2 =	stileid.u32  }
0x214: {  	s1 =	rddreg [dreg:$0x1];
	p0 =	sne.s32 s2, $0x0  }
0x215: {  	s3 =	rddreg [dreg:$0x2];
	[bflag:$0x3] =	sbarrier.arrive $0xFFFF;
	s2 =	simm.s32 @!p0 $0x1C03  }
0x216: {  	[timem:s3], [sflag:s2] =	dma.local @!p0 [hbm:s0], s1  }
0x217: {  	s0 =	simm.s32 @!p0 $0x3  }
0x218: {  	_ =	swait.ge @!p0 [sflag:s0], s1  }
0x219: {  	s1 =	ssub.s32 @!p0 $0x0, s1;
	[sflag:s0] =	ssyncset.done @!p0 $0x0  }
0x21a: {  	[sflag:s0] =	ssyncadd.s32 @!p0 s1  }
0x21b: {  	[bflag:$0x3] =	sbarrier.arrive $0xFFFF  }
0x21c: {  	_ =	shalt  }

</sc_bundles>
